<compile_context>
chip_gen: v7x
topology: tpu7x:2x2x1
jax: 0.10.2.dev20260603
libtpu: 0.0.44.dev20260713+nightly
codegen_flags: <defaults>
</compile_context>

<pallas_src>
import functools

import jax
import jax.numpy as jnp
from jax import lax
from jax.experimental import pallas as pl
from jax.experimental.pallas import tpu as pltpu
from jax.experimental.pallas import tpu_sc as plsc

N = 10000
E = 320000
D = 128

NC = 2
NS = 16
NW = NC * NS
L = 16

EPT = E // NW
AGG_B = 125
AGG_NB = EPT // AGG_B
DPAD_B = 128
EDG_B = 125
EDG_NB = EPT // EDG_B
N_PAD = 10240
STRIPE = N_PAD // NS
DEG_PAD = 10240
DEG_STRIPE = DEG_PAD // NS

_f32 = jnp.float32


def _dotT(a, w):
    return lax.dot_general(a, w, (((1,), (1,)), ((), ())),
                           preferred_element_type=_f32)



_R = 1000
_GRID = N // _R


def _row_spec():
    return pl.BlockSpec((_R, D), lambda i: (i, 0))


def _w_spec():
    return pl.BlockSpec((D, D), lambda i: (0, 0))


def _b_spec():
    return pl.BlockSpec((1, D), lambda i: (0, 0))


def _col_spec():
    return pl.BlockSpec((_R, 1), lambda i: (i, 0))


def _stage_a1_body(x_ref, wl_ref, a_ref):
    a_ref[...] = _dotT(x_ref[...], wl_ref[...])


def _stage_a1(x, wl):
    return pl.pallas_call(
        _stage_a1_body,
        grid=(_GRID,),
        in_specs=[_row_spec(), _w_spec()],
        out_specs=_row_spec(),
        out_shape=jax.ShapeDtypeStruct((N, D), _f32),
    )(x, wl)


def _stage_a2_body(x_ref, wr_ref, bl_ref, r_ref):
    r_ref[...] = _dotT(x_ref[...], wr_ref[...]) + bl_ref[...]


def _stage_a2(x, wr, bl):
    return pl.pallas_call(
        _stage_a2_body,
        grid=(_GRID,),
        in_specs=[_row_spec(), _w_spec(), _b_spec()],
        out_specs=_row_spec(),
        out_shape=jax.ShapeDtypeStruct((N, D), _f32),
    )(x, wr, bl.reshape(1, D))


def _part_spec(part):
    return pl.BlockSpec((1, _R, D), lambda i, part=part: (part, i, 0))


def _stage_b1_body(sa_ref, sb_ref, inv_ref, r_ref, wl_ref, a_ref):
    h = jnp.maximum((sa_ref[0] + sb_ref[0]) * inv_ref[...] + r_ref[...],
                    0.0)
    a_ref[...] = _dotT(h, wl_ref[...])


def _stage_b1(sp, invd, r, wl):
    return pl.pallas_call(
        _stage_b1_body,
        grid=(_GRID,),
        in_specs=[_part_spec(0), _part_spec(1), _col_spec(), _row_spec(),
                  _w_spec()],
        out_specs=_row_spec(),
        out_shape=jax.ShapeDtypeStruct((N, D), _f32),
    )(sp, sp, invd, r, wl)


def _stage_b2_body(sa_ref, sb_ref, inv_ref, r_ref, wr_ref, bl_ref, r2_ref):
    h = jnp.maximum((sa_ref[0] + sb_ref[0]) * inv_ref[...] + r_ref[...],
                    0.0)
    r2_ref[...] = _dotT(h, wr_ref[...]) + bl_ref[...]


def _stage_b2(sp, invd, r, wr, bl):
    return pl.pallas_call(
        _stage_b2_body,
        grid=(_GRID,),
        in_specs=[_part_spec(0), _part_spec(1), _col_spec(), _row_spec(),
                  _w_spec(), _b_spec()],
        out_specs=_row_spec(),
        out_shape=jax.ShapeDtypeStruct((N, D), _f32),
    )(sp, sp, invd, r, wr, bl.reshape(1, D))


def _stage_c_body(sa_ref, sb_ref, inv_ref, r_ref, w1_ref, b1_ref, w2_ref,
                  b2_ref, wa_ref, wb_ref, eb1_ref, p_ref, q_ref):
    h2 = jnp.maximum((sa_ref[0] + sb_ref[0]) * inv_ref[...] + r_ref[...],
                     0.0)
    t = jnp.maximum(_dotT(h2, w1_ref[...]) + b1_ref[...], 0.0)
    h = _dotT(t, w2_ref[...]) + b2_ref[...]
    p_ref[...] = _dotT(h, wa_ref[...]) + eb1_ref[...]
    q_ref[...] = _dotT(h, wb_ref[...])


def _stage_c(sp, invd, r, pm_w1, pm_b1, pm_w2, pm_b2, w1a, w1b, ep_b1):
    return pl.pallas_call(
        _stage_c_body,
        grid=(_GRID,),
        in_specs=[_part_spec(0), _part_spec(1), _col_spec(), _row_spec(),
                  _w_spec(), _b_spec(), _w_spec(), _b_spec(),
                  _w_spec(), _w_spec(), _b_spec()],
        out_specs=[_row_spec(), _row_spec()],
        out_shape=[jax.ShapeDtypeStruct((N, D), _f32)] * 2,
    )(sp, sp, invd, r, pm_w1, pm_b1.reshape(1, D), pm_w2,
      pm_b2.reshape(1, D), w1a, w1b, ep_b1.reshape(1, D))



_SC_MESH = dict(core_axis_name="c", subcore_axis_name="s")


def _agg_deg_kernel(a_hbm, src_hbm, dst_hbm, znd_hbm, zdeg_hbm,
                    out_hbm, deg_hbm,
                    sidx, db0, db1, buf0, buf1, ones, table, degtab,
                    gsem, ssem, dsem0, dsem1):
    c = lax.axis_index("c")
    s = lax.axis_index("s")
    wid = s * NC + c
    pltpu.sync_copy(src_hbm.at[wid], sidx)
    pltpu.sync_copy(dst_hbm.at[wid, 0], db0)
    pltpu.sync_copy(dst_hbm.at[wid, 1], db1)
    pltpu.sync_copy(znd_hbm.at[pl.ds(s * STRIPE, STRIPE)],
                    table.at[pl.ds(s * STRIPE, STRIPE)])
    pltpu.sync_copy(zdeg_hbm.at[pl.ds(s * DEG_STRIPE, DEG_STRIPE)],
                    degtab.at[pl.ds(s * DEG_STRIPE, DEG_STRIPE)])
    one = jnp.full((L,), 1.0, _f32)
    for off in range(0, AGG_B - L + 1, L):
        ones[pl.ds(off, L)] = one
    ones[pl.ds(AGG_B - L, L)] = one
    plsc.subcore_barrier()
    pltpu.async_copy(a_hbm.at[sidx.at[0]], buf0, gsem)

    def body(i, carry):
        j = 2 * i
        pltpu.async_copy(a_hbm.at[sidx.at[j + 1]], buf1, ssem)
        pltpu.make_async_copy(a_hbm.at[sidx.at[0]], buf0, gsem).wait()

        @pl.when(j > 0)
        def _():
            pltpu.make_async_copy(dst_hbm.at[wid, 0], db0, dsem0).wait()

        d0 = db0.at[pl.ds(0, AGG_B)]
        pltpu.sync_copy(buf0, table.at[d0], add=True)
        pltpu.sync_copy(ones, degtab.at[d0], add=True)

        @pl.when(j + 2 < AGG_NB)
        def _():
            pltpu.async_copy(dst_hbm.at[wid, j + 2], db0, dsem0)
            pltpu.async_copy(a_hbm.at[sidx.at[j + 2]], buf0, gsem)

        pltpu.make_async_copy(a_hbm.at[sidx.at[0]], buf1, ssem).wait()

        @pl.when(j > 0)
        def _():
            pltpu.make_async_copy(dst_hbm.at[wid, 0], db1, dsem1).wait()

        d1 = db1.at[pl.ds(0, AGG_B)]
        pltpu.sync_copy(buf1, table.at[d1], add=True)
        pltpu.sync_copy(ones, degtab.at[d1], add=True)

        @pl.when(j + 3 < AGG_NB)
        def _():
            pltpu.async_copy(dst_hbm.at[wid, j + 3], db1, dsem1)

        return carry

    lax.fori_loop(0, AGG_NB // 2, body, 0)
    plsc.subcore_barrier()
    pltpu.sync_copy(table.at[pl.ds(s * STRIPE, STRIPE)],
                    out_hbm.at[c, pl.ds(s * STRIPE, STRIPE)])
    pltpu.sync_copy(degtab.at[pl.ds(s * DEG_STRIPE, DEG_STRIPE)],
                    deg_hbm.at[c, pl.ds(s * DEG_STRIPE, DEG_STRIPE)])


def _agg_kernel(a_hbm, src_hbm, dst_hbm, znd_hbm,
                out_hbm,
                sidx, db0, db1, buf0, buf1, table,
                gsem, ssem, dsem0, dsem1):
    c = lax.axis_index("c")
    s = lax.axis_index("s")
    wid = s * NC + c
    pltpu.sync_copy(src_hbm.at[wid], sidx)
    pltpu.sync_copy(dst_hbm.at[wid, 0], db0)
    pltpu.sync_copy(dst_hbm.at[wid, 1], db1)
    pltpu.sync_copy(znd_hbm.at[pl.ds(s * STRIPE, STRIPE)],
                    table.at[pl.ds(s * STRIPE, STRIPE)])
    plsc.subcore_barrier()
    pltpu.async_copy(a_hbm.at[sidx.at[0]], buf0, gsem)

    def body(i, carry):
        j = 2 * i
        pltpu.async_copy(a_hbm.at[sidx.at[j + 1]], buf1, ssem)
        pltpu.make_async_copy(a_hbm.at[sidx.at[0]], buf0, gsem).wait()

        @pl.when(j > 0)
        def _():
            pltpu.make_async_copy(dst_hbm.at[wid, 0], db0, dsem0).wait()

        pltpu.sync_copy(buf0, table.at[db0.at[pl.ds(0, AGG_B)]], add=True)

        @pl.when(j + 2 < AGG_NB)
        def _():
            pltpu.async_copy(dst_hbm.at[wid, j + 2], db0, dsem0)
            pltpu.async_copy(a_hbm.at[sidx.at[j + 2]], buf0, gsem)

        pltpu.make_async_copy(a_hbm.at[sidx.at[0]], buf1, ssem).wait()

        @pl.when(j > 0)
        def _():
            pltpu.make_async_copy(dst_hbm.at[wid, 0], db1, dsem1).wait()

        pltpu.sync_copy(buf1, table.at[db1.at[pl.ds(0, AGG_B)]], add=True)

        @pl.when(j + 3 < AGG_NB)
        def _():
            pltpu.async_copy(dst_hbm.at[wid, j + 3], db1, dsem1)

        return carry

    lax.fori_loop(0, AGG_NB // 2, body, 0)
    plsc.subcore_barrier()
    pltpu.sync_copy(table.at[pl.ds(s * STRIPE, STRIPE)],
                    out_hbm.at[c, pl.ds(s * STRIPE, STRIPE)])


def _segment_mean_parts(a, src3, dst3, znd, zdeg, with_deg):
    if with_deg:
        out_type = [jax.ShapeDtypeStruct((NC, N_PAD, D), _f32),
                    jax.ShapeDtypeStruct((NC, DEG_PAD), _f32)]
        scratch = ([pltpu.VMEM((AGG_NB, AGG_B), jnp.int32)]
                   + [pltpu.VMEM((DPAD_B,), jnp.int32)] * 2
                   + [pltpu.VMEM((AGG_B, D), _f32)] * 2
                   + [pltpu.VMEM((AGG_B,), _f32),
                      pltpu.VMEM_SHARED((N_PAD, D), _f32),
                      pltpu.VMEM_SHARED((DEG_PAD,), _f32)]
                   + [pltpu.SemaphoreType.DMA] * 4)
        fn = pl.kernel(_agg_deg_kernel, out_type=out_type,
                       mesh=plsc.VectorSubcoreMesh(**_SC_MESH),
                       scratch_types=scratch)
        return fn(a, src3, dst3, znd, zdeg)
    out_type = [jax.ShapeDtypeStruct((NC, N_PAD, D), _f32)]
    scratch = ([pltpu.VMEM((AGG_NB, AGG_B), jnp.int32)]
               + [pltpu.VMEM((DPAD_B,), jnp.int32)] * 2
               + [pltpu.VMEM((AGG_B, D), _f32)] * 2
               + [pltpu.VMEM_SHARED((N_PAD, D), _f32)]
               + [pltpu.SemaphoreType.DMA] * 4)
    fn = pl.kernel(_agg_kernel, out_type=out_type,
                   mesh=plsc.VectorSubcoreMesh(**_SC_MESH),
                   scratch_types=scratch)
    return fn(a, src3, dst3, znd)



def _edge_kernel(p_hbm, q_hbm, pi_hbm, qi_hbm, w2_hbm,
                 y_hbm,
                 pidx, qidx, bufp0, bufq0, bufp1, bufq1, scr0, scr1, w2v,
                 semA, semB, semY):
    c = lax.axis_index("c")
    s = lax.axis_index("s")
    wid = s * NC + c
    pltpu.sync_copy(pi_hbm.at[wid], pidx)
    pltpu.sync_copy(qi_hbm.at[wid], qidx)
    pltpu.sync_copy(w2_hbm, w2v)
    zero = jnp.zeros((L,), _f32)

    def fire(j, bp, bq, sem):
        pltpu.async_copy(p_hbm.at[pidx.at[j]], bp, sem)
        pltpu.async_copy(q_hbm.at[qidx.at[j]], bq, sem)

    def drain(bp, bq, sem):
        pltpu.make_async_copy(p_hbm.at[pidx.at[0]], bp, sem).wait()
        pltpu.make_async_copy(q_hbm.at[qidx.at[0]], bq, sem).wait()

    def compute(j, bp, bq, scr):
        def edge(e, cc):
            acc = zero
            for ch in range(D // L):
                sl = pl.ds(ch * L, L)
                t = jnp.maximum(bp[e, sl] + bq[e, sl], 0.0)
                acc = acc + t * w2v[sl]
            scr[e] = acc
            return cc

        lax.fori_loop(0, EDG_B, edge, 0)
        pltpu.async_copy(scr, y_hbm.at[wid, j], semY)

    fire(0, bufp0, bufq0, semA)

    def body(i, carry):
        j = 2 * i
        fire(j + 1, bufp1, bufq1, semB)
        drain(bufp0, bufq0, semA)
        compute(j, bufp0, bufq0, scr0)

        @pl.when(j + 2 < EDG_NB)
        def _():
            fire(j + 2, bufp0, bufq0, semA)

        drain(bufp1, bufq1, semB)
        compute(j + 1, bufp1, bufq1, scr1)
        pltpu.make_async_copy(scr0, y_hbm.at[wid, 0], semY).wait()
        pltpu.make_async_copy(scr1, y_hbm.at[wid, 0], semY).wait()
        return carry

    lax.fori_loop(0, EDG_NB // 2, body, 0)


def _edge_predict(p, q, pi3, qi3, w2):
    scratch = ([pltpu.VMEM((EDG_NB, EDG_B), jnp.int32)] * 2
               + [pltpu.VMEM((EDG_B, D), _f32)] * 4
               + [pltpu.VMEM((EDG_B, L), _f32)] * 2
               + [pltpu.VMEM((D,), _f32),
                  pltpu.SemaphoreType.DMA, pltpu.SemaphoreType.DMA,
                  pltpu.SemaphoreType.DMA])
    fn = pl.kernel(_edge_kernel,
                   out_type=jax.ShapeDtypeStruct((NW, EDG_NB, EDG_B, L), _f32),
                   mesh=plsc.VectorSubcoreMesh(**_SC_MESH),
                   scratch_types=scratch)
    return fn(p, q, pi3, qi3, w2)



_ZR = 4000
_ZROWS = E * L // D


def _fold_body(z_ref, b_ref, y_ref):
    row = lax.broadcasted_iota(jnp.int32, (D, 8), 0) // L
    col = lax.broadcasted_iota(jnp.int32, (D, 8), 1)
    sel = (row == col).astype(_f32)
    y_ref[...] = lax.dot_general(z_ref[...], sel,
                                 (((1,), (0,)), ((), ())),
                                 preferred_element_type=_f32) + b_ref[...]


def _lane_fold(z, b2):
    return pl.pallas_call(
        _fold_body,
        grid=(_ZROWS // _ZR,),
        in_specs=[pl.BlockSpec((_ZR, D), lambda i: (i, 0)),
                  pl.BlockSpec((1, 8), lambda i: (0, 0))],
        out_specs=pl.BlockSpec((_ZR, 8), lambda i: (i, 0)),
        out_shape=jax.ShapeDtypeStruct((_ZROWS, 8), _f32),
    )(z, b2)



def kernel(x, edge_attr, edge_index, predict_edge_index,
           c1_Wl, c1_bl, c1_Wr, c2_Wl, c2_bl, c2_Wr,
           pm_W1, pm_b1, pm_W2, pm_b2,
           ep_W1, ep_b1, ep_W2, ep_b2):
    del edge_attr
    src3 = edge_index[0].reshape(NW, AGG_NB, AGG_B)
    dst3 = jnp.pad(edge_index[1].reshape(NW, AGG_NB, AGG_B),
                   ((0, 0), (0, 0), (0, DPAD_B - AGG_B)))
    pi3 = predict_edge_index[0].reshape(NW, EDG_NB, EDG_B)
    qi3 = predict_edge_index[1].reshape(NW, EDG_NB, EDG_B)
    znd = jnp.zeros((N_PAD, D), _f32)
    zdeg = jnp.zeros((DEG_PAD,), _f32)

    a1 = _stage_a1(x, c1_Wl)
    s1p, degp = _segment_mean_parts(a1, src3, dst3, znd, zdeg, True)
    r1 = _stage_a2(x, c1_Wr, c1_bl)
    deg = (degp[0] + degp[1])[:N]
    invd = (1.0 / jnp.clip(deg, 1.0, None)).reshape(N, 1)

    a2 = _stage_b1(s1p, invd, r1, c2_Wl)
    s2p = _segment_mean_parts(a2, src3, dst3, znd, None, False)[0]
    r2 = _stage_b2(s1p, invd, r1, c2_Wr, c2_bl)

    w1a = ep_W1[:, :D]
    w1b = ep_W1[:, D:]
    p, q = _stage_c(s2p, invd, r2, pm_W1, pm_b1, pm_W2, pm_b2,
                    w1a, w1b, ep_b1)

    y16 = _edge_predict(p, q, pi3, qi3, ep_W2.reshape(D))
    b2 = jnp.broadcast_to(ep_b2.reshape(1, 1), (1, 8))
    y = _lane_fold(y16.reshape(_ZROWS, D), b2)
    return y.reshape(E, 1)

# --- scband reference (transcript-rebuilt; emitter-appended) ---
"""Pipeline reference for scband-gnnstack-412316860635 (READ-ONLY COPY).

The authoritative reference and input builder live on the scoring server;
editing this copy changes nothing except your own understanding.
"""

import jax, jax.numpy as jnp
import numpy as np

N = 10000
E = 320000
D = 128


def setup_inputs(seed: int = 0) -> dict:
    key = jax.random.key(seed)
    ks = jax.random.split(key, 24)
    s = 0.05
    inp = {
        "x": jax.random.normal(ks[0], (N, D), dtype=jnp.float32),
        "edge_attr": jax.random.normal(ks[1], (E, 1), dtype=jnp.float32),
        "edge_index": jax.random.randint(ks[2], (2, E), 0, N, dtype=jnp.int32),
        "predict_edge_index": jax.random.randint(ks[3], (2, E), 0, N, dtype=jnp.int32),
        # SAGEConv layer 1: out = lin_l(mean_agg(x_src->dst)) + lin_r(x)
        "c1_Wl": jax.random.normal(ks[4], (D, D), dtype=jnp.float32) * s,
        "c1_bl": jax.random.normal(ks[5], (D,), dtype=jnp.float32) * s,
        "c1_Wr": jax.random.normal(ks[6], (D, D), dtype=jnp.float32) * s,
        # SAGEConv layer 2
        "c2_Wl": jax.random.normal(ks[7], (D, D), dtype=jnp.float32) * s,
        "c2_bl": jax.random.normal(ks[8], (D,), dtype=jnp.float32) * s,
        "c2_Wr": jax.random.normal(ks[9], (D, D), dtype=jnp.float32) * s,
        # node_post_mlp: Linear(D,D) -> ReLU -> Linear(D,D)
        "pm_W1": jax.random.normal(ks[10], (D, D), dtype=jnp.float32) * s,
        "pm_b1": jax.random.normal(ks[11], (D,), dtype=jnp.float32) * s,
        "pm_W2": jax.random.normal(ks[12], (D, D), dtype=jnp.float32) * s,
        "pm_b2": jax.random.normal(ks[13], (D,), dtype=jnp.float32) * s,
        # edge_predict_mlp (predict_mode=0): Linear(2D,D) -> ReLU -> Linear(D,1)
        "ep_W1": jax.random.normal(ks[14], (D, 2 * D), dtype=jnp.float32) * s,
        "ep_b1": jax.random.normal(ks[15], (D,), dtype=jnp.float32) * s,
        "ep_W2": jax.random.normal(ks[16], (1, D), dtype=jnp.float32) * s,
        "ep_b2": jax.random.normal(ks[17], (1,), dtype=jnp.float32) * s,
    }
    return inp


def reference(x, edge_attr, edge_index, predict_edge_index,
              c1_Wl, c1_bl, c1_Wr, c2_Wl, c2_bl, c2_Wr,
              pm_W1, pm_b1, pm_W2, pm_b2,
              ep_W1, ep_b1, ep_W2, ep_b2):
    src = edge_index[0]
    dst = edge_index[1]

    def sage(h, Wl, bl, Wr):
        msgs = h[src]  # gather source node features per edge
        agg = jax.ops.segment_sum(msgs, dst, num_segments=N)
        deg = jax.ops.segment_sum(jnp.ones((E,), h.dtype), dst, num_segments=N)
        mean = agg / jnp.clip(deg, 1.0, None)[:, None]
        return mean @ Wl.T + bl + h @ Wr.T

    # GNN layers (dropout=0.0, eval-mode => identity)
    h = jax.nn.relu(sage(x, c1_Wl, c1_bl, c1_Wr))
    h = jax.nn.relu(sage(h, c2_Wl, c2_bl, c2_Wr))
    # node_post_mlp
    h = jax.nn.relu(h @ pm_W1.T + pm_b1) @ pm_W2.T + pm_b2
    # predict_edge, predict_mode == 0
    xi = h[predict_edge_index[0]]
    xj = h[predict_edge_index[1]]
    z = jnp.concatenate([xi, xj], axis=-1)
    y = jax.nn.relu(z @ ep_W1.T + ep_b1) @ ep_W2.T + ep_b2
    return y

if __name__ == "__main__":
    import jax
    _d = setup_inputs()
    print(jax.jit(kernel)(*tuple(_d.values())))

</pallas_src>

<mosaic_0001>
#map = affine_map<(d0, d1) -> (0, 0)>
#map1 = affine_map<(d0, d1) -> (0, 0, 0)>
module attributes {stable_mosaic.version = 14 : i64} {
  func.func @_agg_kernel(%arg0: i32, %arg1: i32, %arg2: memref<10000x128xf32, #tpu.memory_space<hbm>>, %arg3: memref<32x80x125xi32, #tpu.memory_space<hbm>>, %arg4: memref<32x80x128xi32, #tpu.memory_space<hbm>>, %arg5: memref<10240x128xf32, #tpu.memory_space<hbm>>, %arg6: memref<2x10240x128xf32, #tpu.memory_space<hbm>>, %arg7: memref<80x125xi32, #tpu.memory_space<vmem>>, %arg8: memref<128xi32, #tpu.memory_space<vmem>>, %arg9: memref<128xi32, #tpu.memory_space<vmem>>, %arg10: memref<125x128xf32, #tpu.memory_space<vmem>>, %arg11: memref<125x128xf32, #tpu.memory_space<vmem>>, %arg12: memref<10240x128xf32, #tpu.memory_space<vmem_shared>>, %arg13: memref<!tpu.dma_semaphore, #tpu.memory_space<semaphore_mem>>, %arg14: memref<!tpu.dma_semaphore, #tpu.memory_space<semaphore_mem>>, %arg15: memref<!tpu.dma_semaphore, #tpu.memory_space<semaphore_mem>>, %arg16: memref<!tpu.dma_semaphore, #tpu.memory_space<semaphore_mem>>) attributes {dimension_semantics = [#tpu.dimension_semantics<core_parallel>, #tpu.dimension_semantics<subcore_parallel>], iteration_bounds = array<i64: 2, 16>, scalar_prefetch = 0 : i64, scratch_operands = 10 : i64, tpu.core_type = #tpu.core_type<sc_vector_subcore>, window_params = [{transform_indices = #map}, {transform_indices = #map1}, {transform_indices = #map1}, {transform_indices = #map}, {transform_indices = #map1}]} {
    %mul3A = arith.constant 2 : i32
    %mul3A_0 = arith.muli %arg1, %mul3A : i32
    %add3A = arith.addi %mul3A_0, %arg0 : i32
    "tpu.region"() ({
      %run_scoped3A_22 = tpu.sem_alloc : memref<!tpu.dma_semaphore, #tpu.memory_space<semaphore_mem>>
      %dma_start3A_23 = arith.constant 0 : i32
      %dma_start3A_24 = arith.constant 0 : i32
      %dma_start3A_25 = tpu.memref_slice %arg3[%add3A, %dma_start3A_23, %dma_start3A_24] : memref<32x80x125xi32, #tpu.memory_space<hbm>> -> memref<1x80x125xi32, #tpu.memory_space<hbm>>
      %dma_start3A_26 = tpu.memref_squeeze %dma_start3A_25 : memref<1x80x125xi32, #tpu.memory_space<hbm>> -> memref<80x125xi32, #tpu.memory_space<hbm>>
      %dma_start3A_27 = arith.constant 0 : i32
      %dma_start3A_28 = arith.constant 0 : i32
      %dma_start3A_29 = tpu.memref_slice %arg3[%add3A, %dma_start3A_27, %dma_start3A_28] : memref<32x80x125xi32, #tpu.memory_space<hbm>> -> memref<1x80x125xi32, #tpu.memory_space<hbm>>
      %dma_start3A_30 = tpu.memref_squeeze %dma_start3A_29 : memref<1x80x125xi32, #tpu.memory_space<hbm>> -> memref<80x125xi32, #tpu.memory_space<hbm>>
      tpu.enqueue_dma source(%dma_start3A_30 : memref<80x125xi32, #tpu.memory_space<hbm>>) target(%arg7 : memref<80x125xi32, #tpu.memory_space<vmem>>) target_semaphore(%run_scoped3A_22 : memref<!tpu.dma_semaphore, #tpu.memory_space<semaphore_mem>>)
      %dma_wait3A = arith.constant 0 : i32
      %dma_wait3A_31 = arith.constant 0 : i32
      %dma_wait3A_32 = tpu.memref_slice %arg3[%add3A, %dma_wait3A, %dma_wait3A_31] : memref<32x80x125xi32, #tpu.memory_space<hbm>> -> memref<1x80x125xi32, #tpu.memory_space<hbm>>
      %dma_wait3A_33 = tpu.memref_squeeze %dma_wait3A_32 : memref<1x80x125xi32, #tpu.memory_space<hbm>> -> memref<80x125xi32, #tpu.memory_space<hbm>>
      %dma_wait3A_34 = arith.constant 0 : i32
      %dma_wait3A_35 = arith.constant 0 : i32
      %dma_wait3A_36 = tpu.memref_slice %arg3[%add3A, %dma_wait3A_34, %dma_wait3A_35] : memref<32x80x125xi32, #tpu.memory_space<hbm>> -> memref<1x80x125xi32, #tpu.memory_space<hbm>>
      %dma_wait3A_37 = tpu.memref_squeeze %dma_wait3A_36 : memref<1x80x125xi32, #tpu.memory_space<hbm>> -> memref<80x125xi32, #tpu.memory_space<hbm>>
      tpu.wait_dma2 semaphore(%run_scoped3A_22 : memref<!tpu.dma_semaphore, #tpu.memory_space<semaphore_mem>>) src(%dma_wait3A_37 : memref<80x125xi32, #tpu.memory_space<hbm>>) dst(%arg7 : memref<80x125xi32, #tpu.memory_space<vmem>>)
      tpu.yield
    }) : () -> ()
    %run_scoped3A = arith.constant 0 : i32
    "tpu.region"() ({
      %run_scoped3A_22 = tpu.sem_alloc : memref<!tpu.dma_semaphore, #tpu.memory_space<semaphore_mem>>
      %dma_start3A_23 = arith.constant 0 : i32
      %dma_start3A_24 = tpu.memref_slice %arg4[%add3A, %run_scoped3A, %dma_start3A_23] : memref<32x80x128xi32, #tpu.memory_space<hbm>> -> memref<1x1x128xi32, #tpu.memory_space<hbm>>
      %dma_start3A_25 = tpu.memref_squeeze %dma_start3A_24 : memref<1x1x128xi32, #tpu.memory_space<hbm>> -> memref<128xi32, #tpu.memory_space<hbm>>
      %dma_start3A_26 = arith.constant 0 : i32
      %dma_start3A_27 = tpu.memref_slice %arg4[%add3A, %run_scoped3A, %dma_start3A_26] : memref<32x80x128xi32, #tpu.memory_space<hbm>> -> memref<1x1x128xi32, #tpu.memory_space<hbm>>
      %dma_start3A_28 = tpu.memref_squeeze %dma_start3A_27 : memref<1x1x128xi32, #tpu.memory_space<hbm>> -> memref<128xi32, #tpu.memory_space<hbm>>
      tpu.enqueue_dma source(%dma_start3A_28 : memref<128xi32, #tpu.memory_space<hbm>>) target(%arg8 : memref<128xi32, #tpu.memory_space<vmem>>) target_semaphore(%run_scoped3A_22 : memref<!tpu.dma_semaphore, #tpu.memory_space<semaphore_mem>>)
      %dma_wait3A = arith.constant 0 : i32
      %dma_wait3A_29 = tpu.memref_slice %arg4[%add3A, %run_scoped3A, %dma_wait3A] : memref<32x80x128xi32, #tpu.memory_space<hbm>> -> memref<1x1x128xi32, #tpu.memory_space<hbm>>
      %dma_wait3A_30 = tpu.memref_squeeze %dma_wait3A_29 : memref<1x1x128xi32, #tpu.memory_space<hbm>> -> memref<128xi32, #tpu.memory_space<hbm>>
      %dma_wait3A_31 = arith.constant 0 : i32
      %dma_wait3A_32 = tpu.memref_slice %arg4[%add3A, %run_scoped3A, %dma_wait3A_31] : memref<32x80x128xi32, #tpu.memory_space<hbm>> -> memref<1x1x128xi32, #tpu.memory_space<hbm>>
      %dma_wait3A_33 = tpu.memref_squeeze %dma_wait3A_32 : memref<1x1x128xi32, #tpu.memory_space<hbm>> -> memref<128xi32, #tpu.memory_space<hbm>>
      tpu.wait_dma2 semaphore(%run_scoped3A_22 : memref<!tpu.dma_semaphore, #tpu.memory_space<semaphore_mem>>) src(%dma_wait3A_33 : memref<128xi32, #tpu.memory_space<hbm>>) dst(%arg8 : memref<128xi32, #tpu.memory_space<vmem>>)
      tpu.yield
    }) : () -> ()
    %run_scoped3A_1 = arith.constant 1 : i32
    "tpu.region"() ({
      %run_scoped3A_22 = tpu.sem_alloc : memref<!tpu.dma_semaphore, #tpu.memory_space<semaphore_mem>>
      %dma_start3A_23 = arith.constant 0 : i32
      %dma_start3A_24 = tpu.memref_slice %arg4[%add3A, %run_scoped3A_1, %dma_start3A_23] : memref<32x80x128xi32, #tpu.memory_space<hbm>> -> memref<1x1x128xi32, #tpu.memory_space<hbm>>
      %dma_start3A_25 = tpu.memref_squeeze %dma_start3A_24 : memref<1x1x128xi32, #tpu.memory_space<hbm>> -> memref<128xi32, #tpu.memory_space<hbm>>
      %dma_start3A_26 = arith.constant 0 : i32
      %dma_start3A_27 = tpu.memref_slice %arg4[%add3A, %run_scoped3A_1, %dma_start3A_26] : memref<32x80x128xi32, #tpu.memory_space<hbm>> -> memref<1x1x128xi32, #tpu.memory_space<hbm>>
      %dma_start3A_28 = tpu.memref_squeeze %dma_start3A_27 : memref<1x1x128xi32, #tpu.memory_space<hbm>> -> memref<128xi32, #tpu.memory_space<hbm>>
      tpu.enqueue_dma source(%dma_start3A_28 : memref<128xi32, #tpu.memory_space<hbm>>) target(%arg9 : memref<128xi32, #tpu.memory_space<vmem>>) target_semaphore(%run_scoped3A_22 : memref<!tpu.dma_semaphore, #tpu.memory_space<semaphore_mem>>)
      %dma_wait3A = arith.constant 0 : i32
      %dma_wait3A_29 = tpu.memref_slice %arg4[%add3A, %run_scoped3A_1, %dma_wait3A] : memref<32x80x128xi32, #tpu.memory_space<hbm>> -> memref<1x1x128xi32, #tpu.memory_space<hbm>>
      %dma_wait3A_30 = tpu.memref_squeeze %dma_wait3A_29 : memref<1x1x128xi32, #tpu.memory_space<hbm>> -> memref<128xi32, #tpu.memory_space<hbm>>
      %dma_wait3A_31 = arith.constant 0 : i32
      %dma_wait3A_32 = tpu.memref_slice %arg4[%add3A, %run_scoped3A_1, %dma_wait3A_31] : memref<32x80x128xi32, #tpu.memory_space<hbm>> -> memref<1x1x128xi32, #tpu.memory_space<hbm>>
      %dma_wait3A_33 = tpu.memref_squeeze %dma_wait3A_32 : memref<1x1x128xi32, #tpu.memory_space<hbm>> -> memref<128xi32, #tpu.memory_space<hbm>>
      tpu.wait_dma2 semaphore(%run_scoped3A_22 : memref<!tpu.dma_semaphore, #tpu.memory_space<semaphore_mem>>) src(%dma_wait3A_33 : memref<128xi32, #tpu.memory_space<hbm>>) dst(%arg9 : memref<128xi32, #tpu.memory_space<vmem>>)
      tpu.yield
    }) : () -> ()
    %mul3A_2 = arith.constant 640 : i32
    %mul3A_3 = arith.muli %arg1, %mul3A_2 : i32
    %mul3A_4 = arith.constant 640 : i32
    %mul3A_5 = arith.muli %arg1, %mul3A_4 : i32
    "tpu.region"() ({
      %run_scoped3A_22 = tpu.sem_alloc : memref<!tpu.dma_semaphore, #tpu.memory_space<semaphore_mem>>
      %dma_start3A_23 = arith.constant 0 : i32
      %dma_start3A_24 = tpu.memref_slice %arg12[%mul3A_5, %dma_start3A_23] : memref<10240x128xf32, #tpu.memory_space<vmem_shared>> -> memref<640x128xf32, #tpu.memory_space<vmem_shared>>
      %dma_start3A_25 = arith.constant 0 : i32
      %dma_start3A_26 = tpu.memref_slice %arg5[%mul3A_3, %dma_start3A_25] : memref<10240x128xf32, #tpu.memory_space<hbm>> -> memref<640x128xf32, #tpu.memory_space<hbm>>
      tpu.enqueue_dma source(%dma_start3A_26 : memref<640x128xf32, #tpu.memory_space<hbm>>) target(%dma_start3A_24 : memref<640x128xf32, #tpu.memory_space<vmem_shared>>) target_semaphore(%run_scoped3A_22 : memref<!tpu.dma_semaphore, #tpu.memory_space<semaphore_mem>>)
      %dma_wait3A = arith.constant 0 : i32
      %dma_wait3A_27 = tpu.memref_slice %arg12[%mul3A_5, %dma_wait3A] : memref<10240x128xf32, #tpu.memory_space<vmem_shared>> -> memref<640x128xf32, #tpu.memory_space<vmem_shared>>
      %dma_wait3A_28 = arith.constant 0 : i32
      %dma_wait3A_29 = tpu.memref_slice %arg5[%mul3A_3, %dma_wait3A_28] : memref<10240x128xf32, #tpu.memory_space<hbm>> -> memref<640x128xf32, #tpu.memory_space<hbm>>
      tpu.wait_dma2 semaphore(%run_scoped3A_22 : memref<!tpu.dma_semaphore, #tpu.memory_space<semaphore_mem>>) src(%dma_wait3A_29 : memref<640x128xf32, #tpu.memory_space<hbm>>) dst(%dma_wait3A_27 : memref<640x128xf32, #tpu.memory_space<vmem_shared>>)
      tpu.yield
    }) : () -> ()
    %barrier3A = arith.constant 0 : index
    tpu.barrier barrier_id(%barrier3A)
    %dma_start3A = arith.constant 0 : i32
    %dma_start3A_6 = arith.constant 0 : i32
    %dma_start3A_7 = tpu.memref_slice %arg7[%dma_start3A, %dma_start3A_6] : memref<80x125xi32, #tpu.memory_space<vmem>> -> memref<1x125xi32, #tpu.memory_space<vmem>>
    %dma_start3A_8 = tpu.memref_squeeze %dma_start3A_7 : memref<1x125xi32, #tpu.memory_space<vmem>> -> memref<125xi32, #tpu.memory_space<vmem>>
    %dma_start3A_9 = arith.constant 0 : i32
    %dma_start3A_10 = arith.constant 0 : i32
    %dma_start3A_11 = tpu.memref_slice %arg2[%dma_start3A_9, %dma_start3A_10] : memref<10000x128xf32, #tpu.memory_space<hbm>> -> memref<10000x128xf32, #tpu.memory_space<hbm>>
    tpu.enqueue_indirect_dma source(%dma_start3A_11 : memref<10000x128xf32, #tpu.memory_space<hbm>>) target(%arg10 : memref<125x128xf32, #tpu.memory_space<vmem>>) offsets(%dma_start3A_8 : memref<125xi32, #tpu.memory_space<vmem>>) semaphore(%arg13 : memref<!tpu.dma_semaphore, #tpu.memory_space<semaphore_mem>>)
    %scan3A = arith.constant 0 : i32
    %scan3A_12 = arith.constant 0 : i32
    %scan3A_13 = arith.constant 40 : i32
    %scan3A_14 = arith.addi %scan3A_12, %scan3A_13 : i32
    %scan3A_15 = arith.constant 1 : i32
    scf.for %scan3A_22 = %scan3A_12 to %scan3A_14 step %scan3A_15  : i32 {
      %mul3A_23 = arith.constant 2 : i32
      %mul3A_24 = arith.muli %mul3A_23, %scan3A_22 : i32
      %add3A_25 = arith.constant 1 : i32
      %add3A_26 = arith.addi %mul3A_24, %add3A_25 : i32
      %dma_start3A_27 = arith.constant 0 : i32
      %dma_start3A_28 = tpu.memref_slice %arg7[%add3A_26, %dma_start3A_27] : memref<80x125xi32, #tpu.memory_space<vmem>> -> memref<1x125xi32, #tpu.memory_space<vmem>>
      %dma_start3A_29 = tpu.memref_squeeze %dma_start3A_28 : memref<1x125xi32, #tpu.memory_space<vmem>> -> memref<125xi32, #tpu.memory_space<vmem>>
      %dma_start3A_30 = arith.constant 0 : i32
      %dma_start3A_31 = arith.constant 0 : i32
      %dma_start3A_32 = tpu.memref_slice %arg2[%dma_start3A_30, %dma_start3A_31] : memref<10000x128xf32, #tpu.memory_space<hbm>> -> memref<10000x128xf32, #tpu.memory_space<hbm>>
      tpu.enqueue_indirect_dma source(%dma_start3A_32 : memref<10000x128xf32, #tpu.memory_space<hbm>>) target(%arg11 : memref<125x128xf32, #tpu.memory_space<vmem>>) offsets(%dma_start3A_29 : memref<125xi32, #tpu.memory_space<vmem>>) semaphore(%arg14 : memref<!tpu.dma_semaphore, #tpu.memory_space<semaphore_mem>>)
      %dma_wait3A = arith.constant 0 : i32
      %dma_wait3A_33 = arith.constant 0 : i32
      %dma_wait3A_34 = tpu.memref_slice %arg7[%dma_wait3A, %dma_wait3A_33] : memref<80x125xi32, #tpu.memory_space<vmem>> -> memref<1x125xi32, #tpu.memory_space<vmem>>
      %dma_wait3A_35 = tpu.memref_squeeze %dma_wait3A_34 : memref<1x125xi32, #tpu.memory_space<vmem>> -> memref<125xi32, #tpu.memory_space<vmem>>
      %dma_wait3A_36 = arith.constant 0 : i32
      %dma_wait3A_37 = arith.constant 0 : i32
      %dma_wait3A_38 = tpu.memref_slice %arg2[%dma_wait3A_36, %dma_wait3A_37] : memref<10000x128xf32, #tpu.memory_space<hbm>> -> memref<10000x128xf32, #tpu.memory_space<hbm>>
      tpu.wait_indirect_dma semaphore(%arg13 : memref<!tpu.dma_semaphore, #tpu.memory_space<semaphore_mem>>) src(%dma_wait3A_38 : memref<10000x128xf32, #tpu.memory_space<hbm>>) dst(%arg10 : memref<125x128xf32, #tpu.memory_space<vmem>>)
      %gt3A = arith.constant 0 : i32
      %gt3A_39 = arith.cmpi sgt, %mul3A_24, %gt3A : i32
      %convert_element_type3A = arith.extui %gt3A_39 : i1 to i32
      %cond3A = arith.constant 0 : i32
      %cond3A_40 = arith.cmpi ne, %convert_element_type3A, %cond3A : i32
      scf.if %cond3A_40 {
        %dma_wait3A_66 = arith.constant 0 : i32
        %dma_wait3A_67 = arith.constant 0 : i32
        %dma_wait3A_68 = tpu.memref_slice %arg4[%add3A, %dma_wait3A_66, %dma_wait3A_67] : memref<32x80x128xi32, #tpu.memory_space<hbm>> -> memref<1x1x128xi32, #tpu.memory_space<hbm>>
        %dma_wait3A_69 = tpu.memref_squeeze %dma_wait3A_68 : memref<1x1x128xi32, #tpu.memory_space<hbm>> -> memref<128xi32, #tpu.memory_space<hbm>>
        %dma_wait3A_70 = arith.constant 0 : i32
        %dma_wait3A_71 = tpu.memref_slice %arg4[%add3A, %dma_wait3A_66, %dma_wait3A_70] : memref<32x80x128xi32, #tpu.memory_space<hbm>> -> memref<1x1x128xi32, #tpu.memory_space<hbm>>
        %dma_wait3A_72 = tpu.memref_squeeze %dma_wait3A_71 : memref<1x1x128xi32, #tpu.memory_space<hbm>> -> memref<128xi32, #tpu.memory_space<hbm>>
        tpu.wait_dma2 semaphore(%arg15 : memref<!tpu.dma_semaphore, #tpu.memory_space<semaphore_mem>>) src(%dma_wait3A_72 : memref<128xi32, #tpu.memory_space<hbm>>) dst(%arg8 : memref<128xi32, #tpu.memory_space<vmem>>)
      } else {
      }
      "tpu.region"() ({
        %run_scoped3A_66 = tpu.sem_alloc : memref<!tpu.dma_semaphore, #tpu.memory_space<semaphore_mem>>
        %dma_start3A_67 = arith.constant 0 : i32
        %dma_start3A_68 = tpu.memref_slice %arg8[%dma_start3A_67] : memref<128xi32, #tpu.memory_space<vmem>> -> memref<125xi32, #tpu.memory_space<vmem>>
        %dma_start3A_69 = arith.constant 0 : i32
        %dma_start3A_70 = arith.constant 0 : i32
        %dma_start3A_71 = tpu.memref_slice %arg12[%dma_start3A_69, %dma_start3A_70] : memref<10240x128xf32, #tpu.memory_space<vmem_shared>> -> memref<10240x128xf32, #tpu.memory_space<vmem_shared>>
        tpu.enqueue_indirect_dma source(%arg10 : memref<125x128xf32, #tpu.memory_space<vmem>>) target(%dma_start3A_71 : memref<10240x128xf32, #tpu.memory_space<vmem_shared>>) offsets(%dma_start3A_68 : memref<125xi32, #tpu.memory_space<vmem>>) semaphore(%run_scoped3A_66 : memref<!tpu.dma_semaphore, #tpu.memory_space<semaphore_mem>>) {add = true}
        %dma_wait3A_72 = arith.constant 0 : i32
        %dma_wait3A_73 = tpu.memref_slice %arg8[%dma_wait3A_72] : memref<128xi32, #tpu.memory_space<vmem>> -> memref<125xi32, #tpu.memory_space<vmem>>
        %dma_wait3A_74 = arith.constant 0 : i32
        %dma_wait3A_75 = arith.constant 0 : i32
        %dma_wait3A_76 = tpu.memref_slice %arg12[%dma_wait3A_74, %dma_wait3A_75] : memref<10240x128xf32, #tpu.memory_space<vmem_shared>> -> memref<10240x128xf32, #tpu.memory_space<vmem_shared>>
        tpu.wait_indirect_dma semaphore(%run_scoped3A_66 : memref<!tpu.dma_semaphore, #tpu.memory_space<semaphore_mem>>) src(%arg10 : memref<125x128xf32, #tpu.memory_space<vmem>>) dst(%dma_wait3A_76 : memref<10240x128xf32, #tpu.memory_space<vmem_shared>>)
        tpu.yield
      }) : () -> ()
      %add3A_41 = arith.constant 2 : i32
      %add3A_42 = arith.addi %mul3A_24, %add3A_41 : i32
      %lt3A = arith.constant 80 : i32
      %lt3A_43 = arith.cmpi slt, %add3A_42, %lt3A : i32
      %convert_element_type3A_44 = arith.extui %lt3A_43 : i1 to i32
      %cond3A_45 = arith.constant 0 : i32
      %cond3A_46 = arith.cmpi ne, %convert_element_type3A_44, %cond3A_45 : i32
      scf.if %cond3A_46 {
        %add3A_66 = arith.constant 2 : i32
        %add3A_67 = arith.addi %mul3A_24, %add3A_66 : i32
        %dma_start3A_68 = arith.constant 0 : i32
        %dma_start3A_69 = tpu.memref_slice %arg4[%add3A, %add3A_67, %dma_start3A_68] : memref<32x80x128xi32, #tpu.memory_space<hbm>> -> memref<1x1x128xi32, #tpu.memory_space<hbm>>
        %dma_start3A_70 = tpu.memref_squeeze %dma_start3A_69 : memref<1x1x128xi32, #tpu.memory_space<hbm>> -> memref<128xi32, #tpu.memory_space<hbm>>
        %dma_start3A_71 = arith.constant 0 : i32
        %dma_start3A_72 = tpu.memref_slice %arg4[%add3A, %add3A_67, %dma_start3A_71] : memref<32x80x128xi32, #tpu.memory_space<hbm>> -> memref<1x1x128xi32, #tpu.memory_space<hbm>>
        %dma_start3A_73 = tpu.memref_squeeze %dma_start3A_72 : memref<1x1x128xi32, #tpu.memory_space<hbm>> -> memref<128xi32, #tpu.memory_space<hbm>>
        tpu.enqueue_dma source(%dma_start3A_73 : memref<128xi32, #tpu.memory_space<hbm>>) target(%arg8 : memref<128xi32, #tpu.memory_space<vmem>>) target_semaphore(%arg15 : memref<!tpu.dma_semaphore, #tpu.memory_space<semaphore_mem>>)
        %add3A_74 = arith.constant 2 : i32
        %add3A_75 = arith.addi %mul3A_24, %add3A_74 : i32
        %dma_start3A_76 = arith.constant 0 : i32
        %dma_start3A_77 = tpu.memref_slice %arg7[%add3A_75, %dma_start3A_76] : memref<80x125xi32, #tpu.memory_space<vmem>> -> memref<1x125xi32, #tpu.memory_space<vmem>>
        %dma_start3A_78 = tpu.memref_squeeze %dma_start3A_77 : memref<1x125xi32, #tpu.memory_space<vmem>> -> memref<125xi32, #tpu.memory_space<vmem>>
        %dma_start3A_79 = arith.constant 0 : i32
        %dma_start3A_80 = arith.constant 0 : i32
        %dma_start3A_81 = tpu.memref_slice %arg2[%dma_start3A_79, %dma_start3A_80] : memref<10000x128xf32, #tpu.memory_space<hbm>> -> memref<10000x128xf32, #tpu.memory_space<hbm>>
        tpu.enqueue_indirect_dma source(%dma_start3A_81 : memref<10000x128xf32, #tpu.memory_space<hbm>>) target(%arg10 : memref<125x128xf32, #tpu.memory_space<vmem>>) offsets(%dma_start3A_78 : memref<125xi32, #tpu.memory_space<vmem>>) semaphore(%arg13 : memref<!tpu.dma_semaphore, #tpu.memory_space<semaphore_mem>>)
      } else {
      }
      %dma_wait3A_47 = arith.constant 0 : i32
      %dma_wait3A_48 = arith.constant 0 : i32
      %dma_wait3A_49 = tpu.memref_slice %arg7[%dma_wait3A_47, %dma_wait3A_48] : memref<80x125xi32, #tpu.memory_space<vmem>> -> memref<1x125xi32, #tpu.memory_space<vmem>>
      %dma_wait3A_50 = tpu.memref_squeeze %dma_wait3A_49 : memref<1x125xi32, #tpu.memory_space<vmem>> -> memref<125xi32, #tpu.memory_space<vmem>>
      %dma_wait3A_51 = arith.constant 0 : i32
      %dma_wait3A_52 = arith.constant 0 : i32
      %dma_wait3A_53 = tpu.memref_slice %arg2[%dma_wait3A_51, %dma_wait3A_52] : memref<10000x128xf32, #tpu.memory_space<hbm>> -> memref<10000x128xf32, #tpu.memory_space<hbm>>
      tpu.wait_indirect_dma semaphore(%arg14 : memref<!tpu.dma_semaphore, #tpu.memory_space<semaphore_mem>>) src(%dma_wait3A_53 : memref<10000x128xf32, #tpu.memory_space<hbm>>) dst(%arg11 : memref<125x128xf32, #tpu.memory_space<vmem>>)
      %gt3A_54 = arith.constant 0 : i32
      %gt3A_55 = arith.cmpi sgt, %mul3A_24, %gt3A_54 : i32
      %convert_element_type3A_56 = arith.extui %gt3A_55 : i1 to i32
      %cond3A_57 = arith.constant 0 : i32
      %cond3A_58 = arith.cmpi ne, %convert_element_type3A_56, %cond3A_57 : i32
      scf.if %cond3A_58 {
        %dma_wait3A_66 = arith.constant 0 : i32
        %dma_wait3A_67 = arith.constant 0 : i32
        %dma_wait3A_68 = tpu.memref_slice %arg4[%add3A, %dma_wait3A_66, %dma_wait3A_67] : memref<32x80x128xi32, #tpu.memory_space<hbm>> -> memref<1x1x128xi32, #tpu.memory_space<hbm>>
        %dma_wait3A_69 = tpu.memref_squeeze %dma_wait3A_68 : memref<1x1x128xi32, #tpu.memory_space<hbm>> -> memref<128xi32, #tpu.memory_space<hbm>>
        %dma_wait3A_70 = arith.constant 0 : i32
        %dma_wait3A_71 = tpu.memref_slice %arg4[%add3A, %dma_wait3A_66, %dma_wait3A_70] : memref<32x80x128xi32, #tpu.memory_space<hbm>> -> memref<1x1x128xi32, #tpu.memory_space<hbm>>
        %dma_wait3A_72 = tpu.memref_squeeze %dma_wait3A_71 : memref<1x1x128xi32, #tpu.memory_space<hbm>> -> memref<128xi32, #tpu.memory_space<hbm>>
        tpu.wait_dma2 semaphore(%arg16 : memref<!tpu.dma_semaphore, #tpu.memory_space<semaphore_mem>>) src(%dma_wait3A_72 : memref<128xi32, #tpu.memory_space<hbm>>) dst(%arg9 : memref<128xi32, #tpu.memory_space<vmem>>)
      } else {
      }
      "tpu.region"() ({
        %run_scoped3A_66 = tpu.sem_alloc : memref<!tpu.dma_semaphore, #tpu.memory_space<semaphore_mem>>
        %dma_start3A_67 = arith.constant 0 : i32
        %dma_start3A_68 = tpu.memref_slice %arg9[%dma_start3A_67] : memref<128xi32, #tpu.memory_space<vmem>> -> memref<125xi32, #tpu.memory_space<vmem>>
        %dma_start3A_69 = arith.constant 0 : i32
        %dma_start3A_70 = arith.constant 0 : i32
        %dma_start3A_71 = tpu.memref_slice %arg12[%dma_start3A_69, %dma_start3A_70] : memref<10240x128xf32, #tpu.memory_space<vmem_shared>> -> memref<10240x128xf32, #tpu.memory_space<vmem_shared>>
        tpu.enqueue_indirect_dma source(%arg11 : memref<125x128xf32, #tpu.memory_space<vmem>>) target(%dma_start3A_71 : memref<10240x128xf32, #tpu.memory_space<vmem_shared>>) offsets(%dma_start3A_68 : memref<125xi32, #tpu.memory_space<vmem>>) semaphore(%run_scoped3A_66 : memref<!tpu.dma_semaphore, #tpu.memory_space<semaphore_mem>>) {add = true}
        %dma_wait3A_72 = arith.constant 0 : i32
        %dma_wait3A_73 = tpu.memref_slice %arg9[%dma_wait3A_72] : memref<128xi32, #tpu.memory_space<vmem>> -> memref<125xi32, #tpu.memory_space<vmem>>
        %dma_wait3A_74 = arith.constant 0 : i32
        %dma_wait3A_75 = arith.constant 0 : i32
        %dma_wait3A_76 = tpu.memref_slice %arg12[%dma_wait3A_74, %dma_wait3A_75] : memref<10240x128xf32, #tpu.memory_space<vmem_shared>> -> memref<10240x128xf32, #tpu.memory_space<vmem_shared>>
        tpu.wait_indirect_dma semaphore(%run_scoped3A_66 : memref<!tpu.dma_semaphore, #tpu.memory_space<semaphore_mem>>) src(%arg11 : memref<125x128xf32, #tpu.memory_space<vmem>>) dst(%dma_wait3A_76 : memref<10240x128xf32, #tpu.memory_space<vmem_shared>>)
        tpu.yield
      }) : () -> ()
      %add3A_59 = arith.constant 3 : i32
      %add3A_60 = arith.addi %mul3A_24, %add3A_59 : i32
      %lt3A_61 = arith.constant 80 : i32
      %lt3A_62 = arith.cmpi slt, %add3A_60, %lt3A_61 : i32
      %convert_element_type3A_63 = arith.extui %lt3A_62 : i1 to i32
      %cond3A_64 = arith.constant 0 : i32
      %cond3A_65 = arith.cmpi ne, %convert_element_type3A_63, %cond3A_64 : i32
      scf.if %cond3A_65 {
        %add3A_66 = arith.constant 3 : i32
        %add3A_67 = arith.addi %mul3A_24, %add3A_66 : i32
        %dma_start3A_68 = arith.constant 0 : i32
        %dma_start3A_69 = tpu.memref_slice %arg4[%add3A, %add3A_67, %dma_start3A_68] : memref<32x80x128xi32, #tpu.memory_space<hbm>> -> memref<1x1x128xi32, #tpu.memory_space<hbm>>
        %dma_start3A_70 = tpu.memref_squeeze %dma_start3A_69 : memref<1x1x128xi32, #tpu.memory_space<hbm>> -> memref<128xi32, #tpu.memory_space<hbm>>
        %dma_start3A_71 = arith.constant 0 : i32
        %dma_start3A_72 = tpu.memref_slice %arg4[%add3A, %add3A_67, %dma_start3A_71] : memref<32x80x128xi32, #tpu.memory_space<hbm>> -> memref<1x1x128xi32, #tpu.memory_space<hbm>>
        %dma_start3A_73 = tpu.memref_squeeze %dma_start3A_72 : memref<1x1x128xi32, #tpu.memory_space<hbm>> -> memref<128xi32, #tpu.memory_space<hbm>>
        tpu.enqueue_dma source(%dma_start3A_73 : memref<128xi32, #tpu.memory_space<hbm>>) target(%arg9 : memref<128xi32, #tpu.memory_space<vmem>>) target_semaphore(%arg16 : memref<!tpu.dma_semaphore, #tpu.memory_space<semaphore_mem>>)
      } else {
      }
    }
    %scan3A_16 = arith.constant 40 : i32
    %barrier3A_17 = arith.constant 0 : index
    tpu.barrier barrier_id(%barrier3A_17)
    %mul3A_18 = arith.constant 640 : i32
    %mul3A_19 = arith.muli %arg1, %mul3A_18 : i32
    %mul3A_20 = arith.constant 640 : i32
    %mul3A_21 = arith.muli %arg1, %mul3A_20 : i32
    "tpu.region"() ({
      %run_scoped3A_22 = tpu.sem_alloc : memref<!tpu.dma_semaphore, #tpu.memory_space<semaphore_mem>>
      %dma_start3A_23 = arith.constant 0 : i32
      %dma_start3A_24 = tpu.memref_slice %arg6[%arg0, %mul3A_21, %dma_start3A_23] : memref<2x10240x128xf32, #tpu.memory_space<hbm>> -> memref<1x640x128xf32, #tpu.memory_space<hbm>>
      %dma_start3A_25 = tpu.memref_squeeze %dma_start3A_24 : memref<1x640x128xf32, #tpu.memory_space<hbm>> -> memref<640x128xf32, #tpu.memory_space<hbm>>
      %dma_start3A_26 = arith.constant 0 : i32
      %dma_start3A_27 = tpu.memref_slice %arg12[%mul3A_19, %dma_start3A_26] : memref<10240x128xf32, #tpu.memory_space<vmem_shared>> -> memref<640x128xf32, #tpu.memory_space<vmem_shared>>
      tpu.enqueue_dma source(%dma_start3A_27 : memref<640x128xf32, #tpu.memory_space<vmem_shared>>) target(%dma_start3A_25 : memref<640x128xf32, #tpu.memory_space<hbm>>) target_semaphore(%run_scoped3A_22 : memref<!tpu.dma_semaphore, #tpu.memory_space<semaphore_mem>>)
      %dma_wait3A = arith.constant 0 : i32
      %dma_wait3A_28 = tpu.memref_slice %arg6[%arg0, %mul3A_21, %dma_wait3A] : memref<2x10240x128xf32, #tpu.memory_space<hbm>> -> memref<1x640x128xf32, #tpu.memory_space<hbm>>
      %dma_wait3A_29 = tpu.memref_squeeze %dma_wait3A_28 : memref<1x640x128xf32, #tpu.memory_space<hbm>> -> memref<640x128xf32, #tpu.memory_space<hbm>>
      %dma_wait3A_30 = arith.constant 0 : i32
      %dma_wait3A_31 = tpu.memref_slice %arg12[%mul3A_19, %dma_wait3A_30] : memref<10240x128xf32, #tpu.memory_space<vmem_shared>> -> memref<640x128xf32, #tpu.memory_space<vmem_shared>>
      tpu.wait_dma2 semaphore(%run_scoped3A_22 : memref<!tpu.dma_semaphore, #tpu.memory_space<semaphore_mem>>) src(%dma_wait3A_31 : memref<640x128xf32, #tpu.memory_space<vmem_shared>>) dst(%dma_wait3A_29 : memref<640x128xf32, #tpu.memory_space<hbm>>)
      tpu.yield
    }) : () -> ()
    return
  }
}

#map = affine_map<(d0, d1) -> (0, 0)>
#map1 = affine_map<(d0, d1) -> (0, 0, 0)>
#map2 = affine_map<(d0, d1) -> (0)>
module attributes {stable_mosaic.version = 14 : i64} {
  func.func @_agg_deg_kernel(%arg0: i32, %arg1: i32, %arg2: memref<10000x128xf32, #tpu.memory_space<hbm>>, %arg3: memref<32x80x125xi32, #tpu.memory_space<hbm>>, %arg4: memref<32x80x128xi32, #tpu.memory_space<hbm>>, %arg5: memref<10240x128xf32, #tpu.memory_space<hbm>>, %arg6: memref<10240xf32, #tpu.memory_space<hbm>>, %arg7: memref<2x10240x128xf32, #tpu.memory_space<hbm>>, %arg8: memref<2x10240xf32, #tpu.memory_space<hbm>>, %arg9: memref<80x125xi32, #tpu.memory_space<vmem>>, %arg10: memref<128xi32, #tpu.memory_space<vmem>>, %arg11: memref<128xi32, #tpu.memory_space<vmem>>, %arg12: memref<125x128xf32, #tpu.memory_space<vmem>>, %arg13: memref<125x128xf32, #tpu.memory_space<vmem>>, %arg14: memref<125xf32, #tpu.memory_space<vmem>>, %arg15: memref<10240x128xf32, #tpu.memory_space<vmem_shared>>, %arg16: memref<10240xf32, #tpu.memory_space<vmem_shared>>, %arg17: memref<!tpu.dma_semaphore, #tpu.memory_space<semaphore_mem>>, %arg18: memref<!tpu.dma_semaphore, #tpu.memory_space<semaphore_mem>>, %arg19: memref<!tpu.dma_semaphore, #tpu.memory_space<semaphore_mem>>, %arg20: memref<!tpu.dma_semaphore, #tpu.memory_space<semaphore_mem>>) attributes {dimension_semantics = [#tpu.dimension_semantics<core_parallel>, #tpu.dimension_semantics<subcore_parallel>], iteration_bounds = array<i64: 2, 16>, scalar_prefetch = 0 : i64, scratch_operands = 12 : i64, tpu.core_type = #tpu.core_type<sc_vector_subcore>, window_params = [{transform_indices = #map}, {transform_indices = #map1}, {transform_indices = #map1}, {transform_indices = #map}, {transform_indices = #map2}, {transform_indices = #map1}, {transform_indices = #map}]} {
    %mul3A = arith.constant 2 : i32
    %mul3A_0 = arith.muli %arg1, %mul3A : i32
    %add3A = arith.addi %mul3A_0, %arg0 : i32
    "tpu.region"() ({
      %run_scoped3A_62 = tpu.sem_alloc : memref<!tpu.dma_semaphore, #tpu.memory_space<semaphore_mem>>
      %dma_start3A_63 = arith.constant 0 : i32
      %dma_start3A_64 = arith.constant 0 : i32
      %dma_start3A_65 = tpu.memref_slice %arg3[%add3A, %dma_start3A_63, %dma_start3A_64] : memref<32x80x125xi32, #tpu.memory_space<hbm>> -> memref<1x80x125xi32, #tpu.memory_space<hbm>>
      %dma_start3A_66 = tpu.memref_squeeze %dma_start3A_65 : memref<1x80x125xi32, #tpu.memory_space<hbm>> -> memref<80x125xi32, #tpu.memory_space<hbm>>
      %dma_start3A_67 = arith.constant 0 : i32
      %dma_start3A_68 = arith.constant 0 : i32
      %dma_start3A_69 = tpu.memref_slice %arg3[%add3A, %dma_start3A_67, %dma_start3A_68] : memref<32x80x125xi32, #tpu.memory_space<hbm>> -> memref<1x80x125xi32, #tpu.memory_space<hbm>>
      %dma_start3A_70 = tpu.memref_squeeze %dma_start3A_69 : memref<1x80x125xi32, #tpu.memory_space<hbm>> -> memref<80x125xi32, #tpu.memory_space<hbm>>
      tpu.enqueue_dma source(%dma_start3A_70 : memref<80x125xi32, #tpu.memory_space<hbm>>) target(%arg9 : memref<80x125xi32, #tpu.memory_space<vmem>>) target_semaphore(%run_scoped3A_62 : memref<!tpu.dma_semaphore, #tpu.memory_space<semaphore_mem>>)
      %dma_wait3A = arith.constant 0 : i32
      %dma_wait3A_71 = arith.constant 0 : i32
      %dma_wait3A_72 = tpu.memref_slice %arg3[%add3A, %dma_wait3A, %dma_wait3A_71] : memref<32x80x125xi32, #tpu.memory_space<hbm>> -> memref<1x80x125xi32, #tpu.memory_space<hbm>>
      %dma_wait3A_73 = tpu.memref_squeeze %dma_wait3A_72 : memref<1x80x125xi32, #tpu.memory_space<hbm>> -> memref<80x125xi32, #tpu.memory_space<hbm>>
      %dma_wait3A_74 = arith.constant 0 : i32
      %dma_wait3A_75 = arith.constant 0 : i32
      %dma_wait3A_76 = tpu.memref_slice %arg3[%add3A, %dma_wait3A_74, %dma_wait3A_75] : memref<32x80x125xi32, #tpu.memory_space<hbm>> -> memref<1x80x125xi32, #tpu.memory_space<hbm>>
      %dma_wait3A_77 = tpu.memref_squeeze %dma_wait3A_76 : memref<1x80x125xi32, #tpu.memory_space<hbm>> -> memref<80x125xi32, #tpu.memory_space<hbm>>
      tpu.wait_dma2 semaphore(%run_scoped3A_62 : memref<!tpu.dma_semaphore, #tpu.memory_space<semaphore_mem>>) src(%dma_wait3A_77 : memref<80x125xi32, #tpu.memory_space<hbm>>) dst(%arg9 : memref<80x125xi32, #tpu.memory_space<vmem>>)
      tpu.yield
    }) : () -> ()
    %run_scoped3A = arith.constant 0 : i32
    "tpu.region"() ({
      %run_scoped3A_62 = tpu.sem_alloc : memref<!tpu.dma_semaphore, #tpu.memory_space<semaphore_mem>>
      %dma_start3A_63 = arith.constant 0 : i32
      %dma_start3A_64 = tpu.memref_slice %arg4[%add3A, %run_scoped3A, %dma_start3A_63] : memref<32x80x128xi32, #tpu.memory_space<hbm>> -> memref<1x1x128xi32, #tpu.memory_space<hbm>>
      %dma_start3A_65 = tpu.memref_squeeze %dma_start3A_64 : memref<1x1x128xi32, #tpu.memory_space<hbm>> -> memref<128xi32, #tpu.memory_space<hbm>>
      %dma_start3A_66 = arith.constant 0 : i32
      %dma_start3A_67 = tpu.memref_slice %arg4[%add3A, %run_scoped3A, %dma_start3A_66] : memref<32x80x128xi32, #tpu.memory_space<hbm>> -> memref<1x1x128xi32, #tpu.memory_space<hbm>>
      %dma_start3A_68 = tpu.memref_squeeze %dma_start3A_67 : memref<1x1x128xi32, #tpu.memory_space<hbm>> -> memref<128xi32, #tpu.memory_space<hbm>>
      tpu.enqueue_dma source(%dma_start3A_68 : memref<128xi32, #tpu.memory_space<hbm>>) target(%arg10 : memref<128xi32, #tpu.memory_space<vmem>>) target_semaphore(%run_scoped3A_62 : memref<!tpu.dma_semaphore, #tpu.memory_space<semaphore_mem>>)
      %dma_wait3A = arith.constant 0 : i32
      %dma_wait3A_69 = tpu.memref_slice %arg4[%add3A, %run_scoped3A, %dma_wait3A] : memref<32x80x128xi32, #tpu.memory_space<hbm>> -> memref<1x1x128xi32, #tpu.memory_space<hbm>>
      %dma_wait3A_70 = tpu.memref_squeeze %dma_wait3A_69 : memref<1x1x128xi32, #tpu.memory_space<hbm>> -> memref<128xi32, #tpu.memory_space<hbm>>
      %dma_wait3A_71 = arith.constant 0 : i32
      %dma_wait3A_72 = tpu.memref_slice %arg4[%add3A, %run_scoped3A, %dma_wait3A_71] : memref<32x80x128xi32, #tpu.memory_space<hbm>> -> memref<1x1x128xi32, #tpu.memory_space<hbm>>
      %dma_wait3A_73 = tpu.memref_squeeze %dma_wait3A_72 : memref<1x1x128xi32, #tpu.memory_space<hbm>> -> memref<128xi32, #tpu.memory_space<hbm>>
      tpu.wait_dma2 semaphore(%run_scoped3A_62 : memref<!tpu.dma_semaphore, #tpu.memory_space<semaphore_mem>>) src(%dma_wait3A_73 : memref<128xi32, #tpu.memory_space<hbm>>) dst(%arg10 : memref<128xi32, #tpu.memory_space<vmem>>)
      tpu.yield
    }) : () -> ()
    %run_scoped3A_1 = arith.constant 1 : i32
    "tpu.region"() ({
      %run_scoped3A_62 = tpu.sem_alloc : memref<!tpu.dma_semaphore, #tpu.memory_space<semaphore_mem>>
      %dma_start3A_63 = arith.constant 0 : i32
      %dma_start3A_64 = tpu.memref_slice %arg4[%add3A, %run_scoped3A_1, %dma_start3A_63] : memref<32x80x128xi32, #tpu.memory_space<hbm>> -> memref<1x1x128xi32, #tpu.memory_space<hbm>>
      %dma_start3A_65 = tpu.memref_squeeze %dma_start3A_64 : memref<1x1x128xi32, #tpu.memory_space<hbm>> -> memref<128xi32, #tpu.memory_space<hbm>>
      %dma_start3A_66 = arith.constant 0 : i32
      %dma_start3A_67 = tpu.memref_slice %arg4[%add3A, %run_scoped3A_1, %dma_start3A_66] : memref<32x80x128xi32, #tpu.memory_space<hbm>> -> memref<1x1x128xi32, #tpu.memory_space<hbm>>
      %dma_start3A_68 = tpu.memref_squeeze %dma_start3A_67 : memref<1x1x128xi32, #tpu.memory_space<hbm>> -> memref<128xi32, #tpu.memory_space<hbm>>
      tpu.enqueue_dma source(%dma_start3A_68 : memref<128xi32, #tpu.memory_space<hbm>>) target(%arg11 : memref<128xi32, #tpu.memory_space<vmem>>) target_semaphore(%run_scoped3A_62 : memref<!tpu.dma_semaphore, #tpu.memory_space<semaphore_mem>>)
      %dma_wait3A = arith.constant 0 : i32
      %dma_wait3A_69 = tpu.memref_slice %arg4[%add3A, %run_scoped3A_1, %dma_wait3A] : memref<32x80x128xi32, #tpu.memory_space<hbm>> -> memref<1x1x128xi32, #tpu.memory_space<hbm>>
      %dma_wait3A_70 = tpu.memref_squeeze %dma_wait3A_69 : memref<1x1x128xi32, #tpu.memory_space<hbm>> -> memref<128xi32, #tpu.memory_space<hbm>>
      %dma_wait3A_71 = arith.constant 0 : i32
      %dma_wait3A_72 = tpu.memref_slice %arg4[%add3A, %run_scoped3A_1, %dma_wait3A_71] : memref<32x80x128xi32, #tpu.memory_space<hbm>> -> memref<1x1x128xi32, #tpu.memory_space<hbm>>
      %dma_wait3A_73 = tpu.memref_squeeze %dma_wait3A_72 : memref<1x1x128xi32, #tpu.memory_space<hbm>> -> memref<128xi32, #tpu.memory_space<hbm>>
      tpu.wait_dma2 semaphore(%run_scoped3A_62 : memref<!tpu.dma_semaphore, #tpu.memory_space<semaphore_mem>>) src(%dma_wait3A_73 : memref<128xi32, #tpu.memory_space<hbm>>) dst(%arg11 : memref<128xi32, #tpu.memory_space<vmem>>)
      tpu.yield
    }) : () -> ()
    %mul3A_2 = arith.constant 640 : i32
    %mul3A_3 = arith.muli %arg1, %mul3A_2 : i32
    %mul3A_4 = arith.constant 640 : i32
    %mul3A_5 = arith.muli %arg1, %mul3A_4 : i32
    "tpu.region"() ({
      %run_scoped3A_62 = tpu.sem_alloc : memref<!tpu.dma_semaphore, #tpu.memory_space<semaphore_mem>>
      %dma_start3A_63 = arith.constant 0 : i32
      %dma_start3A_64 = tpu.memref_slice %arg15[%mul3A_5, %dma_start3A_63] : memref<10240x128xf32, #tpu.memory_space<vmem_shared>> -> memref<640x128xf32, #tpu.memory_space<vmem_shared>>
      %dma_start3A_65 = arith.constant 0 : i32
      %dma_start3A_66 = tpu.memref_slice %arg5[%mul3A_3, %dma_start3A_65] : memref<10240x128xf32, #tpu.memory_space<hbm>> -> memref<640x128xf32, #tpu.memory_space<hbm>>
      tpu.enqueue_dma source(%dma_start3A_66 : memref<640x128xf32, #tpu.memory_space<hbm>>) target(%dma_start3A_64 : memref<640x128xf32, #tpu.memory_space<vmem_shared>>) target_semaphore(%run_scoped3A_62 : memref<!tpu.dma_semaphore, #tpu.memory_space<semaphore_mem>>)
      %dma_wait3A = arith.constant 0 : i32
      %dma_wait3A_67 = tpu.memref_slice %arg15[%mul3A_5, %dma_wait3A] : memref<10240x128xf32, #tpu.memory_space<vmem_shared>> -> memref<640x128xf32, #tpu.memory_space<vmem_shared>>
      %dma_wait3A_68 = arith.constant 0 : i32
      %dma_wait3A_69 = tpu.memref_slice %arg5[%mul3A_3, %dma_wait3A_68] : memref<10240x128xf32, #tpu.memory_space<hbm>> -> memref<640x128xf32, #tpu.memory_space<hbm>>
      tpu.wait_dma2 semaphore(%run_scoped3A_62 : memref<!tpu.dma_semaphore, #tpu.memory_space<semaphore_mem>>) src(%dma_wait3A_69 : memref<640x128xf32, #tpu.memory_space<hbm>>) dst(%dma_wait3A_67 : memref<640x128xf32, #tpu.memory_space<vmem_shared>>)
      tpu.yield
    }) : () -> ()
    %mul3A_6 = arith.constant 640 : i32
    %mul3A_7 = arith.muli %arg1, %mul3A_6 : i32
    %mul3A_8 = arith.constant 640 : i32
    %mul3A_9 = arith.muli %arg1, %mul3A_8 : i32
    "tpu.region"() ({
      %run_scoped3A_62 = tpu.sem_alloc : memref<!tpu.dma_semaphore, #tpu.memory_space<semaphore_mem>>
      %dma_start3A_63 = tpu.memref_slice %arg16[%mul3A_9] : memref<10240xf32, #tpu.memory_space<vmem_shared>> -> memref<640xf32, #tpu.memory_space<vmem_shared>>
      %dma_start3A_64 = tpu.memref_slice %arg6[%mul3A_7] : memref<10240xf32, #tpu.memory_space<hbm>> -> memref<640xf32, #tpu.memory_space<hbm>>
      tpu.enqueue_dma source(%dma_start3A_64 : memref<640xf32, #tpu.memory_space<hbm>>) target(%dma_start3A_63 : memref<640xf32, #tpu.memory_space<vmem_shared>>) target_semaphore(%run_scoped3A_62 : memref<!tpu.dma_semaphore, #tpu.memory_space<semaphore_mem>>)
      %dma_wait3A = tpu.memref_slice %arg16[%mul3A_9] : memref<10240xf32, #tpu.memory_space<vmem_shared>> -> memref<640xf32, #tpu.memory_space<vmem_shared>>
      %dma_wait3A_65 = tpu.memref_slice %arg6[%mul3A_7] : memref<10240xf32, #tpu.memory_space<hbm>> -> memref<640xf32, #tpu.memory_space<hbm>>
      tpu.wait_dma2 semaphore(%run_scoped3A_62 : memref<!tpu.dma_semaphore, #tpu.memory_space<semaphore_mem>>) src(%dma_wait3A_65 : memref<640xf32, #tpu.memory_space<hbm>>) dst(%dma_wait3A : memref<640xf32, #tpu.memory_space<vmem_shared>>)
      tpu.yield
    }) : () -> ()
    %broadcast_in_dim3A = arith.constant 1.000000e+00 : f32
    %broadcast_in_dim3A_10 = vector.broadcast %broadcast_in_dim3A : f32 to vector<16xf32>
    %swap3A = arith.constant 0 : index
    %swap3A_11 = tpu.vector_load %arg14[%swap3A] {strides = array<i32>} : memref<125xf32, #tpu.memory_space<vmem>>, vector<16xf32>,
    %swap3A_12 = vector.shape_cast %swap3A_11 : vector<16xf32> to vector<16xf32>
    %swap3A_13 = vector.shape_cast %broadcast_in_dim3A_10 : vector<16xf32> to vector<16xf32>
    tpu.vector_store %arg14[%swap3A], %swap3A_13 {strides = array<i32>} : memref<125xf32, #tpu.memory_space<vmem>>, vector<16xf32>,
    %swap3A_14 = arith.constant 16 : index
    %swap3A_15 = tpu.vector_load %arg14[%swap3A_14] {strides = array<i32>} : memref<125xf32, #tpu.memory_space<vmem>>, vector<16xf32>,
    %swap3A_16 = vector.shape_cast %swap3A_15 : vector<16xf32> to vector<16xf32>
    %swap3A_17 = vector.shape_cast %broadcast_in_dim3A_10 : vector<16xf32> to vector<16xf32>
    tpu.vector_store %arg14[%swap3A_14], %swap3A_17 {strides = array<i32>} : memref<125xf32, #tpu.memory_space<vmem>>, vector<16xf32>,
    %swap3A_18 = arith.constant 32 : index
    %swap3A_19 = tpu.vector_load %arg14[%swap3A_18] {strides = array<i32>} : memref<125xf32, #tpu.memory_space<vmem>>, vector<16xf32>,
    %swap3A_20 = vector.shape_cast %swap3A_19 : vector<16xf32> to vector<16xf32>
    %swap3A_21 = vector.shape_cast %broadcast_in_dim3A_10 : vector<16xf32> to vector<16xf32>
    tpu.vector_store %arg14[%swap3A_18], %swap3A_21 {strides = array<i32>} : memref<125xf32, #tpu.memory_space<vmem>>, vector<16xf32>,
    %swap3A_22 = arith.constant 48 : index
    %swap3A_23 = tpu.vector_load %arg14[%swap3A_22] {strides = array<i32>} : memref<125xf32, #tpu.memory_space<vmem>>, vector<16xf32>,
    %swap3A_24 = vector.shape_cast %swap3A_23 : vector<16xf32> to vector<16xf32>
    %swap3A_25 = vector.shape_cast %broadcast_in_dim3A_10 : vector<16xf32> to vector<16xf32>
    tpu.vector_store %arg14[%swap3A_22], %swap3A_25 {strides = array<i32>} : memref<125xf32, #tpu.memory_space<vmem>>, vector<16xf32>,
    %swap3A_26 = arith.constant 64 : index
    %swap3A_27 = tpu.vector_load %arg14[%swap3A_26] {strides = array<i32>} : memref<125xf32, #tpu.memory_space<vmem>>, vector<16xf32>,
    %swap3A_28 = vector.shape_cast %swap3A_27 : vector<16xf32> to vector<16xf32>
    %swap3A_29 = vector.shape_cast %broadcast_in_dim3A_10 : vector<16xf32> to vector<16xf32>
    tpu.vector_store %arg14[%swap3A_26], %swap3A_29 {strides = array<i32>} : memref<125xf32, #tpu.memory_space<vmem>>, vector<16xf32>,
    %swap3A_30 = arith.constant 80 : index
    %swap3A_31 = tpu.vector_load %arg14[%swap3A_30] {strides = array<i32>} : memref<125xf32, #tpu.memory_space<vmem>>, vector<16xf32>,
    %swap3A_32 = vector.shape_cast %swap3A_31 : vector<16xf32> to vector<16xf32>
    %swap3A_33 = vector.shape_cast %broadcast_in_dim3A_10 : vector<16xf32> to vector<16xf32>
    tpu.vector_store %arg14[%swap3A_30], %swap3A_33 {strides = array<i32>} : memref<125xf32, #tpu.memory_space<vmem>>, vector<16xf32>,
    %swap3A_34 = arith.constant 96 : index
    %swap3A_35 = tpu.vector_load %arg14[%swap3A_34] {strides = array<i32>} : memref<125xf32, #tpu.memory_space<vmem>>, vector<16xf32>,
    %swap3A_36 = vector.shape_cast %swap3A_35 : vector<16xf32> to vector<16xf32>
    %swap3A_37 = vector.shape_cast %broadcast_in_dim3A_10 : vector<16xf32> to vector<16xf32>
    tpu.vector_store %arg14[%swap3A_34], %swap3A_37 {strides = array<i32>} : memref<125xf32, #tpu.memory_space<vmem>>, vector<16xf32>,
    %swap3A_38 = arith.constant 109 : index
    %swap3A_39 = tpu.vector_load %arg14[%swap3A_38] {strides = array<i32>} : memref<125xf32, #tpu.memory_space<vmem>>, vector<16xf32>,
    %swap3A_40 = vector.shape_cast %swap3A_39 : vector<16xf32> to vector<16xf32>
    %swap3A_41 = vector.shape_cast %broadcast_in_dim3A_10 : vector<16xf32> to vector<16xf32>
    tpu.vector_store %arg14[%swap3A_38], %swap3A_41 {strides = array<i32>} : memref<125xf32, #tpu.memory_space<vmem>>, vector<16xf32>,
    %barrier3A = arith.constant 0 : index
    tpu.barrier barrier_id(%barrier3A)
    %dma_start3A = arith.constant 0 : i32
    %dma_start3A_42 = arith.constant 0 : i32
    %dma_start3A_43 = tpu.memref_slice %arg9[%dma_start3A, %dma_start3A_42] : memref<80x125xi32, #tpu.memory_space<vmem>> -> memref<1x125xi32, #tpu.memory_space<vmem>>
    %dma_start3A_44 = tpu.memref_squeeze %dma_start3A_43 : memref<1x125xi32, #tpu.memory_space<vmem>> -> memref<125xi32, #tpu.memory_space<vmem>>
    %dma_start3A_45 = arith.constant 0 : i32
    %dma_start3A_46 = arith.constant 0 : i32
    %dma_start3A_47 = tpu.memref_slice %arg2[%dma_start3A_45, %dma_start3A_46] : memref<10000x128xf32, #tpu.memory_space<hbm>> -> memref<10000x128xf32, #tpu.memory_space<hbm>>
    tpu.enqueue_indirect_dma source(%dma_start3A_47 : memref<10000x128xf32, #tpu.memory_space<hbm>>) target(%arg12 : memref<125x128xf32, #tpu.memory_space<vmem>>) offsets(%dma_start3A_44 : memref<125xi32, #tpu.memory_space<vmem>>) semaphore(%arg17 : memref<!tpu.dma_semaphore, #tpu.memory_space<semaphore_mem>>)
    %scan3A = arith.constant 0 : i32
    %scan3A_48 = arith.constant 0 : i32
    %scan3A_49 = arith.constant 40 : i32
    %scan3A_50 = arith.addi %scan3A_48, %scan3A_49 : i32
    %scan3A_51 = arith.constant 1 : i32
    scf.for %scan3A_62 = %scan3A_48 to %scan3A_50 step %scan3A_51  : i32 {
      %mul3A_63 = arith.constant 2 : i32
      %mul3A_64 = arith.muli %mul3A_63, %scan3A_62 : i32
      %add3A_65 = arith.constant 1 : i32
      %add3A_66 = arith.addi %mul3A_64, %add3A_65 : i32
      %dma_start3A_67 = arith.constant 0 : i32
      %dma_start3A_68 = tpu.memref_slice %arg9[%add3A_66, %dma_start3A_67] : memref<80x125xi32, #tpu.memory_space<vmem>> -> memref<1x125xi32, #tpu.memory_space<vmem>>
      %dma_start3A_69 = tpu.memref_squeeze %dma_start3A_68 : memref<1x125xi32, #tpu.memory_space<vmem>> -> memref<125xi32, #tpu.memory_space<vmem>>
      %dma_start3A_70 = arith.constant 0 : i32
      %dma_start3A_71 = arith.constant 0 : i32
      %dma_start3A_72 = tpu.memref_slice %arg2[%dma_start3A_70, %dma_start3A_71] : memref<10000x128xf32, #tpu.memory_space<hbm>> -> memref<10000x128xf32, #tpu.memory_space<hbm>>
      tpu.enqueue_indirect_dma source(%dma_start3A_72 : memref<10000x128xf32, #tpu.memory_space<hbm>>) target(%arg13 : memref<125x128xf32, #tpu.memory_space<vmem>>) offsets(%dma_start3A_69 : memref<125xi32, #tpu.memory_space<vmem>>) semaphore(%arg18 : memref<!tpu.dma_semaphore, #tpu.memory_space<semaphore_mem>>)
      %dma_wait3A = arith.constant 0 : i32
      %dma_wait3A_73 = arith.constant 0 : i32
      %dma_wait3A_74 = tpu.memref_slice %arg9[%dma_wait3A, %dma_wait3A_73] : memref<80x125xi32, #tpu.memory_space<vmem>> -> memref<1x125xi32, #tpu.memory_space<vmem>>
      %dma_wait3A_75 = tpu.memref_squeeze %dma_wait3A_74 : memref<1x125xi32, #tpu.memory_space<vmem>> -> memref<125xi32, #tpu.memory_space<vmem>>
      %dma_wait3A_76 = arith.constant 0 : i32
      %dma_wait3A_77 = arith.constant 0 : i32
      %dma_wait3A_78 = tpu.memref_slice %arg2[%dma_wait3A_76, %dma_wait3A_77] : memref<10000x128xf32, #tpu.memory_space<hbm>> -> memref<10000x128xf32, #tpu.memory_space<hbm>>
      tpu.wait_indirect_dma semaphore(%arg17 : memref<!tpu.dma_semaphore, #tpu.memory_space<semaphore_mem>>) src(%dma_wait3A_78 : memref<10000x128xf32, #tpu.memory_space<hbm>>) dst(%arg12 : memref<125x128xf32, #tpu.memory_space<vmem>>)
      %gt3A = arith.constant 0 : i32
      %gt3A_79 = arith.cmpi sgt, %mul3A_64, %gt3A : i32
      %convert_element_type3A = arith.extui %gt3A_79 : i1 to i32
      %cond3A = arith.constant 0 : i32
      %cond3A_80 = arith.cmpi ne, %convert_element_type3A, %cond3A : i32
      scf.if %cond3A_80 {
        %dma_wait3A_106 = arith.constant 0 : i32
        %dma_wait3A_107 = arith.constant 0 : i32
        %dma_wait3A_108 = tpu.memref_slice %arg4[%add3A, %dma_wait3A_106, %dma_wait3A_107] : memref<32x80x128xi32, #tpu.memory_space<hbm>> -> memref<1x1x128xi32, #tpu.memory_space<hbm>>
        %dma_wait3A_109 = tpu.memref_squeeze %dma_wait3A_108 : memref<1x1x128xi32, #tpu.memory_space<hbm>> -> memref<128xi32, #tpu.memory_space<hbm>>
        %dma_wait3A_110 = arith.constant 0 : i32
        %dma_wait3A_111 = tpu.memref_slice %arg4[%add3A, %dma_wait3A_106, %dma_wait3A_110] : memref<32x80x128xi32, #tpu.memory_space<hbm>> -> memref<1x1x128xi32, #tpu.memory_space<hbm>>
        %dma_wait3A_112 = tpu.memref_squeeze %dma_wait3A_111 : memref<1x1x128xi32, #tpu.memory_space<hbm>> -> memref<128xi32, #tpu.memory_space<hbm>>
        tpu.wait_dma2 semaphore(%arg19 : memref<!tpu.dma_semaphore, #tpu.memory_space<semaphore_mem>>) src(%dma_wait3A_112 : memref<128xi32, #tpu.memory_space<hbm>>) dst(%arg10 : memref<128xi32, #tpu.memory_space<vmem>>)
      } else {
      }
      "tpu.region"() ({
        %run_scoped3A_106 = tpu.sem_alloc : memref<!tpu.dma_semaphore, #tpu.memory_space<semaphore_mem>>
        %dma_start3A_107 = arith.constant 0 : i32
        %dma_start3A_108 = tpu.memref_slice %arg10[%dma_start3A_107] : memref<128xi32, #tpu.memory_space<vmem>> -> memref<125xi32, #tpu.memory_space<vmem>>
        %dma_start3A_109 = arith.constant 0 : i32
        %dma_start3A_110 = arith.constant 0 : i32
        %dma_start3A_111 = tpu.memref_slice %arg15[%dma_start3A_109, %dma_start3A_110] : memref<10240x128xf32, #tpu.memory_space<vmem_shared>> -> memref<10240x128xf32, #tpu.memory_space<vmem_shared>>
        tpu.enqueue_indirect_dma source(%arg12 : memref<125x128xf32, #tpu.memory_space<vmem>>) target(%dma_start3A_111 : memref<10240x128xf32, #tpu.memory_space<vmem_shared>>) offsets(%dma_start3A_108 : memref<125xi32, #tpu.memory_space<vmem>>) semaphore(%run_scoped3A_106 : memref<!tpu.dma_semaphore, #tpu.memory_space<semaphore_mem>>) {add = true}
        %dma_wait3A_112 = arith.constant 0 : i32
        %dma_wait3A_113 = tpu.memref_slice %arg10[%dma_wait3A_112] : memref<128xi32, #tpu.memory_space<vmem>> -> memref<125xi32, #tpu.memory_space<vmem>>
        %dma_wait3A_114 = arith.constant 0 : i32
        %dma_wait3A_115 = arith.constant 0 : i32
        %dma_wait3A_116 = tpu.memref_slice %arg15[%dma_wait3A_114, %dma_wait3A_115] : memref<10240x128xf32, #tpu.memory_space<vmem_shared>> -> memref<10240x128xf32, #tpu.memory_space<vmem_shared>>
        tpu.wait_indirect_dma semaphore(%run_scoped3A_106 : memref<!tpu.dma_semaphore, #tpu.memory_space<semaphore_mem>>) src(%arg12 : memref<125x128xf32, #tpu.memory_space<vmem>>) dst(%dma_wait3A_116 : memref<10240x128xf32, #tpu.memory_space<vmem_shared>>)
        tpu.yield
      }) : () -> ()
      "tpu.region"() ({
        %run_scoped3A_106 = tpu.sem_alloc : memref<!tpu.dma_semaphore, #tpu.memory_space<semaphore_mem>>
        %dma_start3A_107 = arith.constant 0 : i32
        %dma_start3A_108 = tpu.memref_slice %arg10[%dma_start3A_107] : memref<128xi32, #tpu.memory_space<vmem>> -> memref<125xi32, #tpu.memory_space<vmem>>
        %dma_start3A_109 = arith.constant 0 : i32
        %dma_start3A_110 = tpu.memref_slice %arg16[%dma_start3A_109] : memref<10240xf32, #tpu.memory_space<vmem_shared>> -> memref<10240xf32, #tpu.memory_space<vmem_shared>>
        tpu.enqueue_indirect_dma source(%arg14 : memref<125xf32, #tpu.memory_space<vmem>>) target(%dma_start3A_110 : memref<10240xf32, #tpu.memory_space<vmem_shared>>) offsets(%dma_start3A_108 : memref<125xi32, #tpu.memory_space<vmem>>) semaphore(%run_scoped3A_106 : memref<!tpu.dma_semaphore, #tpu.memory_space<semaphore_mem>>) {add = true}
        %dma_wait3A_111 = arith.constant 0 : i32
        %dma_wait3A_112 = tpu.memref_slice %arg10[%dma_wait3A_111] : memref<128xi32, #tpu.memory_space<vmem>> -> memref<125xi32, #tpu.memory_space<vmem>>
        %dma_wait3A_113 = arith.constant 0 : i32
        %dma_wait3A_114 = tpu.memref_slice %arg16[%dma_wait3A_113] : memref<10240xf32, #tpu.memory_space<vmem_shared>> -> memref<10240xf32, #tpu.memory_space<vmem_shared>>
        tpu.wait_indirect_dma semaphore(%run_scoped3A_106 : memref<!tpu.dma_semaphore, #tpu.memory_space<semaphore_mem>>) src(%arg14 : memref<125xf32, #tpu.memory_space<vmem>>) dst(%dma_wait3A_114 : memref<10240xf32, #tpu.memory_space<vmem_shared>>)
        tpu.yield
      }) : () -> ()
      %add3A_81 = arith.constant 2 : i32
      %add3A_82 = arith.addi %mul3A_64, %add3A_81 : i32
      %lt3A = arith.constant 80 : i32
      %lt3A_83 = arith.cmpi slt, %add3A_82, %lt3A : i32
      %convert_element_type3A_84 = arith.extui %lt3A_83 : i1 to i32
      %cond3A_85 = arith.constant 0 : i32
      %cond3A_86 = arith.cmpi ne, %convert_element_type3A_84, %cond3A_85 : i32
      scf.if %cond3A_86 {
        %add3A_106 = arith.constant 2 : i32
        %add3A_107 = arith.addi %mul3A_64, %add3A_106 : i32
        %dma_start3A_108 = arith.constant 0 : i32
        %dma_start3A_109 = tpu.memref_slice %arg4[%add3A, %add3A_107, %dma_start3A_108] : memref<32x80x128xi32, #tpu.memory_space<hbm>> -> memref<1x1x128xi32, #tpu.memory_space<hbm>>
        %dma_start3A_110 = tpu.memref_squeeze %dma_start3A_109 : memref<1x1x128xi32, #tpu.memory_space<hbm>> -> memref<128xi32, #tpu.memory_space<hbm>>
        %dma_start3A_111 = arith.constant 0 : i32
        %dma_start3A_112 = tpu.memref_slice %arg4[%add3A, %add3A_107, %dma_start3A_111] : memref<32x80x128xi32, #tpu.memory_space<hbm>> -> memref<1x1x128xi32, #tpu.memory_space<hbm>>
        %dma_start3A_113 = tpu.memref_squeeze %dma_start3A_112 : memref<1x1x128xi32, #tpu.memory_space<hbm>> -> memref<128xi32, #tpu.memory_space<hbm>>
        tpu.enqueue_dma source(%dma_start3A_113 : memref<128xi32, #tpu.memory_space<hbm>>) target(%arg10 : memref<128xi32, #tpu.memory_space<vmem>>) target_semaphore(%arg19 : memref<!tpu.dma_semaphore, #tpu.memory_space<semaphore_mem>>)
        %add3A_114 = arith.constant 2 : i32
        %add3A_115 = arith.addi %mul3A_64, %add3A_114 : i32
        %dma_start3A_116 = arith.constant 0 : i32
        %dma_start3A_117 = tpu.memref_slice %arg9[%add3A_115, %dma_start3A_116] : memref<80x125xi32, #tpu.memory_space<vmem>> -> memref<1x125xi32, #tpu.memory_space<vmem>>
        %dma_start3A_118 = tpu.memref_squeeze %dma_start3A_117 : memref<1x125xi32, #tpu.memory_space<vmem>> -> memref<125xi32, #tpu.memory_space<vmem>>
        %dma_start3A_119 = arith.constant 0 : i32
        %dma_start3A_120 = arith.constant 0 : i32
        %dma_start3A_121 = tpu.memref_slice %arg2[%dma_start3A_119, %dma_start3A_120] : memref<10000x128xf32, #tpu.memory_space<hbm>> -> memref<10000x128xf32, #tpu.memory_space<hbm>>
        tpu.enqueue_indirect_dma source(%dma_start3A_121 : memref<10000x128xf32, #tpu.memory_space<hbm>>) target(%arg12 : memref<125x128xf32, #tpu.memory_space<vmem>>) offsets(%dma_start3A_118 : memref<125xi32, #tpu.memory_space<vmem>>) semaphore(%arg17 : memref<!tpu.dma_semaphore, #tpu.memory_space<semaphore_mem>>)
      } else {
      }
      %dma_wait3A_87 = arith.constant 0 : i32
      %dma_wait3A_88 = arith.constant 0 : i32
      %dma_wait3A_89 = tpu.memref_slice %arg9[%dma_wait3A_87, %dma_wait3A_88] : memref<80x125xi32, #tpu.memory_space<vmem>> -> memref<1x125xi32, #tpu.memory_space<vmem>>
      %dma_wait3A_90 = tpu.memref_squeeze %dma_wait3A_89 : memref<1x125xi32, #tpu.memory_space<vmem>> -> memref<125xi32, #tpu.memory_space<vmem>>
      %dma_wait3A_91 = arith.constant 0 : i32
      %dma_wait3A_92 = arith.constant 0 : i32
      %dma_wait3A_93 = tpu.memref_slice %arg2[%dma_wait3A_91, %dma_wait3A_92] : memref<10000x128xf32, #tpu.memory_space<hbm>> -> memref<10000x128xf32, #tpu.memory_space<hbm>>
      tpu.wait_indirect_dma semaphore(%arg18 : memref<!tpu.dma_semaphore, #tpu.memory_space<semaphore_mem>>) src(%dma_wait3A_93 : memref<10000x128xf32, #tpu.memory_space<hbm>>) dst(%arg13 : memref<125x128xf32, #tpu.memory_space<vmem>>)
      %gt3A_94 = arith.constant 0 : i32
      %gt3A_95 = arith.cmpi sgt, %mul3A_64, %gt3A_94 : i32
      %convert_element_type3A_96 = arith.extui %gt3A_95 : i1 to i32
      %cond3A_97 = arith.constant 0 : i32
      %cond3A_98 = arith.cmpi ne, %convert_element_type3A_96, %cond3A_97 : i32
      scf.if %cond3A_98 {
        %dma_wait3A_106 = arith.constant 0 : i32
        %dma_wait3A_107 = arith.constant 0 : i32
        %dma_wait3A_108 = tpu.memref_slice %arg4[%add3A, %dma_wait3A_106, %dma_wait3A_107] : memref<32x80x128xi32, #tpu.memory_space<hbm>> -> memref<1x1x128xi32, #tpu.memory_space<hbm>>
        %dma_wait3A_109 = tpu.memref_squeeze %dma_wait3A_108 : memref<1x1x128xi32, #tpu.memory_space<hbm>> -> memref<128xi32, #tpu.memory_space<hbm>>
        %dma_wait3A_110 = arith.constant 0 : i32
        %dma_wait3A_111 = tpu.memref_slice %arg4[%add3A, %dma_wait3A_106, %dma_wait3A_110] : memref<32x80x128xi32, #tpu.memory_space<hbm>> -> memref<1x1x128xi32, #tpu.memory_space<hbm>>
        %dma_wait3A_112 = tpu.memref_squeeze %dma_wait3A_111 : memref<1x1x128xi32, #tpu.memory_space<hbm>> -> memref<128xi32, #tpu.memory_space<hbm>>
        tpu.wait_dma2 semaphore(%arg20 : memref<!tpu.dma_semaphore, #tpu.memory_space<semaphore_mem>>) src(%dma_wait3A_112 : memref<128xi32, #tpu.memory_space<hbm>>) dst(%arg11 : memref<128xi32, #tpu.memory_space<vmem>>)
      } else {
      }
      "tpu.region"() ({
        %run_scoped3A_106 = tpu.sem_alloc : memref<!tpu.dma_semaphore, #tpu.memory_space<semaphore_mem>>
        %dma_start3A_107 = arith.constant 0 : i32
        %dma_start3A_108 = tpu.memref_slice %arg11[%dma_start3A_107] : memref<128xi32, #tpu.memory_space<vmem>> -> memref<125xi32, #tpu.memory_space<vmem>>
        %dma_start3A_109 = arith.constant 0 : i32
        %dma_start3A_110 = arith.constant 0 : i32
        %dma_start3A_111 = tpu.memref_slice %arg15[%dma_start3A_109, %dma_start3A_110] : memref<10240x128xf32, #tpu.memory_space<vmem_shared>> -> memref<10240x128xf32, #tpu.memory_space<vmem_shared>>
        tpu.enqueue_indirect_dma source(%arg13 : memref<125x128xf32, #tpu.memory_space<vmem>>) target(%dma_start3A_111 : memref<10240x128xf32, #tpu.memory_space<vmem_shared>>) offsets(%dma_start3A_108 : memref<125xi32, #tpu.memory_space<vmem>>) semaphore(%run_scoped3A_106 : memref<!tpu.dma_semaphore, #tpu.memory_space<semaphore_mem>>) {add = true}
        %dma_wait3A_112 = arith.constant 0 : i32
        %dma_wait3A_113 = tpu.memref_slice %arg11[%dma_wait3A_112] : memref<128xi32, #tpu.memory_space<vmem>> -> memref<125xi32, #tpu.memory_space<vmem>>
        %dma_wait3A_114 = arith.constant 0 : i32
        %dma_wait3A_115 = arith.constant 0 : i32
        %dma_wait3A_116 = tpu.memref_slice %arg15[%dma_wait3A_114, %dma_wait3A_115] : memref<10240x128xf32, #tpu.memory_space<vmem_shared>> -> memref<10240x128xf32, #tpu.memory_space<vmem_shared>>
        tpu.wait_indirect_dma semaphore(%run_scoped3A_106 : memref<!tpu.dma_semaphore, #tpu.memory_space<semaphore_mem>>) src(%arg13 : memref<125x128xf32, #tpu.memory_space<vmem>>) dst(%dma_wait3A_116 : memref<10240x128xf32, #tpu.memory_space<vmem_shared>>)
        tpu.yield
      }) : () -> ()
      "tpu.region"() ({
        %run_scoped3A_106 = tpu.sem_alloc : memref<!tpu.dma_semaphore, #tpu.memory_space<semaphore_mem>>
        %dma_start3A_107 = arith.constant 0 : i32
        %dma_start3A_108 = tpu.memref_slice %arg11[%dma_start3A_107] : memref<128xi32, #tpu.memory_space<vmem>> -> memref<125xi32, #tpu.memory_space<vmem>>
        %dma_start3A_109 = arith.constant 0 : i32
        %dma_start3A_110 = tpu.memref_slice %arg16[%dma_start3A_109] : memref<10240xf32, #tpu.memory_space<vmem_shared>> -> memref<10240xf32, #tpu.memory_space<vmem_shared>>
        tpu.enqueue_indirect_dma source(%arg14 : memref<125xf32, #tpu.memory_space<vmem>>) target(%dma_start3A_110 : memref<10240xf32, #tpu.memory_space<vmem_shared>>) offsets(%dma_start3A_108 : memref<125xi32, #tpu.memory_space<vmem>>) semaphore(%run_scoped3A_106 : memref<!tpu.dma_semaphore, #tpu.memory_space<semaphore_mem>>) {add = true}
        %dma_wait3A_111 = arith.constant 0 : i32
        %dma_wait3A_112 = tpu.memref_slice %arg11[%dma_wait3A_111] : memref<128xi32, #tpu.memory_space<vmem>> -> memref<125xi32, #tpu.memory_space<vmem>>
        %dma_wait3A_113 = arith.constant 0 : i32
        %dma_wait3A_114 = tpu.memref_slice %arg16[%dma_wait3A_113] : memref<10240xf32, #tpu.memory_space<vmem_shared>> -> memref<10240xf32, #tpu.memory_space<vmem_shared>>
        tpu.wait_indirect_dma semaphore(%run_scoped3A_106 : memref<!tpu.dma_semaphore, #tpu.memory_space<semaphore_mem>>) src(%arg14 : memref<125xf32, #tpu.memory_space<vmem>>) dst(%dma_wait3A_114 : memref<10240xf32, #tpu.memory_space<vmem_shared>>)
        tpu.yield
      }) : () -> ()
      %add3A_99 = arith.constant 3 : i32
      %add3A_100 = arith.addi %mul3A_64, %add3A_99 : i32
      %lt3A_101 = arith.constant 80 : i32
      %lt3A_102 = arith.cmpi slt, %add3A_100, %lt3A_101 : i32
      %convert_element_type3A_103 = arith.extui %lt3A_102 : i1 to i32
      %cond3A_104 = arith.constant 0 : i32
      %cond3A_105 = arith.cmpi ne, %convert_element_type3A_103, %cond3A_104 : i32
      scf.if %cond3A_105 {
        %add3A_106 = arith.constant 3 : i32
        %add3A_107 = arith.addi %mul3A_64, %add3A_106 : i32
        %dma_start3A_108 = arith.constant 0 : i32
        %dma_start3A_109 = tpu.memref_slice %arg4[%add3A, %add3A_107, %dma_start3A_108] : memref<32x80x128xi32, #tpu.memory_space<hbm>> -> memref<1x1x128xi32, #tpu.memory_space<hbm>>
        %dma_start3A_110 = tpu.memref_squeeze %dma_start3A_109 : memref<1x1x128xi32, #tpu.memory_space<hbm>> -> memref<128xi32, #tpu.memory_space<hbm>>
        %dma_start3A_111 = arith.constant 0 : i32
        %dma_start3A_112 = tpu.memref_slice %arg4[%add3A, %add3A_107, %dma_start3A_111] : memref<32x80x128xi32, #tpu.memory_space<hbm>> -> memref<1x1x128xi32, #tpu.memory_space<hbm>>
        %dma_start3A_113 = tpu.memref_squeeze %dma_start3A_112 : memref<1x1x128xi32, #tpu.memory_space<hbm>> -> memref<128xi32, #tpu.memory_space<hbm>>
        tpu.enqueue_dma source(%dma_start3A_113 : memref<128xi32, #tpu.memory_space<hbm>>) target(%arg11 : memref<128xi32, #tpu.memory_space<vmem>>) target_semaphore(%arg20 : memref<!tpu.dma_semaphore, #tpu.memory_space<semaphore_mem>>)
      } else {
      }
    }
    %scan3A_52 = arith.constant 40 : i32
    %barrier3A_53 = arith.constant 0 : index
    tpu.barrier barrier_id(%barrier3A_53)
    %mul3A_54 = arith.constant 640 : i32
    %mul3A_55 = arith.muli %arg1, %mul3A_54 : i32
    %mul3A_56 = arith.constant 640 : i32
    %mul3A_57 = arith.muli %arg1, %mul3A_56 : i32
    "tpu.region"() ({
      %run_scoped3A_62 = tpu.sem_alloc : memref<!tpu.dma_semaphore, #tpu.memory_space<semaphore_mem>>
      %dma_start3A_63 = arith.constant 0 : i32
      %dma_start3A_64 = tpu.memref_slice %arg7[%arg0, %mul3A_57, %dma_start3A_63] : memref<2x10240x128xf32, #tpu.memory_space<hbm>> -> memref<1x640x128xf32, #tpu.memory_space<hbm>>
      %dma_start3A_65 = tpu.memref_squeeze %dma_start3A_64 : memref<1x640x128xf32, #tpu.memory_space<hbm>> -> memref<640x128xf32, #tpu.memory_space<hbm>>
      %dma_start3A_66 = arith.constant 0 : i32
      %dma_start3A_67 = tpu.memref_slice %arg15[%mul3A_55, %dma_start3A_66] : memref<10240x128xf32, #tpu.memory_space<vmem_shared>> -> memref<640x128xf32, #tpu.memory_space<vmem_shared>>
      tpu.enqueue_dma source(%dma_start3A_67 : memref<640x128xf32, #tpu.memory_space<vmem_shared>>) target(%dma_start3A_65 : memref<640x128xf32, #tpu.memory_space<hbm>>) target_semaphore(%run_scoped3A_62 : memref<!tpu.dma_semaphore, #tpu.memory_space<semaphore_mem>>)
      %dma_wait3A = arith.constant 0 : i32
      %dma_wait3A_68 = tpu.memref_slice %arg7[%arg0, %mul3A_57, %dma_wait3A] : memref<2x10240x128xf32, #tpu.memory_space<hbm>> -> memref<1x640x128xf32, #tpu.memory_space<hbm>>
      %dma_wait3A_69 = tpu.memref_squeeze %dma_wait3A_68 : memref<1x640x128xf32, #tpu.memory_space<hbm>> -> memref<640x128xf32, #tpu.memory_space<hbm>>
      %dma_wait3A_70 = arith.constant 0 : i32
      %dma_wait3A_71 = tpu.memref_slice %arg15[%mul3A_55, %dma_wait3A_70] : memref<10240x128xf32, #tpu.memory_space<vmem_shared>> -> memref<640x128xf32, #tpu.memory_space<vmem_shared>>
      tpu.wait_dma2 semaphore(%run_scoped3A_62 : memref<!tpu.dma_semaphore, #tpu.memory_space<semaphore_mem>>) src(%dma_wait3A_71 : memref<640x128xf32, #tpu.memory_space<vmem_shared>>) dst(%dma_wait3A_69 : memref<640x128xf32, #tpu.memory_space<hbm>>)
      tpu.yield
    }) : () -> ()
    %mul3A_58 = arith.constant 640 : i32
    %mul3A_59 = arith.muli %arg1, %mul3A_58 : i32
    %mul3A_60 = arith.constant 640 : i32
    %mul3A_61 = arith.muli %arg1, %mul3A_60 : i32
    "tpu.region"() ({
      %run_scoped3A_62 = tpu.sem_alloc : memref<!tpu.dma_semaphore, #tpu.memory_space<semaphore_mem>>
      %dma_start3A_63 = tpu.memref_slice %arg8[%arg0, %mul3A_61] : memref<2x10240xf32, #tpu.memory_space<hbm>> -> memref<1x640xf32, #tpu.memory_space<hbm>>
      %dma_start3A_64 = tpu.memref_squeeze %dma_start3A_63 : memref<1x640xf32, #tpu.memory_space<hbm>> -> memref<640xf32, #tpu.memory_space<hbm>>
      %dma_start3A_65 = tpu.memref_slice %arg16[%mul3A_59] : memref<10240xf32, #tpu.memory_space<vmem_shared>> -> memref<640xf32, #tpu.memory_space<vmem_shared>>
      tpu.enqueue_dma source(%dma_start3A_65 : memref<640xf32, #tpu.memory_space<vmem_shared>>) target(%dma_start3A_64 : memref<640xf32, #tpu.memory_space<hbm>>) target_semaphore(%run_scoped3A_62 : memref<!tpu.dma_semaphore, #tpu.memory_space<semaphore_mem>>)
      %dma_wait3A = tpu.memref_slice %arg8[%arg0, %mul3A_61] : memref<2x10240xf32, #tpu.memory_space<hbm>> -> memref<1x640xf32, #tpu.memory_space<hbm>>
      %dma_wait3A_66 = tpu.memref_squeeze %dma_wait3A : memref<1x640xf32, #tpu.memory_space<hbm>> -> memref<640xf32, #tpu.memory_space<hbm>>
      %dma_wait3A_67 = tpu.memref_slice %arg16[%mul3A_59] : memref<10240xf32, #tpu.memory_space<vmem_shared>> -> memref<640xf32, #tpu.memory_space<vmem_shared>>
      tpu.wait_dma2 semaphore(%run_scoped3A_62 : memref<!tpu.dma_semaphore, #tpu.memory_space<semaphore_mem>>) src(%dma_wait3A_67 : memref<640xf32, #tpu.memory_space<vmem_shared>>) dst(%dma_wait3A_66 : memref<640xf32, #tpu.memory_space<hbm>>)
      tpu.yield
    }) : () -> ()
    return
  }
}

#map = affine_map<(d0, d1) -> (0, 0)>
#map1 = affine_map<(d0, d1) -> (0, 0, 0)>
#map2 = affine_map<(d0, d1) -> (0)>
#map3 = affine_map<(d0, d1) -> (0, 0, 0, 0)>
module attributes {stable_mosaic.version = 14 : i64} {
  func.func @_edge_kernel(%arg0: i32, %arg1: i32, %arg2: memref<10000x128xf32, #tpu.memory_space<hbm>>, %arg3: memref<10000x128xf32, #tpu.memory_space<hbm>>, %arg4: memref<32x80x125xi32, #tpu.memory_space<hbm>>, %arg5: memref<32x80x125xi32, #tpu.memory_space<hbm>>, %arg6: memref<128xf32, #tpu.memory_space<hbm>>, %arg7: memref<32x80x125x16xf32, #tpu.memory_space<hbm>>, %arg8: memref<80x125xi32, #tpu.memory_space<vmem>>, %arg9: memref<80x125xi32, #tpu.memory_space<vmem>>, %arg10: memref<125x128xf32, #tpu.memory_space<vmem>>, %arg11: memref<125x128xf32, #tpu.memory_space<vmem>>, %arg12: memref<125x128xf32, #tpu.memory_space<vmem>>, %arg13: memref<125x128xf32, #tpu.memory_space<vmem>>, %arg14: memref<125x16xf32, #tpu.memory_space<vmem>>, %arg15: memref<125x16xf32, #tpu.memory_space<vmem>>, %arg16: memref<128xf32, #tpu.memory_space<vmem>>, %arg17: memref<!tpu.dma_semaphore, #tpu.memory_space<semaphore_mem>>, %arg18: memref<!tpu.dma_semaphore, #tpu.memory_space<semaphore_mem>>, %arg19: memref<!tpu.dma_semaphore, #tpu.memory_space<semaphore_mem>>) attributes {dimension_semantics = [#tpu.dimension_semantics<core_parallel>, #tpu.dimension_semantics<subcore_parallel>], iteration_bounds = array<i64: 2, 16>, scalar_prefetch = 0 : i64, scratch_operands = 12 : i64, tpu.core_type = #tpu.core_type<sc_vector_subcore>, window_params = [{transform_indices = #map}, {transform_indices = #map}, {transform_indices = #map1}, {transform_indices = #map1}, {transform_indices = #map2}, {transform_indices = #map3}]} {
    %mul3A = arith.constant 2 : i32
    %mul3A_0 = arith.muli %arg1, %mul3A : i32
    %add3A = arith.addi %mul3A_0, %arg0 : i32
    "tpu.region"() ({
      %run_scoped3A = tpu.sem_alloc : memref<!tpu.dma_semaphore, #tpu.memory_space<semaphore_mem>>
      %dma_start3A_20 = arith.constant 0 : i32
      %dma_start3A_21 = arith.constant 0 : i32
      %dma_start3A_22 = tpu.memref_slice %arg4[%add3A, %dma_start3A_20, %dma_start3A_21] : memref<32x80x125xi32, #tpu.memory_space<hbm>> -> memref<1x80x125xi32, #tpu.memory_space<hbm>>
      %dma_start3A_23 = tpu.memref_squeeze %dma_start3A_22 : memref<1x80x125xi32, #tpu.memory_space<hbm>> -> memref<80x125xi32, #tpu.memory_space<hbm>>
      %dma_start3A_24 = arith.constant 0 : i32
      %dma_start3A_25 = arith.constant 0 : i32
      %dma_start3A_26 = tpu.memref_slice %arg4[%add3A, %dma_start3A_24, %dma_start3A_25] : memref<32x80x125xi32, #tpu.memory_space<hbm>> -> memref<1x80x125xi32, #tpu.memory_space<hbm>>
      %dma_start3A_27 = tpu.memref_squeeze %dma_start3A_26 : memref<1x80x125xi32, #tpu.memory_space<hbm>> -> memref<80x125xi32, #tpu.memory_space<hbm>>
      tpu.enqueue_dma source(%dma_start3A_27 : memref<80x125xi32, #tpu.memory_space<hbm>>) target(%arg8 : memref<80x125xi32, #tpu.memory_space<vmem>>) target_semaphore(%run_scoped3A : memref<!tpu.dma_semaphore, #tpu.memory_space<semaphore_mem>>)
      %dma_wait3A = arith.constant 0 : i32
      %dma_wait3A_28 = arith.constant 0 : i32
      %dma_wait3A_29 = tpu.memref_slice %arg4[%add3A, %dma_wait3A, %dma_wait3A_28] : memref<32x80x125xi32, #tpu.memory_space<hbm>> -> memref<1x80x125xi32, #tpu.memory_space<hbm>>
      %dma_wait3A_30 = tpu.memref_squeeze %dma_wait3A_29 : memref<1x80x125xi32, #tpu.memory_space<hbm>> -> memref<80x125xi32, #tpu.memory_space<hbm>>
      %dma_wait3A_31 = arith.constant 0 : i32
      %dma_wait3A_32 = arith.constant 0 : i32
      %dma_wait3A_33 = tpu.memref_slice %arg4[%add3A, %dma_wait3A_31, %dma_wait3A_32] : memref<32x80x125xi32, #tpu.memory_space<hbm>> -> memref<1x80x125xi32, #tpu.memory_space<hbm>>
      %dma_wait3A_34 = tpu.memref_squeeze %dma_wait3A_33 : memref<1x80x125xi32, #tpu.memory_space<hbm>> -> memref<80x125xi32, #tpu.memory_space<hbm>>
      tpu.wait_dma2 semaphore(%run_scoped3A : memref<!tpu.dma_semaphore, #tpu.memory_space<semaphore_mem>>) src(%dma_wait3A_34 : memref<80x125xi32, #tpu.memory_space<hbm>>) dst(%arg8 : memref<80x125xi32, #tpu.memory_space<vmem>>)
      tpu.yield
    }) : () -> ()
    "tpu.region"() ({
      %run_scoped3A = tpu.sem_alloc : memref<!tpu.dma_semaphore, #tpu.memory_space<semaphore_mem>>
      %dma_start3A_20 = arith.constant 0 : i32
      %dma_start3A_21 = arith.constant 0 : i32
      %dma_start3A_22 = tpu.memref_slice %arg5[%add3A, %dma_start3A_20, %dma_start3A_21] : memref<32x80x125xi32, #tpu.memory_space<hbm>> -> memref<1x80x125xi32, #tpu.memory_space<hbm>>
      %dma_start3A_23 = tpu.memref_squeeze %dma_start3A_22 : memref<1x80x125xi32, #tpu.memory_space<hbm>> -> memref<80x125xi32, #tpu.memory_space<hbm>>
      %dma_start3A_24 = arith.constant 0 : i32
      %dma_start3A_25 = arith.constant 0 : i32
      %dma_start3A_26 = tpu.memref_slice %arg5[%add3A, %dma_start3A_24, %dma_start3A_25] : memref<32x80x125xi32, #tpu.memory_space<hbm>> -> memref<1x80x125xi32, #tpu.memory_space<hbm>>
      %dma_start3A_27 = tpu.memref_squeeze %dma_start3A_26 : memref<1x80x125xi32, #tpu.memory_space<hbm>> -> memref<80x125xi32, #tpu.memory_space<hbm>>
      tpu.enqueue_dma source(%dma_start3A_27 : memref<80x125xi32, #tpu.memory_space<hbm>>) target(%arg9 : memref<80x125xi32, #tpu.memory_space<vmem>>) target_semaphore(%run_scoped3A : memref<!tpu.dma_semaphore, #tpu.memory_space<semaphore_mem>>)
      %dma_wait3A = arith.constant 0 : i32
      %dma_wait3A_28 = arith.constant 0 : i32
      %dma_wait3A_29 = tpu.memref_slice %arg5[%add3A, %dma_wait3A, %dma_wait3A_28] : memref<32x80x125xi32, #tpu.memory_space<hbm>> -> memref<1x80x125xi32, #tpu.memory_space<hbm>>
      %dma_wait3A_30 = tpu.memref_squeeze %dma_wait3A_29 : memref<1x80x125xi32, #tpu.memory_space<hbm>> -> memref<80x125xi32, #tpu.memory_space<hbm>>
      %dma_wait3A_31 = arith.constant 0 : i32
      %dma_wait3A_32 = arith.constant 0 : i32
      %dma_wait3A_33 = tpu.memref_slice %arg5[%add3A, %dma_wait3A_31, %dma_wait3A_32] : memref<32x80x125xi32, #tpu.memory_space<hbm>> -> memref<1x80x125xi32, #tpu.memory_space<hbm>>
      %dma_wait3A_34 = tpu.memref_squeeze %dma_wait3A_33 : memref<1x80x125xi32, #tpu.memory_space<hbm>> -> memref<80x125xi32, #tpu.memory_space<hbm>>
      tpu.wait_dma2 semaphore(%run_scoped3A : memref<!tpu.dma_semaphore, #tpu.memory_space<semaphore_mem>>) src(%dma_wait3A_34 : memref<80x125xi32, #tpu.memory_space<hbm>>) dst(%arg9 : memref<80x125xi32, #tpu.memory_space<vmem>>)
      tpu.yield
    }) : () -> ()
    "tpu.region"() ({
      %run_scoped3A = tpu.sem_alloc : memref<!tpu.dma_semaphore, #tpu.memory_space<semaphore_mem>>
      tpu.enqueue_dma source(%arg6 : memref<128xf32, #tpu.memory_space<hbm>>) target(%arg16 : memref<128xf32, #tpu.memory_space<vmem>>) target_semaphore(%run_scoped3A : memref<!tpu.dma_semaphore, #tpu.memory_space<semaphore_mem>>)
      tpu.wait_dma2 semaphore(%run_scoped3A : memref<!tpu.dma_semaphore, #tpu.memory_space<semaphore_mem>>) src(%arg6 : memref<128xf32, #tpu.memory_space<hbm>>) dst(%arg16 : memref<128xf32, #tpu.memory_space<vmem>>)
      tpu.yield
    }) : () -> ()
    %broadcast_in_dim3A = arith.constant 0.000000e+00 : f32
    %broadcast_in_dim3A_1 = vector.broadcast %broadcast_in_dim3A : f32 to vector<16xf32>
    %dma_start3A = arith.constant 0 : i32
    %dma_start3A_2 = arith.constant 0 : i32
    %dma_start3A_3 = tpu.memref_slice %arg8[%dma_start3A, %dma_start3A_2] : memref<80x125xi32, #tpu.memory_space<vmem>> -> memref<1x125xi32, #tpu.memory_space<vmem>>
    %dma_start3A_4 = tpu.memref_squeeze %dma_start3A_3 : memref<1x125xi32, #tpu.memory_space<vmem>> -> memref<125xi32, #tpu.memory_space<vmem>>
    %dma_start3A_5 = arith.constant 0 : i32
    %dma_start3A_6 = arith.constant 0 : i32
    %dma_start3A_7 = tpu.memref_slice %arg2[%dma_start3A_5, %dma_start3A_6] : memref<10000x128xf32, #tpu.memory_space<hbm>> -> memref<10000x128xf32, #tpu.memory_space<hbm>>
    tpu.enqueue_indirect_dma source(%dma_start3A_7 : memref<10000x128xf32, #tpu.memory_space<hbm>>) target(%arg10 : memref<125x128xf32, #tpu.memory_space<vmem>>) offsets(%dma_start3A_4 : memref<125xi32, #tpu.memory_space<vmem>>) semaphore(%arg17 : memref<!tpu.dma_semaphore, #tpu.memory_space<semaphore_mem>>)
    %dma_start3A_8 = arith.constant 0 : i32
    %dma_start3A_9 = arith.constant 0 : i32
    %dma_start3A_10 = tpu.memref_slice %arg9[%dma_start3A_8, %dma_start3A_9] : memref<80x125xi32, #tpu.memory_space<vmem>> -> memref<1x125xi32, #tpu.memory_space<vmem>>
    %dma_start3A_11 = tpu.memref_squeeze %dma_start3A_10 : memref<1x125xi32, #tpu.memory_space<vmem>> -> memref<125xi32, #tpu.memory_space<vmem>>
    %dma_start3A_12 = arith.constant 0 : i32
    %dma_start3A_13 = arith.constant 0 : i32
    %dma_start3A_14 = tpu.memref_slice %arg3[%dma_start3A_12, %dma_start3A_13] : memref<10000x128xf32, #tpu.memory_space<hbm>> -> memref<10000x128xf32, #tpu.memory_space<hbm>>
    tpu.enqueue_indirect_dma source(%dma_start3A_14 : memref<10000x128xf32, #tpu.memory_space<hbm>>) target(%arg11 : memref<125x128xf32, #tpu.memory_space<vmem>>) offsets(%dma_start3A_11 : memref<125xi32, #tpu.memory_space<vmem>>) semaphore(%arg17 : memref<!tpu.dma_semaphore, #tpu.memory_space<semaphore_mem>>)
    %scan3A = arith.constant 0 : i32
    %scan3A_15 = arith.constant 0 : i32
    %scan3A_16 = arith.constant 40 : i32
    %scan3A_17 = arith.addi %scan3A_15, %scan3A_16 : i32
    %scan3A_18 = arith.constant 1 : i32
    scf.for %scan3A_20 = %scan3A_15 to %scan3A_17 step %scan3A_18  : i32 {
      %mul3A_21 = arith.constant 2 : i32
      %mul3A_22 = arith.muli %mul3A_21, %scan3A_20 : i32
      %add3A_23 = arith.constant 1 : i32
      %add3A_24 = arith.addi %mul3A_22, %add3A_23 : i32
      %dma_start3A_25 = arith.constant 0 : i32
      %dma_start3A_26 = tpu.memref_slice %arg8[%add3A_24, %dma_start3A_25] : memref<80x125xi32, #tpu.memory_space<vmem>> -> memref<1x125xi32, #tpu.memory_space<vmem>>
      %dma_start3A_27 = tpu.memref_squeeze %dma_start3A_26 : memref<1x125xi32, #tpu.memory_space<vmem>> -> memref<125xi32, #tpu.memory_space<vmem>>
      %dma_start3A_28 = arith.constant 0 : i32
      %dma_start3A_29 = arith.constant 0 : i32
      %dma_start3A_30 = tpu.memref_slice %arg2[%dma_start3A_28, %dma_start3A_29] : memref<10000x128xf32, #tpu.memory_space<hbm>> -> memref<10000x128xf32, #tpu.memory_space<hbm>>
      tpu.enqueue_indirect_dma source(%dma_start3A_30 : memref<10000x128xf32, #tpu.memory_space<hbm>>) target(%arg12 : memref<125x128xf32, #tpu.memory_space<vmem>>) offsets(%dma_start3A_27 : memref<125xi32, #tpu.memory_space<vmem>>) semaphore(%arg18 : memref<!tpu.dma_semaphore, #tpu.memory_space<semaphore_mem>>)
      %dma_start3A_31 = arith.constant 0 : i32
      %dma_start3A_32 = tpu.memref_slice %arg9[%add3A_24, %dma_start3A_31] : memref<80x125xi32, #tpu.memory_space<vmem>> -> memref<1x125xi32, #tpu.memory_space<vmem>>
      %dma_start3A_33 = tpu.memref_squeeze %dma_start3A_32 : memref<1x125xi32, #tpu.memory_space<vmem>> -> memref<125xi32, #tpu.memory_space<vmem>>
      %dma_start3A_34 = arith.constant 0 : i32
      %dma_start3A_35 = arith.constant 0 : i32
      %dma_start3A_36 = tpu.memref_slice %arg3[%dma_start3A_34, %dma_start3A_35] : memref<10000x128xf32, #tpu.memory_space<hbm>> -> memref<10000x128xf32, #tpu.memory_space<hbm>>
      tpu.enqueue_indirect_dma source(%dma_start3A_36 : memref<10000x128xf32, #tpu.memory_space<hbm>>) target(%arg13 : memref<125x128xf32, #tpu.memory_space<vmem>>) offsets(%dma_start3A_33 : memref<125xi32, #tpu.memory_space<vmem>>) semaphore(%arg18 : memref<!tpu.dma_semaphore, #tpu.memory_space<semaphore_mem>>)
      %dma_wait3A = arith.constant 0 : i32
      %dma_wait3A_37 = arith.constant 0 : i32
      %dma_wait3A_38 = tpu.memref_slice %arg8[%dma_wait3A, %dma_wait3A_37] : memref<80x125xi32, #tpu.memory_space<vmem>> -> memref<1x125xi32, #tpu.memory_space<vmem>>
      %dma_wait3A_39 = tpu.memref_squeeze %dma_wait3A_38 : memref<1x125xi32, #tpu.memory_space<vmem>> -> memref<125xi32, #tpu.memory_space<vmem>>
      %dma_wait3A_40 = arith.constant 0 : i32
      %dma_wait3A_41 = arith.constant 0 : i32
      %dma_wait3A_42 = tpu.memref_slice %arg2[%dma_wait3A_40, %dma_wait3A_41] : memref<10000x128xf32, #tpu.memory_space<hbm>> -> memref<10000x128xf32, #tpu.memory_space<hbm>>
      tpu.wait_indirect_dma semaphore(%arg17 : memref<!tpu.dma_semaphore, #tpu.memory_space<semaphore_mem>>) src(%dma_wait3A_42 : memref<10000x128xf32, #tpu.memory_space<hbm>>) dst(%arg10 : memref<125x128xf32, #tpu.memory_space<vmem>>)
      %dma_wait3A_43 = arith.constant 0 : i32
      %dma_wait3A_44 = arith.constant 0 : i32
      %dma_wait3A_45 = tpu.memref_slice %arg9[%dma_wait3A_43, %dma_wait3A_44] : memref<80x125xi32, #tpu.memory_space<vmem>> -> memref<1x125xi32, #tpu.memory_space<vmem>>
      %dma_wait3A_46 = tpu.memref_squeeze %dma_wait3A_45 : memref<1x125xi32, #tpu.memory_space<vmem>> -> memref<125xi32, #tpu.memory_space<vmem>>
      %dma_wait3A_47 = arith.constant 0 : i32
      %dma_wait3A_48 = arith.constant 0 : i32
      %dma_wait3A_49 = tpu.memref_slice %arg3[%dma_wait3A_47, %dma_wait3A_48] : memref<10000x128xf32, #tpu.memory_space<hbm>> -> memref<10000x128xf32, #tpu.memory_space<hbm>>
      tpu.wait_indirect_dma semaphore(%arg17 : memref<!tpu.dma_semaphore, #tpu.memory_space<semaphore_mem>>) src(%dma_wait3A_49 : memref<10000x128xf32, #tpu.memory_space<hbm>>) dst(%arg11 : memref<125x128xf32, #tpu.memory_space<vmem>>)
      %scan3A_50 = arith.constant 0 : i32
      %scan3A_51 = arith.constant 0 : i32
      %scan3A_52 = arith.constant 125 : i32
      %scan3A_53 = arith.addi %scan3A_51, %scan3A_52 : i32
      %scan3A_54 = arith.constant 1 : i32
      scf.for %scan3A_116 = %scan3A_51 to %scan3A_53 step %scan3A_54  : i32 {
        %get3A = arith.index_cast %scan3A_116 : i32 to index
        %get3A_117 = arith.constant 0 : index
        %get3A_118 = tpu.vector_load %arg10[%get3A, %get3A_117] {strides = array<i32>} : memref<125x128xf32, #tpu.memory_space<vmem>>, vector<1x16xf32>,
        %get3A_119 = vector.shape_cast %get3A_118 : vector<1x16xf32> to vector<16xf32>
        %get3A_120 = arith.index_cast %scan3A_116 : i32 to index
        %get3A_121 = arith.constant 0 : index
        %get3A_122 = tpu.vector_load %arg11[%get3A_120, %get3A_121] {strides = array<i32>} : memref<125x128xf32, #tpu.memory_space<vmem>>, vector<1x16xf32>,
        %get3A_123 = vector.shape_cast %get3A_122 : vector<1x16xf32> to vector<16xf32>
        %add3A_124 = arith.addf %get3A_119, %get3A_123 : vector<16xf32>
        %max3A = arith.constant 0.000000e+00 : f32
        %max3A_125 = vector.broadcast %max3A : f32 to vector<16xf32>
        %max3A_126 = arith.maximumf %add3A_124, %max3A_125 : vector<16xf32>
        %get3A_127 = arith.constant 0 : index
        %get3A_128 = tpu.vector_load %arg16[%get3A_127] {strides = array<i32>} : memref<128xf32, #tpu.memory_space<vmem>>, vector<16xf32>,
        %get3A_129 = vector.shape_cast %get3A_128 : vector<16xf32> to vector<16xf32>
        %mul3A_130 = arith.mulf %max3A_126, %get3A_129 : vector<16xf32>
        %add3A_131 = arith.addf %broadcast_in_dim3A_1, %mul3A_130 : vector<16xf32>
        %get3A_132 = arith.index_cast %scan3A_116 : i32 to index
        %get3A_133 = arith.constant 16 : index
        %get3A_134 = tpu.vector_load %arg10[%get3A_132, %get3A_133] {strides = array<i32>} : memref<125x128xf32, #tpu.memory_space<vmem>>, vector<1x16xf32>,
        %get3A_135 = vector.shape_cast %get3A_134 : vector<1x16xf32> to vector<16xf32>
        %get3A_136 = arith.index_cast %scan3A_116 : i32 to index
        %get3A_137 = arith.constant 16 : index
        %get3A_138 = tpu.vector_load %arg11[%get3A_136, %get3A_137] {strides = array<i32>} : memref<125x128xf32, #tpu.memory_space<vmem>>, vector<1x16xf32>,
        %get3A_139 = vector.shape_cast %get3A_138 : vector<1x16xf32> to vector<16xf32>
        %add3A_140 = arith.addf %get3A_135, %get3A_139 : vector<16xf32>
        %max3A_141 = arith.constant 0.000000e+00 : f32
        %max3A_142 = vector.broadcast %max3A_141 : f32 to vector<16xf32>
        %max3A_143 = arith.maximumf %add3A_140, %max3A_142 : vector<16xf32>
        %get3A_144 = arith.constant 16 : index
        %get3A_145 = tpu.vector_load %arg16[%get3A_144] {strides = array<i32>} : memref<128xf32, #tpu.memory_space<vmem>>, vector<16xf32>,
        %get3A_146 = vector.shape_cast %get3A_145 : vector<16xf32> to vector<16xf32>
        %mul3A_147 = arith.mulf %max3A_143, %get3A_146 : vector<16xf32>
        %add3A_148 = arith.addf %add3A_131, %mul3A_147 : vector<16xf32>
        %get3A_149 = arith.index_cast %scan3A_116 : i32 to index
        %get3A_150 = arith.constant 32 : index
        %get3A_151 = tpu.vector_load %arg10[%get3A_149, %get3A_150] {strides = array<i32>} : memref<125x128xf32, #tpu.memory_space<vmem>>, vector<1x16xf32>,
        %get3A_152 = vector.shape_cast %get3A_151 : vector<1x16xf32> to vector<16xf32>
        %get3A_153 = arith.index_cast %scan3A_116 : i32 to index
        %get3A_154 = arith.constant 32 : index
        %get3A_155 = tpu.vector_load %arg11[%get3A_153, %get3A_154] {strides = array<i32>} : memref<125x128xf32, #tpu.memory_space<vmem>>, vector<1x16xf32>,
        %get3A_156 = vector.shape_cast %get3A_155 : vector<1x16xf32> to vector<16xf32>
        %add3A_157 = arith.addf %get3A_152, %get3A_156 : vector<16xf32>
        %max3A_158 = arith.constant 0.000000e+00 : f32
        %max3A_159 = vector.broadcast %max3A_158 : f32 to vector<16xf32>
        %max3A_160 = arith.maximumf %add3A_157, %max3A_159 : vector<16xf32>
        %get3A_161 = arith.constant 32 : index
        %get3A_162 = tpu.vector_load %arg16[%get3A_161] {strides = array<i32>} : memref<128xf32, #tpu.memory_space<vmem>>, vector<16xf32>,
        %get3A_163 = vector.shape_cast %get3A_162 : vector<16xf32> to vector<16xf32>
        %mul3A_164 = arith.mulf %max3A_160, %get3A_163 : vector<16xf32>
        %add3A_165 = arith.addf %add3A_148, %mul3A_164 : vector<16xf32>
        %get3A_166 = arith.index_cast %scan3A_116 : i32 to index
        %get3A_167 = arith.constant 48 : index
        %get3A_168 = tpu.vector_load %arg10[%get3A_166, %get3A_167] {strides = array<i32>} : memref<125x128xf32, #tpu.memory_space<vmem>>, vector<1x16xf32>,
        %get3A_169 = vector.shape_cast %get3A_168 : vector<1x16xf32> to vector<16xf32>
        %get3A_170 = arith.index_cast %scan3A_116 : i32 to index
        %get3A_171 = arith.constant 48 : index
        %get3A_172 = tpu.vector_load %arg11[%get3A_170, %get3A_171] {strides = array<i32>} : memref<125x128xf32, #tpu.memory_space<vmem>>, vector<1x16xf32>,
        %get3A_173 = vector.shape_cast %get3A_172 : vector<1x16xf32> to vector<16xf32>
        %add3A_174 = arith.addf %get3A_169, %get3A_173 : vector<16xf32>
        %max3A_175 = arith.constant 0.000000e+00 : f32
        %max3A_176 = vector.broadcast %max3A_175 : f32 to vector<16xf32>
        %max3A_177 = arith.maximumf %add3A_174, %max3A_176 : vector<16xf32>
        %get3A_178 = arith.constant 48 : index
        %get3A_179 = tpu.vector_load %arg16[%get3A_178] {strides = array<i32>} : memref<128xf32, #tpu.memory_space<vmem>>, vector<16xf32>,
        %get3A_180 = vector.shape_cast %get3A_179 : vector<16xf32> to vector<16xf32>
        %mul3A_181 = arith.mulf %max3A_177, %get3A_180 : vector<16xf32>
        %add3A_182 = arith.addf %add3A_165, %mul3A_181 : vector<16xf32>
        %get3A_183 = arith.index_cast %scan3A_116 : i32 to index
        %get3A_184 = arith.constant 64 : index
        %get3A_185 = tpu.vector_load %arg10[%get3A_183, %get3A_184] {strides = array<i32>} : memref<125x128xf32, #tpu.memory_space<vmem>>, vector<1x16xf32>,
        %get3A_186 = vector.shape_cast %get3A_185 : vector<1x16xf32> to vector<16xf32>
        %get3A_187 = arith.index_cast %scan3A_116 : i32 to index
        %get3A_188 = arith.constant 64 : index
        %get3A_189 = tpu.vector_load %arg11[%get3A_187, %get3A_188] {strides = array<i32>} : memref<125x128xf32, #tpu.memory_space<vmem>>, vector<1x16xf32>,
        %get3A_190 = vector.shape_cast %get3A_189 : vector<1x16xf32> to vector<16xf32>
        %add3A_191 = arith.addf %get3A_186, %get3A_190 : vector<16xf32>
        %max3A_192 = arith.constant 0.000000e+00 : f32
        %max3A_193 = vector.broadcast %max3A_192 : f32 to vector<16xf32>
        %max3A_194 = arith.maximumf %add3A_191, %max3A_193 : vector<16xf32>
        %get3A_195 = arith.constant 64 : index
        %get3A_196 = tpu.vector_load %arg16[%get3A_195] {strides = array<i32>} : memref<128xf32, #tpu.memory_space<vmem>>, vector<16xf32>,
        %get3A_197 = vector.shape_cast %get3A_196 : vector<16xf32> to vector<16xf32>
        %mul3A_198 = arith.mulf %max3A_194, %get3A_197 : vector<16xf32>
        %add3A_199 = arith.addf %add3A_182, %mul3A_198 : vector<16xf32>
        %get3A_200 = arith.index_cast %scan3A_116 : i32 to index
        %get3A_201 = arith.constant 80 : index
        %get3A_202 = tpu.vector_load %arg10[%get3A_200, %get3A_201] {strides = array<i32>} : memref<125x128xf32, #tpu.memory_space<vmem>>, vector<1x16xf32>,
        %get3A_203 = vector.shape_cast %get3A_202 : vector<1x16xf32> to vector<16xf32>
        %get3A_204 = arith.index_cast %scan3A_116 : i32 to index
        %get3A_205 = arith.constant 80 : index
        %get3A_206 = tpu.vector_load %arg11[%get3A_204, %get3A_205] {strides = array<i32>} : memref<125x128xf32, #tpu.memory_space<vmem>>, vector<1x16xf32>,
        %get3A_207 = vector.shape_cast %get3A_206 : vector<1x16xf32> to vector<16xf32>
        %add3A_208 = arith.addf %get3A_203, %get3A_207 : vector<16xf32>
        %max3A_209 = arith.constant 0.000000e+00 : f32
        %max3A_210 = vector.broadcast %max3A_209 : f32 to vector<16xf32>
        %max3A_211 = arith.maximumf %add3A_208, %max3A_210 : vector<16xf32>
        %get3A_212 = arith.constant 80 : index
        %get3A_213 = tpu.vector_load %arg16[%get3A_212] {strides = array<i32>} : memref<128xf32, #tpu.memory_space<vmem>>, vector<16xf32>,
        %get3A_214 = vector.shape_cast %get3A_213 : vector<16xf32> to vector<16xf32>
        %mul3A_215 = arith.mulf %max3A_211, %get3A_214 : vector<16xf32>
        %add3A_216 = arith.addf %add3A_199, %mul3A_215 : vector<16xf32>
        %get3A_217 = arith.index_cast %scan3A_116 : i32 to index
        %get3A_218 = arith.constant 96 : index
        %get3A_219 = tpu.vector_load %arg10[%get3A_217, %get3A_218] {strides = array<i32>} : memref<125x128xf32, #tpu.memory_space<vmem>>, vector<1x16xf32>,
        %get3A_220 = vector.shape_cast %get3A_219 : vector<1x16xf32> to vector<16xf32>
        %get3A_221 = arith.index_cast %scan3A_116 : i32 to index
        %get3A_222 = arith.constant 96 : index
        %get3A_223 = tpu.vector_load %arg11[%get3A_221, %get3A_222] {strides = array<i32>} : memref<125x128xf32, #tpu.memory_space<vmem>>, vector<1x16xf32>,
        %get3A_224 = vector.shape_cast %get3A_223 : vector<1x16xf32> to vector<16xf32>
        %add3A_225 = arith.addf %get3A_220, %get3A_224 : vector<16xf32>
        %max3A_226 = arith.constant 0.000000e+00 : f32
        %max3A_227 = vector.broadcast %max3A_226 : f32 to vector<16xf32>
        %max3A_228 = arith.maximumf %add3A_225, %max3A_227 : vector<16xf32>
        %get3A_229 = arith.constant 96 : index
        %get3A_230 = tpu.vector_load %arg16[%get3A_229] {strides = array<i32>} : memref<128xf32, #tpu.memory_space<vmem>>, vector<16xf32>,
        %get3A_231 = vector.shape_cast %get3A_230 : vector<16xf32> to vector<16xf32>
        %mul3A_232 = arith.mulf %max3A_228, %get3A_231 : vector<16xf32>
        %add3A_233 = arith.addf %add3A_216, %mul3A_232 : vector<16xf32>
        %get3A_234 = arith.index_cast %scan3A_116 : i32 to index
        %get3A_235 = arith.constant 112 : index
        %get3A_236 = tpu.vector_load %arg10[%get3A_234, %get3A_235] {strides = array<i32>} : memref<125x128xf32, #tpu.memory_space<vmem>>, vector<1x16xf32>,
        %get3A_237 = vector.shape_cast %get3A_236 : vector<1x16xf32> to vector<16xf32>
        %get3A_238 = arith.index_cast %scan3A_116 : i32 to index
        %get3A_239 = arith.constant 112 : index
        %get3A_240 = tpu.vector_load %arg11[%get3A_238, %get3A_239] {strides = array<i32>} : memref<125x128xf32, #tpu.memory_space<vmem>>, vector<1x16xf32>,
        %get3A_241 = vector.shape_cast %get3A_240 : vector<1x16xf32> to vector<16xf32>
        %add3A_242 = arith.addf %get3A_237, %get3A_241 : vector<16xf32>
        %max3A_243 = arith.constant 0.000000e+00 : f32
        %max3A_244 = vector.broadcast %max3A_243 : f32 to vector<16xf32>
        %max3A_245 = arith.maximumf %add3A_242, %max3A_244 : vector<16xf32>
        %get3A_246 = arith.constant 112 : index
        %get3A_247 = tpu.vector_load %arg16[%get3A_246] {strides = array<i32>} : memref<128xf32, #tpu.memory_space<vmem>>, vector<16xf32>,
        %get3A_248 = vector.shape_cast %get3A_247 : vector<16xf32> to vector<16xf32>
        %mul3A_249 = arith.mulf %max3A_245, %get3A_248 : vector<16xf32>
        %add3A_250 = arith.addf %add3A_233, %mul3A_249 : vector<16xf32>
        %swap3A = arith.index_cast %scan3A_116 : i32 to index
        %swap3A_251 = arith.constant 0 : index
        %swap3A_252 = tpu.vector_load %arg14[%swap3A, %swap3A_251] {strides = array<i32>} : memref<125x16xf32, #tpu.memory_space<vmem>>, vector<1x16xf32>,
        %swap3A_253 = vector.shape_cast %swap3A_252 : vector<1x16xf32> to vector<16xf32>
        %swap3A_254 = vector.shape_cast %add3A_250 : vector<16xf32> to vector<1x16xf32>
        tpu.vector_store %arg14[%swap3A, %swap3A_251], %swap3A_254 {strides = array<i32>} : memref<125x16xf32, #tpu.memory_space<vmem>>, vector<1x16xf32>,
      }
      %scan3A_55 = arith.constant 125 : i32
      %dma_start3A_56 = arith.constant 0 : i32
      %dma_start3A_57 = arith.constant 0 : i32
      %dma_start3A_58 = tpu.memref_slice %arg7[%add3A, %mul3A_22, %dma_start3A_56, %dma_start3A_57] : memref<32x80x125x16xf32, #tpu.memory_space<hbm>> -> memref<1x1x125x16xf32, #tpu.memory_space<hbm>>
      %dma_start3A_59 = tpu.memref_squeeze %dma_start3A_58 : memref<1x1x125x16xf32, #tpu.memory_space<hbm>> -> memref<125x16xf32, #tpu.memory_space<hbm>>
      %dma_start3A_60 = arith.constant 0 : i32
      %dma_start3A_61 = arith.constant 0 : i32
      %dma_start3A_62 = tpu.memref_slice %arg7[%add3A, %mul3A_22, %dma_start3A_60, %dma_start3A_61] : memref<32x80x125x16xf32, #tpu.memory_space<hbm>> -> memref<1x1x125x16xf32, #tpu.memory_space<hbm>>
      %dma_start3A_63 = tpu.memref_squeeze %dma_start3A_62 : memref<1x1x125x16xf32, #tpu.memory_space<hbm>> -> memref<125x16xf32, #tpu.memory_space<hbm>>
      tpu.enqueue_dma source(%arg14 : memref<125x16xf32, #tpu.memory_space<vmem>>) target(%dma_start3A_63 : memref<125x16xf32, #tpu.memory_space<hbm>>) target_semaphore(%arg19 : memref<!tpu.dma_semaphore, #tpu.memory_space<semaphore_mem>>)
      %add3A_64 = arith.constant 2 : i32
      %add3A_65 = arith.addi %mul3A_22, %add3A_64 : i32
      %lt3A = arith.constant 80 : i32
      %lt3A_66 = arith.cmpi slt, %add3A_65, %lt3A : i32
      %convert_element_type3A = arith.extui %lt3A_66 : i1 to i32
      %cond3A = arith.constant 0 : i32
      %cond3A_67 = arith.cmpi ne, %convert_element_type3A, %cond3A : i32
      scf.if %cond3A_67 {
        %add3A_116 = arith.constant 2 : i32
        %add3A_117 = arith.addi %mul3A_22, %add3A_116 : i32
        %dma_start3A_118 = arith.constant 0 : i32
        %dma_start3A_119 = tpu.memref_slice %arg8[%add3A_117, %dma_start3A_118] : memref<80x125xi32, #tpu.memory_space<vmem>> -> memref<1x125xi32, #tpu.memory_space<vmem>>
        %dma_start3A_120 = tpu.memref_squeeze %dma_start3A_119 : memref<1x125xi32, #tpu.memory_space<vmem>> -> memref<125xi32, #tpu.memory_space<vmem>>
        %dma_start3A_121 = arith.constant 0 : i32
        %dma_start3A_122 = arith.constant 0 : i32
        %dma_start3A_123 = tpu.memref_slice %arg2[%dma_start3A_121, %dma_start3A_122] : memref<10000x128xf32, #tpu.memory_space<hbm>> -> memref<10000x128xf32, #tpu.memory_space<hbm>>
        tpu.enqueue_indirect_dma source(%dma_start3A_123 : memref<10000x128xf32, #tpu.memory_space<hbm>>) target(%arg10 : memref<125x128xf32, #tpu.memory_space<vmem>>) offsets(%dma_start3A_120 : memref<125xi32, #tpu.memory_space<vmem>>) semaphore(%arg17 : memref<!tpu.dma_semaphore, #tpu.memory_space<semaphore_mem>>)
        %dma_start3A_124 = arith.constant 0 : i32
        %dma_start3A_125 = tpu.memref_slice %arg9[%add3A_117, %dma_start3A_124] : memref<80x125xi32, #tpu.memory_space<vmem>> -> memref<1x125xi32, #tpu.memory_space<vmem>>
        %dma_start3A_126 = tpu.memref_squeeze %dma_start3A_125 : memref<1x125xi32, #tpu.memory_space<vmem>> -> memref<125xi32, #tpu.memory_space<vmem>>
        %dma_start3A_127 = arith.constant 0 : i32
        %dma_start3A_128 = arith.constant 0 : i32
        %dma_start3A_129 = tpu.memref_slice %arg3[%dma_start3A_127, %dma_start3A_128] : memref<10000x128xf32, #tpu.memory_space<hbm>> -> memref<10000x128xf32, #tpu.memory_space<hbm>>
        tpu.enqueue_indirect_dma source(%dma_start3A_129 : memref<10000x128xf32, #tpu.memory_space<hbm>>) target(%arg11 : memref<125x128xf32, #tpu.memory_space<vmem>>) offsets(%dma_start3A_126 : memref<125xi32, #tpu.memory_space<vmem>>) semaphore(%arg17 : memref<!tpu.dma_semaphore, #tpu.memory_space<semaphore_mem>>)
      } else {
      }
      %dma_wait3A_68 = arith.constant 0 : i32
      %dma_wait3A_69 = arith.constant 0 : i32
      %dma_wait3A_70 = tpu.memref_slice %arg8[%dma_wait3A_68, %dma_wait3A_69] : memref<80x125xi32, #tpu.memory_space<vmem>> -> memref<1x125xi32, #tpu.memory_space<vmem>>
      %dma_wait3A_71 = tpu.memref_squeeze %dma_wait3A_70 : memref<1x125xi32, #tpu.memory_space<vmem>> -> memref<125xi32, #tpu.memory_space<vmem>>
      %dma_wait3A_72 = arith.constant 0 : i32
      %dma_wait3A_73 = arith.constant 0 : i32
      %dma_wait3A_74 = tpu.memref_slice %arg2[%dma_wait3A_72, %dma_wait3A_73] : memref<10000x128xf32, #tpu.memory_space<hbm>> -> memref<10000x128xf32, #tpu.memory_space<hbm>>
      tpu.wait_indirect_dma semaphore(%arg18 : memref<!tpu.dma_semaphore, #tpu.memory_space<semaphore_mem>>) src(%dma_wait3A_74 : memref<10000x128xf32, #tpu.memory_space<hbm>>) dst(%arg12 : memref<125x128xf32, #tpu.memory_space<vmem>>)
      %dma_wait3A_75 = arith.constant 0 : i32
      %dma_wait3A_76 = arith.constant 0 : i32
      %dma_wait3A_77 = tpu.memref_slice %arg9[%dma_wait3A_75, %dma_wait3A_76] : memref<80x125xi32, #tpu.memory_space<vmem>> -> memref<1x125xi32, #tpu.memory_space<vmem>>
      %dma_wait3A_78 = tpu.memref_squeeze %dma_wait3A_77 : memref<1x125xi32, #tpu.memory_space<vmem>> -> memref<125xi32, #tpu.memory_space<vmem>>
      %dma_wait3A_79 = arith.constant 0 : i32
      %dma_wait3A_80 = arith.constant 0 : i32
      %dma_wait3A_81 = tpu.memref_slice %arg3[%dma_wait3A_79, %dma_wait3A_80] : memref<10000x128xf32, #tpu.memory_space<hbm>> -> memref<10000x128xf32, #tpu.memory_space<hbm>>
      tpu.wait_indirect_dma semaphore(%arg18 : memref<!tpu.dma_semaphore, #tpu.memory_space<semaphore_mem>>) src(%dma_wait3A_81 : memref<10000x128xf32, #tpu.memory_space<hbm>>) dst(%arg13 : memref<125x128xf32, #tpu.memory_space<vmem>>)
      %add3A_82 = arith.constant 1 : i32
      %add3A_83 = arith.addi %mul3A_22, %add3A_82 : i32
      %scan3A_84 = arith.constant 0 : i32
      %scan3A_85 = arith.constant 0 : i32
      %scan3A_86 = arith.constant 125 : i32
      %scan3A_87 = arith.addi %scan3A_85, %scan3A_86 : i32
      %scan3A_88 = arith.constant 1 : i32
      scf.for %scan3A_116 = %scan3A_85 to %scan3A_87 step %scan3A_88  : i32 {
        %get3A = arith.index_cast %scan3A_116 : i32 to index
        %get3A_117 = arith.constant 0 : index
        %get3A_118 = tpu.vector_load %arg12[%get3A, %get3A_117] {strides = array<i32>} : memref<125x128xf32, #tpu.memory_space<vmem>>, vector<1x16xf32>,
        %get3A_119 = vector.shape_cast %get3A_118 : vector<1x16xf32> to vector<16xf32>
        %get3A_120 = arith.index_cast %scan3A_116 : i32 to index
        %get3A_121 = arith.constant 0 : index
        %get3A_122 = tpu.vector_load %arg13[%get3A_120, %get3A_121] {strides = array<i32>} : memref<125x128xf32, #tpu.memory_space<vmem>>, vector<1x16xf32>,
        %get3A_123 = vector.shape_cast %get3A_122 : vector<1x16xf32> to vector<16xf32>
        %add3A_124 = arith.addf %get3A_119, %get3A_123 : vector<16xf32>
        %max3A = arith.constant 0.000000e+00 : f32
        %max3A_125 = vector.broadcast %max3A : f32 to vector<16xf32>
        %max3A_126 = arith.maximumf %add3A_124, %max3A_125 : vector<16xf32>
        %get3A_127 = arith.constant 0 : index
        %get3A_128 = tpu.vector_load %arg16[%get3A_127] {strides = array<i32>} : memref<128xf32, #tpu.memory_space<vmem>>, vector<16xf32>,
        %get3A_129 = vector.shape_cast %get3A_128 : vector<16xf32> to vector<16xf32>
        %mul3A_130 = arith.mulf %max3A_126, %get3A_129 : vector<16xf32>
        %add3A_131 = arith.addf %broadcast_in_dim3A_1, %mul3A_130 : vector<16xf32>
        %get3A_132 = arith.index_cast %scan3A_116 : i32 to index
        %get3A_133 = arith.constant 16 : index
        %get3A_134 = tpu.vector_load %arg12[%get3A_132, %get3A_133] {strides = array<i32>} : memref<125x128xf32, #tpu.memory_space<vmem>>, vector<1x16xf32>,
        %get3A_135 = vector.shape_cast %get3A_134 : vector<1x16xf32> to vector<16xf32>
        %get3A_136 = arith.index_cast %scan3A_116 : i32 to index
        %get3A_137 = arith.constant 16 : index
        %get3A_138 = tpu.vector_load %arg13[%get3A_136, %get3A_137] {strides = array<i32>} : memref<125x128xf32, #tpu.memory_space<vmem>>, vector<1x16xf32>,
        %get3A_139 = vector.shape_cast %get3A_138 : vector<1x16xf32> to vector<16xf32>
        %add3A_140 = arith.addf %get3A_135, %get3A_139 : vector<16xf32>
        %max3A_141 = arith.constant 0.000000e+00 : f32
        %max3A_142 = vector.broadcast %max3A_141 : f32 to vector<16xf32>
        %max3A_143 = arith.maximumf %add3A_140, %max3A_142 : vector<16xf32>
        %get3A_144 = arith.constant 16 : index
        %get3A_145 = tpu.vector_load %arg16[%get3A_144] {strides = array<i32>} : memref<128xf32, #tpu.memory_space<vmem>>, vector<16xf32>,
        %get3A_146 = vector.shape_cast %get3A_145 : vector<16xf32> to vector<16xf32>
        %mul3A_147 = arith.mulf %max3A_143, %get3A_146 : vector<16xf32>
        %add3A_148 = arith.addf %add3A_131, %mul3A_147 : vector<16xf32>
        %get3A_149 = arith.index_cast %scan3A_116 : i32 to index
        %get3A_150 = arith.constant 32 : index
        %get3A_151 = tpu.vector_load %arg12[%get3A_149, %get3A_150] {strides = array<i32>} : memref<125x128xf32, #tpu.memory_space<vmem>>, vector<1x16xf32>,
        %get3A_152 = vector.shape_cast %get3A_151 : vector<1x16xf32> to vector<16xf32>
        %get3A_153 = arith.index_cast %scan3A_116 : i32 to index
        %get3A_154 = arith.constant 32 : index
        %get3A_155 = tpu.vector_load %arg13[%get3A_153, %get3A_154] {strides = array<i32>} : memref<125x128xf32, #tpu.memory_space<vmem>>, vector<1x16xf32>,
        %get3A_156 = vector.shape_cast %get3A_155 : vector<1x16xf32> to vector<16xf32>
        %add3A_157 = arith.addf %get3A_152, %get3A_156 : vector<16xf32>
        %max3A_158 = arith.constant 0.000000e+00 : f32
        %max3A_159 = vector.broadcast %max3A_158 : f32 to vector<16xf32>
        %max3A_160 = arith.maximumf %add3A_157, %max3A_159 : vector<16xf32>
        %get3A_161 = arith.constant 32 : index
        %get3A_162 = tpu.vector_load %arg16[%get3A_161] {strides = array<i32>} : memref<128xf32, #tpu.memory_space<vmem>>, vector<16xf32>,
        %get3A_163 = vector.shape_cast %get3A_162 : vector<16xf32> to vector<16xf32>
        %mul3A_164 = arith.mulf %max3A_160, %get3A_163 : vector<16xf32>
        %add3A_165 = arith.addf %add3A_148, %mul3A_164 : vector<16xf32>
        %get3A_166 = arith.index_cast %scan3A_116 : i32 to index
        %get3A_167 = arith.constant 48 : index
        %get3A_168 = tpu.vector_load %arg12[%get3A_166, %get3A_167] {strides = array<i32>} : memref<125x128xf32, #tpu.memory_space<vmem>>, vector<1x16xf32>,
        %get3A_169 = vector.shape_cast %get3A_168 : vector<1x16xf32> to vector<16xf32>
        %get3A_170 = arith.index_cast %scan3A_116 : i32 to index
        %get3A_171 = arith.constant 48 : index
        %get3A_172 = tpu.vector_load %arg13[%get3A_170, %get3A_171] {strides = array<i32>} : memref<125x128xf32, #tpu.memory_space<vmem>>, vector<1x16xf32>,
        %get3A_173 = vector.shape_cast %get3A_172 : vector<1x16xf32> to vector<16xf32>
        %add3A_174 = arith.addf %get3A_169, %get3A_173 : vector<16xf32>
        %max3A_175 = arith.constant 0.000000e+00 : f32
        %max3A_176 = vector.broadcast %max3A_175 : f32 to vector<16xf32>
        %max3A_177 = arith.maximumf %add3A_174, %max3A_176 : vector<16xf32>
        %get3A_178 = arith.constant 48 : index
        %get3A_179 = tpu.vector_load %arg16[%get3A_178] {strides = array<i32>} : memref<128xf32, #tpu.memory_space<vmem>>, vector<16xf32>,
        %get3A_180 = vector.shape_cast %get3A_179 : vector<16xf32> to vector<16xf32>
        %mul3A_181 = arith.mulf %max3A_177, %get3A_180 : vector<16xf32>
        %add3A_182 = arith.addf %add3A_165, %mul3A_181 : vector<16xf32>
        %get3A_183 = arith.index_cast %scan3A_116 : i32 to index
        %get3A_184 = arith.constant 64 : index
        %get3A_185 = tpu.vector_load %arg12[%get3A_183, %get3A_184] {strides = array<i32>} : memref<125x128xf32, #tpu.memory_space<vmem>>, vector<1x16xf32>,
        %get3A_186 = vector.shape_cast %get3A_185 : vector<1x16xf32> to vector<16xf32>
        %get3A_187 = arith.index_cast %scan3A_116 : i32 to index
        %get3A_188 = arith.constant 64 : index
        %get3A_189 = tpu.vector_load %arg13[%get3A_187, %get3A_188] {strides = array<i32>} : memref<125x128xf32, #tpu.memory_space<vmem>>, vector<1x16xf32>,
        %get3A_190 = vector.shape_cast %get3A_189 : vector<1x16xf32> to vector<16xf32>
        %add3A_191 = arith.addf %get3A_186, %get3A_190 : vector<16xf32>
        %max3A_192 = arith.constant 0.000000e+00 : f32
        %max3A_193 = vector.broadcast %max3A_192 : f32 to vector<16xf32>
        %max3A_194 = arith.maximumf %add3A_191, %max3A_193 : vector<16xf32>
        %get3A_195 = arith.constant 64 : index
        %get3A_196 = tpu.vector_load %arg16[%get3A_195] {strides = array<i32>} : memref<128xf32, #tpu.memory_space<vmem>>, vector<16xf32>,
        %get3A_197 = vector.shape_cast %get3A_196 : vector<16xf32> to vector<16xf32>
        %mul3A_198 = arith.mulf %max3A_194, %get3A_197 : vector<16xf32>
        %add3A_199 = arith.addf %add3A_182, %mul3A_198 : vector<16xf32>
        %get3A_200 = arith.index_cast %scan3A_116 : i32 to index
        %get3A_201 = arith.constant 80 : index
        %get3A_202 = tpu.vector_load %arg12[%get3A_200, %get3A_201] {strides = array<i32>} : memref<125x128xf32, #tpu.memory_space<vmem>>, vector<1x16xf32>,
        %get3A_203 = vector.shape_cast %get3A_202 : vector<1x16xf32> to vector<16xf32>
        %get3A_204 = arith.index_cast %scan3A_116 : i32 to index
        %get3A_205 = arith.constant 80 : index
        %get3A_206 = tpu.vector_load %arg13[%get3A_204, %get3A_205] {strides = array<i32>} : memref<125x128xf32, #tpu.memory_space<vmem>>, vector<1x16xf32>,
        %get3A_207 = vector.shape_cast %get3A_206 : vector<1x16xf32> to vector<16xf32>
        %add3A_208 = arith.addf %get3A_203, %get3A_207 : vector<16xf32>
        %max3A_209 = arith.constant 0.000000e+00 : f32
        %max3A_210 = vector.broadcast %max3A_209 : f32 to vector<16xf32>
        %max3A_211 = arith.maximumf %add3A_208, %max3A_210 : vector<16xf32>
        %get3A_212 = arith.constant 80 : index
        %get3A_213 = tpu.vector_load %arg16[%get3A_212] {strides = array<i32>} : memref<128xf32, #tpu.memory_space<vmem>>, vector<16xf32>,
        %get3A_214 = vector.shape_cast %get3A_213 : vector<16xf32> to vector<16xf32>
        %mul3A_215 = arith.mulf %max3A_211, %get3A_214 : vector<16xf32>
        %add3A_216 = arith.addf %add3A_199, %mul3A_215 : vector<16xf32>
        %get3A_217 = arith.index_cast %scan3A_116 : i32 to index
        %get3A_218 = arith.constant 96 : index
        %get3A_219 = tpu.vector_load %arg12[%get3A_217, %get3A_218] {strides = array<i32>} : memref<125x128xf32, #tpu.memory_space<vmem>>, vector<1x16xf32>,
        %get3A_220 = vector.shape_cast %get3A_219 : vector<1x16xf32> to vector<16xf32>
        %get3A_221 = arith.index_cast %scan3A_116 : i32 to index
        %get3A_222 = arith.constant 96 : index
        %get3A_223 = tpu.vector_load %arg13[%get3A_221, %get3A_222] {strides = array<i32>} : memref<125x128xf32, #tpu.memory_space<vmem>>, vector<1x16xf32>,
        %get3A_224 = vector.shape_cast %get3A_223 : vector<1x16xf32> to vector<16xf32>
        %add3A_225 = arith.addf %get3A_220, %get3A_224 : vector<16xf32>
        %max3A_226 = arith.constant 0.000000e+00 : f32
        %max3A_227 = vector.broadcast %max3A_226 : f32 to vector<16xf32>
        %max3A_228 = arith.maximumf %add3A_225, %max3A_227 : vector<16xf32>
        %get3A_229 = arith.constant 96 : index
        %get3A_230 = tpu.vector_load %arg16[%get3A_229] {strides = array<i32>} : memref<128xf32, #tpu.memory_space<vmem>>, vector<16xf32>,
        %get3A_231 = vector.shape_cast %get3A_230 : vector<16xf32> to vector<16xf32>
        %mul3A_232 = arith.mulf %max3A_228, %get3A_231 : vector<16xf32>
        %add3A_233 = arith.addf %add3A_216, %mul3A_232 : vector<16xf32>
        %get3A_234 = arith.index_cast %scan3A_116 : i32 to index
        %get3A_235 = arith.constant 112 : index
        %get3A_236 = tpu.vector_load %arg12[%get3A_234, %get3A_235] {strides = array<i32>} : memref<125x128xf32, #tpu.memory_space<vmem>>, vector<1x16xf32>,
        %get3A_237 = vector.shape_cast %get3A_236 : vector<1x16xf32> to vector<16xf32>
        %get3A_238 = arith.index_cast %scan3A_116 : i32 to index
        %get3A_239 = arith.constant 112 : index
        %get3A_240 = tpu.vector_load %arg13[%get3A_238, %get3A_239] {strides = array<i32>} : memref<125x128xf32, #tpu.memory_space<vmem>>, vector<1x16xf32>,
        %get3A_241 = vector.shape_cast %get3A_240 : vector<1x16xf32> to vector<16xf32>
        %add3A_242 = arith.addf %get3A_237, %get3A_241 : vector<16xf32>
        %max3A_243 = arith.constant 0.000000e+00 : f32
        %max3A_244 = vector.broadcast %max3A_243 : f32 to vector<16xf32>
        %max3A_245 = arith.maximumf %add3A_242, %max3A_244 : vector<16xf32>
        %get3A_246 = arith.constant 112 : index
        %get3A_247 = tpu.vector_load %arg16[%get3A_246] {strides = array<i32>} : memref<128xf32, #tpu.memory_space<vmem>>, vector<16xf32>,
        %get3A_248 = vector.shape_cast %get3A_247 : vector<16xf32> to vector<16xf32>
        %mul3A_249 = arith.mulf %max3A_245, %get3A_248 : vector<16xf32>
        %add3A_250 = arith.addf %add3A_233, %mul3A_249 : vector<16xf32>
        %swap3A = arith.index_cast %scan3A_116 : i32 to index
        %swap3A_251 = arith.constant 0 : index
        %swap3A_252 = tpu.vector_load %arg15[%swap3A, %swap3A_251] {strides = array<i32>} : memref<125x16xf32, #tpu.memory_space<vmem>>, vector<1x16xf32>,
        %swap3A_253 = vector.shape_cast %swap3A_252 : vector<1x16xf32> to vector<16xf32>
        %swap3A_254 = vector.shape_cast %add3A_250 : vector<16xf32> to vector<1x16xf32>
        tpu.vector_store %arg15[%swap3A, %swap3A_251], %swap3A_254 {strides = array<i32>} : memref<125x16xf32, #tpu.memory_space<vmem>>, vector<1x16xf32>,
      }
      %scan3A_89 = arith.constant 125 : i32
      %dma_start3A_90 = arith.constant 0 : i32
      %dma_start3A_91 = arith.constant 0 : i32
      %dma_start3A_92 = tpu.memref_slice %arg7[%add3A, %add3A_83, %dma_start3A_90, %dma_start3A_91] : memref<32x80x125x16xf32, #tpu.memory_space<hbm>> -> memref<1x1x125x16xf32, #tpu.memory_space<hbm>>
      %dma_start3A_93 = tpu.memref_squeeze %dma_start3A_92 : memref<1x1x125x16xf32, #tpu.memory_space<hbm>> -> memref<125x16xf32, #tpu.memory_space<hbm>>
      %dma_start3A_94 = arith.constant 0 : i32
      %dma_start3A_95 = arith.constant 0 : i32
      %dma_start3A_96 = tpu.memref_slice %arg7[%add3A, %add3A_83, %dma_start3A_94, %dma_start3A_95] : memref<32x80x125x16xf32, #tpu.memory_space<hbm>> -> memref<1x1x125x16xf32, #tpu.memory_space<hbm>>
      %dma_start3A_97 = tpu.memref_squeeze %dma_start3A_96 : memref<1x1x125x16xf32, #tpu.memory_space<hbm>> -> memref<125x16xf32, #tpu.memory_space<hbm>>
      tpu.enqueue_dma source(%arg15 : memref<125x16xf32, #tpu.memory_space<vmem>>) target(%dma_start3A_97 : memref<125x16xf32, #tpu.memory_space<hbm>>) target_semaphore(%arg19 : memref<!tpu.dma_semaphore, #tpu.memory_space<semaphore_mem>>)
      %dma_wait3A_98 = arith.constant 0 : i32
      %dma_wait3A_99 = arith.constant 0 : i32
      %dma_wait3A_100 = arith.constant 0 : i32
      %dma_wait3A_101 = tpu.memref_slice %arg7[%add3A, %dma_wait3A_98, %dma_wait3A_99, %dma_wait3A_100] : memref<32x80x125x16xf32, #tpu.memory_space<hbm>> -> memref<1x1x125x16xf32, #tpu.memory_space<hbm>>
      %dma_wait3A_102 = tpu.memref_squeeze %dma_wait3A_101 : memref<1x1x125x16xf32, #tpu.memory_space<hbm>> -> memref<125x16xf32, #tpu.memory_space<hbm>>
      %dma_wait3A_103 = arith.constant 0 : i32
      %dma_wait3A_104 = arith.constant 0 : i32
      %dma_wait3A_105 = tpu.memref_slice %arg7[%add3A, %dma_wait3A_98, %dma_wait3A_103, %dma_wait3A_104] : memref<32x80x125x16xf32, #tpu.memory_space<hbm>> -> memref<1x1x125x16xf32, #tpu.memory_space<hbm>>
      %dma_wait3A_106 = tpu.memref_squeeze %dma_wait3A_105 : memref<1x1x125x16xf32, #tpu.memory_space<hbm>> -> memref<125x16xf32, #tpu.memory_space<hbm>>
      tpu.wait_dma2 semaphore(%arg19 : memref<!tpu.dma_semaphore, #tpu.memory_space<semaphore_mem>>) src(%arg14 : memref<125x16xf32, #tpu.memory_space<vmem>>) dst(%dma_wait3A_106 : memref<125x16xf32, #tpu.memory_space<hbm>>)
      %dma_wait3A_107 = arith.constant 0 : i32
      %dma_wait3A_108 = arith.constant 0 : i32
      %dma_wait3A_109 = arith.constant 0 : i32
      %dma_wait3A_110 = tpu.memref_slice %arg7[%add3A, %dma_wait3A_107, %dma_wait3A_108, %dma_wait3A_109] : memref<32x80x125x16xf32, #tpu.memory_space<hbm>> -> memref<1x1x125x16xf32, #tpu.memory_space<hbm>>
      %dma_wait3A_111 = tpu.memref_squeeze %dma_wait3A_110 : memref<1x1x125x16xf32, #tpu.memory_space<hbm>> -> memref<125x16xf32, #tpu.memory_space<hbm>>
      %dma_wait3A_112 = arith.constant 0 : i32
      %dma_wait3A_113 = arith.constant 0 : i32
      %dma_wait3A_114 = tpu.memref_slice %arg7[%add3A, %dma_wait3A_107, %dma_wait3A_112, %dma_wait3A_113] : memref<32x80x125x16xf32, #tpu.memory_space<hbm>> -> memref<1x1x125x16xf32, #tpu.memory_space<hbm>>
      %dma_wait3A_115 = tpu.memref_squeeze %dma_wait3A_114 : memref<1x1x125x16xf32, #tpu.memory_space<hbm>> -> memref<125x16xf32, #tpu.memory_space<hbm>>
      tpu.wait_dma2 semaphore(%arg19 : memref<!tpu.dma_semaphore, #tpu.memory_space<semaphore_mem>>) src(%arg15 : memref<125x16xf32, #tpu.memory_space<vmem>>) dst(%dma_wait3A_115 : memref<125x16xf32, #tpu.memory_space<hbm>>)
    }
    %scan3A_19 = arith.constant 40 : i32
    return
  }
}

module attributes {stable_mosaic.version = 14 : i64} {
  func.func @_stage_a1_body(%arg0: i32, %arg1: memref<1000x128xf32, #tpu.memory_space<vmem>>, %arg2: memref<128x128xf32, #tpu.memory_space<vmem>>, %arg3: memref<1000x128xf32, #tpu.memory_space<vmem>>) attributes {dimension_semantics = [#tpu.dimension_semantics<arbitrary>], iteration_bounds = array<i64: 10>, scalar_prefetch = 0 : i64, scratch_operands = 0 : i64, tpu.core_type = #tpu.core_type<tc>, window_params = [{transform_indices = @transform_0, window_bounds = array<i64: 1000, 128>}, {pipeline_mode = #tpu.pipeline_mode<synchronous>, transform_indices = @transform_1, window_bounds = array<i64: 128, 128>}, {transform_indices = @transform_2, window_bounds = array<i64: 1000, 128>}]} {
    %get3A = arith.constant 0 : index
    %get3A_0 = arith.constant 0 : index
    %get3A_1 = vector.load %arg1[%get3A, %get3A_0] : memref<1000x128xf32, #tpu.memory_space<vmem>>, vector<1000x128xf32>
    %get3A_2 = arith.constant 0 : index
    %get3A_3 = arith.constant 0 : index
    %get3A_4 = vector.load %arg2[%get3A_2, %get3A_3] : memref<128x128xf32, #tpu.memory_space<vmem>>, vector<128x128xf32>
    %dot_general3A = arith.constant dense<0.000000e+00> : vector<1000x128xf32>
    %dot_general3A_5 = tpu.matmul %get3A_1, %get3A_4, %dot_general3A {dimension_numbers = #tpu.dot_dimension_numbers<[1], [1], [0], [0], [0, 0, 1, 0], [], []>, transpose_lhs_hint = false} : vector<1000x128xf32>, vector<128x128xf32>, vector<1000x128xf32> -> vector<1000x128xf32>
    %swap3A = arith.constant 0 : index
    %swap3A_6 = arith.constant 0 : index
    %swap3A_7 = vector.load %arg3[%swap3A, %swap3A_6] : memref<1000x128xf32, #tpu.memory_space<vmem>>, vector<1000x128xf32>
    tpu.vector_store %arg3[%swap3A, %swap3A_6], %dot_general3A_5 {strides = array<i32>} : memref<1000x128xf32, #tpu.memory_space<vmem>>, vector<1000x128xf32>,
    return
  }
  func.func @transform_0(%arg0: i32) -> (i32, i32) {
    %c0_i32 = arith.constant 0 : i32
    %c0_i32_0 = arith.constant 0 : i32
    return %arg0, %c0_i32 : i32, i32
  }
  func.func @transform_1(%arg0: i32) -> (i32, i32) {
    %c0_i32 = arith.constant 0 : i32
    %c0_i32_0 = arith.constant 0 : i32
    %c0_i32_1 = arith.constant 0 : i32
    return %c0_i32, %c0_i32_0 : i32, i32
  }
  func.func @transform_2(%arg0: i32) -> (i32, i32) {
    %c0_i32 = arith.constant 0 : i32
    %c0_i32_0 = arith.constant 0 : i32
    return %arg0, %c0_i32 : i32, i32
  }
}

module attributes {stable_mosaic.version = 14 : i64} {
  func.func @_stage_a2_body(%arg0: i32, %arg1: memref<1000x128xf32, #tpu.memory_space<vmem>>, %arg2: memref<128x128xf32, #tpu.memory_space<vmem>>, %arg3: memref<1x128xf32, #tpu.memory_space<vmem>>, %arg4: memref<1000x128xf32, #tpu.memory_space<vmem>>) attributes {dimension_semantics = [#tpu.dimension_semantics<arbitrary>], iteration_bounds = array<i64: 10>, scalar_prefetch = 0 : i64, scratch_operands = 0 : i64, tpu.core_type = #tpu.core_type<tc>, window_params = [{transform_indices = @transform_0, window_bounds = array<i64: 1000, 128>}, {pipeline_mode = #tpu.pipeline_mode<synchronous>, transform_indices = @transform_1, window_bounds = array<i64: 128, 128>}, {pipeline_mode = #tpu.pipeline_mode<synchronous>, transform_indices = @transform_2, window_bounds = array<i64: 1, 128>}, {transform_indices = @transform_3, window_bounds = array<i64: 1000, 128>}]} {
    %get3A = arith.constant 0 : index
    %get3A_0 = arith.constant 0 : index
    %get3A_1 = vector.load %arg1[%get3A, %get3A_0] : memref<1000x128xf32, #tpu.memory_space<vmem>>, vector<1000x128xf32>
    %get3A_2 = arith.constant 0 : index
    %get3A_3 = arith.constant 0 : index
    %get3A_4 = vector.load %arg2[%get3A_2, %get3A_3] : memref<128x128xf32, #tpu.memory_space<vmem>>, vector<128x128xf32>
    %dot_general3A = arith.constant dense<0.000000e+00> : vector<1000x128xf32>
    %dot_general3A_5 = tpu.matmul %get3A_1, %get3A_4, %dot_general3A {dimension_numbers = #tpu.dot_dimension_numbers<[1], [1], [0], [0], [0, 0, 1, 0], [], []>, transpose_lhs_hint = false} : vector<1000x128xf32>, vector<128x128xf32>, vector<1000x128xf32> -> vector<1000x128xf32>
    %get3A_6 = arith.constant 0 : index
    %get3A_7 = arith.constant 0 : index
    %get3A_8 = vector.load %arg3[%get3A_6, %get3A_7] : memref<1x128xf32, #tpu.memory_space<vmem>>, vector<1x128xf32>
    %add3A = vector.broadcast %get3A_8 : vector<1x128xf32> to vector<1000x128xf32>
    %add3A_9 = arith.addf %dot_general3A_5, %add3A : vector<1000x128xf32>
    %swap3A = arith.constant 0 : index
    %swap3A_10 = arith.constant 0 : index
    %swap3A_11 = vector.load %arg4[%swap3A, %swap3A_10] : memref<1000x128xf32, #tpu.memory_space<vmem>>, vector<1000x128xf32>
    tpu.vector_store %arg4[%swap3A, %swap3A_10], %add3A_9 {strides = array<i32>} : memref<1000x128xf32, #tpu.memory_space<vmem>>, vector<1000x128xf32>,
    return
  }
  func.func @transform_0(%arg0: i32) -> (i32, i32) {
    %c0_i32 = arith.constant 0 : i32
    %c0_i32_0 = arith.constant 0 : i32
    return %arg0, %c0_i32 : i32, i32
  }
  func.func @transform_1(%arg0: i32) -> (i32, i32) {
    %c0_i32 = arith.constant 0 : i32
    %c0_i32_0 = arith.constant 0 : i32
    %c0_i32_1 = arith.constant 0 : i32
    return %c0_i32, %c0_i32_0 : i32, i32
  }
  func.func @transform_2(%arg0: i32) -> (i32, i32) {
    %c0_i32 = arith.constant 0 : i32
    %c0_i32_0 = arith.constant 0 : i32
    %c0_i32_1 = arith.constant 0 : i32
    return %c0_i32, %c0_i32_0 : i32, i32
  }
  func.func @transform_3(%arg0: i32) -> (i32, i32) {
    %c0_i32 = arith.constant 0 : i32
    %c0_i32_0 = arith.constant 0 : i32
    return %arg0, %c0_i32 : i32, i32
  }
}

module attributes {stable_mosaic.version = 14 : i64} {
  func.func @_stage_b1_body(%arg0: i32, %arg1: memref<1x1000x128xf32, #tpu.memory_space<vmem>>, %arg2: memref<1x1000x128xf32, #tpu.memory_space<vmem>>, %arg3: memref<1000x1xf32, #tpu.memory_space<vmem>>, %arg4: memref<1000x128xf32, #tpu.memory_space<vmem>>, %arg5: memref<128x128xf32, #tpu.memory_space<vmem>>, %arg6: memref<1000x128xf32, #tpu.memory_space<vmem>>) attributes {dimension_semantics = [#tpu.dimension_semantics<arbitrary>], iteration_bounds = array<i64: 10>, scalar_prefetch = 0 : i64, scratch_operands = 0 : i64, tpu.core_type = #tpu.core_type<tc>, window_params = [{transform_indices = @transform_0, window_bounds = array<i64: 1, 1000, 128>}, {transform_indices = @transform_1, window_bounds = array<i64: 1, 1000, 128>}, {transform_indices = @transform_2, window_bounds = array<i64: 1000, 1>}, {transform_indices = @transform_3, window_bounds = array<i64: 1000, 128>}, {pipeline_mode = #tpu.pipeline_mode<synchronous>, transform_indices = @transform_4, window_bounds = array<i64: 128, 128>}, {transform_indices = @transform_5, window_bounds = array<i64: 1000, 128>}]} {
    %get3A = arith.constant 0 : index
    %get3A_0 = arith.constant 0 : index
    %get3A_1 = arith.constant 0 : index
    %get3A_2 = vector.load %arg1[%get3A, %get3A_0, %get3A_1] : memref<1x1000x128xf32, #tpu.memory_space<vmem>>, vector<1x1000x128xf32>
    %get3A_3 = vector.shape_cast %get3A_2 : vector<1x1000x128xf32> to vector<1000x128xf32>
    %get3A_4 = arith.constant 0 : index
    %get3A_5 = arith.constant 0 : index
    %get3A_6 = arith.constant 0 : index
    %get3A_7 = vector.load %arg2[%get3A_4, %get3A_5, %get3A_6] : memref<1x1000x128xf32, #tpu.memory_space<vmem>>, vector<1x1000x128xf32>
    %get3A_8 = vector.shape_cast %get3A_7 : vector<1x1000x128xf32> to vector<1000x128xf32>
    %add3A = arith.addf %get3A_3, %get3A_8 : vector<1000x128xf32>
    %get3A_9 = arith.constant 0 : index
    %get3A_10 = arith.constant 0 : index
    %get3A_11 = vector.load %arg3[%get3A_9, %get3A_10] : memref<1000x1xf32, #tpu.memory_space<vmem>>, vector<1000x1xf32>
    %mul3A = vector.broadcast %get3A_11 : vector<1000x1xf32> to vector<1000x128xf32>
    %mul3A_12 = arith.mulf %add3A, %mul3A : vector<1000x128xf32>
    %get3A_13 = arith.constant 0 : index
    %get3A_14 = arith.constant 0 : index
    %get3A_15 = vector.load %arg4[%get3A_13, %get3A_14] : memref<1000x128xf32, #tpu.memory_space<vmem>>, vector<1000x128xf32>
    %add3A_16 = arith.addf %mul3A_12, %get3A_15 : vector<1000x128xf32>
    %max3A = arith.constant 0.000000e+00 : f32
    %max3A_17 = vector.broadcast %max3A : f32 to vector<1000x128xf32>
    %max3A_18 = arith.maximumf %add3A_16, %max3A_17 : vector<1000x128xf32>
    %get3A_19 = arith.constant 0 : index
    %get3A_20 = arith.constant 0 : index
    %get3A_21 = vector.load %arg5[%get3A_19, %get3A_20] : memref<128x128xf32, #tpu.memory_space<vmem>>, vector<128x128xf32>
    %dot_general3A = arith.constant dense<0.000000e+00> : vector<1000x128xf32>
    %dot_general3A_22 = tpu.matmul %max3A_18, %get3A_21, %dot_general3A {dimension_numbers = #tpu.dot_dimension_numbers<[1], [1], [0], [0], [0, 0, 1, 0], [], []>, transpose_lhs_hint = false} : vector<1000x128xf32>, vector<128x128xf32>, vector<1000x128xf32> -> vector<1000x128xf32>
    %swap3A = arith.constant 0 : index
    %swap3A_23 = arith.constant 0 : index
    %swap3A_24 = vector.load %arg6[%swap3A, %swap3A_23] : memref<1000x128xf32, #tpu.memory_space<vmem>>, vector<1000x128xf32>
    tpu.vector_store %arg6[%swap3A, %swap3A_23], %dot_general3A_22 {strides = array<i32>} : memref<1000x128xf32, #tpu.memory_space<vmem>>, vector<1000x128xf32>,
    return
  }
  func.func @transform_0(%arg0: i32) -> (i32, i32, i32) {
    %c0_i32 = arith.constant 0 : i32
    %c0_i32_0 = arith.constant 0 : i32
    %c0_i32_1 = arith.constant 0 : i32
    return %c0_i32, %arg0, %c0_i32_0 : i32, i32, i32
  }
  func.func @transform_1(%arg0: i32) -> (i32, i32, i32) {
    %c1_i32 = arith.constant 1 : i32
    %c0_i32 = arith.constant 0 : i32
    %c0_i32_0 = arith.constant 0 : i32
    return %c1_i32, %arg0, %c0_i32 : i32, i32, i32
  }
  func.func @transform_2(%arg0: i32) -> (i32, i32) {
    %c0_i32 = arith.constant 0 : i32
    %c0_i32_0 = arith.constant 0 : i32
    return %arg0, %c0_i32 : i32, i32
  }
  func.func @transform_3(%arg0: i32) -> (i32, i32) {
    %c0_i32 = arith.constant 0 : i32
    %c0_i32_0 = arith.constant 0 : i32
    return %arg0, %c0_i32 : i32, i32
  }
  func.func @transform_4(%arg0: i32) -> (i32, i32) {
    %c0_i32 = arith.constant 0 : i32
    %c0_i32_0 = arith.constant 0 : i32
    %c0_i32_1 = arith.constant 0 : i32
    return %c0_i32, %c0_i32_0 : i32, i32
  }
  func.func @transform_5(%arg0: i32) -> (i32, i32) {
    %c0_i32 = arith.constant 0 : i32
    %c0_i32_0 = arith.constant 0 : i32
    return %arg0, %c0_i32 : i32, i32
  }
}

module attributes {stable_mosaic.version = 14 : i64} {
  func.func @_stage_b2_body(%arg0: i32, %arg1: memref<1x1000x128xf32, #tpu.memory_space<vmem>>, %arg2: memref<1x1000x128xf32, #tpu.memory_space<vmem>>, %arg3: memref<1000x1xf32, #tpu.memory_space<vmem>>, %arg4: memref<1000x128xf32, #tpu.memory_space<vmem>>, %arg5: memref<128x128xf32, #tpu.memory_space<vmem>>, %arg6: memref<1x128xf32, #tpu.memory_space<vmem>>, %arg7: memref<1000x128xf32, #tpu.memory_space<vmem>>) attributes {dimension_semantics = [#tpu.dimension_semantics<arbitrary>], iteration_bounds = array<i64: 10>, scalar_prefetch = 0 : i64, scratch_operands = 0 : i64, tpu.core_type = #tpu.core_type<tc>, window_params = [{transform_indices = @transform_0, window_bounds = array<i64: 1, 1000, 128>}, {transform_indices = @transform_1, window_bounds = array<i64: 1, 1000, 128>}, {transform_indices = @transform_2, window_bounds = array<i64: 1000, 1>}, {transform_indices = @transform_3, window_bounds = array<i64: 1000, 128>}, {pipeline_mode = #tpu.pipeline_mode<synchronous>, transform_indices = @transform_4, window_bounds = array<i64: 128, 128>}, {pipeline_mode = #tpu.pipeline_mode<synchronous>, transform_indices = @transform_5, window_bounds = array<i64: 1, 128>}, {transform_indices = @transform_6, window_bounds = array<i64: 1000, 128>}]} {
    %get3A = arith.constant 0 : index
    %get3A_0 = arith.constant 0 : index
    %get3A_1 = arith.constant 0 : index
    %get3A_2 = vector.load %arg1[%get3A, %get3A_0, %get3A_1] : memref<1x1000x128xf32, #tpu.memory_space<vmem>>, vector<1x1000x128xf32>
    %get3A_3 = vector.shape_cast %get3A_2 : vector<1x1000x128xf32> to vector<1000x128xf32>
    %get3A_4 = arith.constant 0 : index
    %get3A_5 = arith.constant 0 : index
    %get3A_6 = arith.constant 0 : index
    %get3A_7 = vector.load %arg2[%get3A_4, %get3A_5, %get3A_6] : memref<1x1000x128xf32, #tpu.memory_space<vmem>>, vector<1x1000x128xf32>
    %get3A_8 = vector.shape_cast %get3A_7 : vector<1x1000x128xf32> to vector<1000x128xf32>
    %add3A = arith.addf %get3A_3, %get3A_8 : vector<1000x128xf32>
    %get3A_9 = arith.constant 0 : index
    %get3A_10 = arith.constant 0 : index
    %get3A_11 = vector.load %arg3[%get3A_9, %get3A_10] : memref<1000x1xf32, #tpu.memory_space<vmem>>, vector<1000x1xf32>
    %mul3A = vector.broadcast %get3A_11 : vector<1000x1xf32> to vector<1000x128xf32>
    %mul3A_12 = arith.mulf %add3A, %mul3A : vector<1000x128xf32>
    %get3A_13 = arith.constant 0 : index
    %get3A_14 = arith.constant 0 : index
    %get3A_15 = vector.load %arg4[%get3A_13, %get3A_14] : memref<1000x128xf32, #tpu.memory_space<vmem>>, vector<1000x128xf32>
    %add3A_16 = arith.addf %mul3A_12, %get3A_15 : vector<1000x128xf32>
    %max3A = arith.constant 0.000000e+00 : f32
    %max3A_17 = vector.broadcast %max3A : f32 to vector<1000x128xf32>
    %max3A_18 = arith.maximumf %add3A_16, %max3A_17 : vector<1000x128xf32>
    %get3A_19 = arith.constant 0 : index
    %get3A_20 = arith.constant 0 : index
    %get3A_21 = vector.load %arg5[%get3A_19, %get3A_20] : memref<128x128xf32, #tpu.memory_space<vmem>>, vector<128x128xf32>
    %dot_general3A = arith.constant dense<0.000000e+00> : vector<1000x128xf32>
    %dot_general3A_22 = tpu.matmul %max3A_18, %get3A_21, %dot_general3A {dimension_numbers = #tpu.dot_dimension_numbers<[1], [1], [0], [0], [0, 0, 1, 0], [], []>, transpose_lhs_hint = false} : vector<1000x128xf32>, vector<128x128xf32>, vector<1000x128xf32> -> vector<1000x128xf32>
    %get3A_23 = arith.constant 0 : index
    %get3A_24 = arith.constant 0 : index
    %get3A_25 = vector.load %arg6[%get3A_23, %get3A_24] : memref<1x128xf32, #tpu.memory_space<vmem>>, vector<1x128xf32>
    %add3A_26 = vector.broadcast %get3A_25 : vector<1x128xf32> to vector<1000x128xf32>
    %add3A_27 = arith.addf %dot_general3A_22, %add3A_26 : vector<1000x128xf32>
    %swap3A = arith.constant 0 : index
    %swap3A_28 = arith.constant 0 : index
    %swap3A_29 = vector.load %arg7[%swap3A, %swap3A_28] : memref<1000x128xf32, #tpu.memory_space<vmem>>, vector<1000x128xf32>
    tpu.vector_store %arg7[%swap3A, %swap3A_28], %add3A_27 {strides = array<i32>} : memref<1000x128xf32, #tpu.memory_space<vmem>>, vector<1000x128xf32>,
    return
  }
  func.func @transform_0(%arg0: i32) -> (i32, i32, i32) {
    %c0_i32 = arith.constant 0 : i32
    %c0_i32_0 = arith.constant 0 : i32
    %c0_i32_1 = arith.constant 0 : i32
    return %c0_i32, %arg0, %c0_i32_0 : i32, i32, i32
  }
  func.func @transform_1(%arg0: i32) -> (i32, i32, i32) {
    %c1_i32 = arith.constant 1 : i32
    %c0_i32 = arith.constant 0 : i32
    %c0_i32_0 = arith.constant 0 : i32
    return %c1_i32, %arg0, %c0_i32 : i32, i32, i32
  }
  func.func @transform_2(%arg0: i32) -> (i32, i32) {
    %c0_i32 = arith.constant 0 : i32
    %c0_i32_0 = arith.constant 0 : i32
    return %arg0, %c0_i32 : i32, i32
  }
  func.func @transform_3(%arg0: i32) -> (i32, i32) {
    %c0_i32 = arith.constant 0 : i32
    %c0_i32_0 = arith.constant 0 : i32
    return %arg0, %c0_i32 : i32, i32
  }
  func.func @transform_4(%arg0: i32) -> (i32, i32) {
    %c0_i32 = arith.constant 0 : i32
    %c0_i32_0 = arith.constant 0 : i32
    %c0_i32_1 = arith.constant 0 : i32
    return %c0_i32, %c0_i32_0 : i32, i32
  }
  func.func @transform_5(%arg0: i32) -> (i32, i32) {
    %c0_i32 = arith.constant 0 : i32
    %c0_i32_0 = arith.constant 0 : i32
    %c0_i32_1 = arith.constant 0 : i32
    return %c0_i32, %c0_i32_0 : i32, i32
  }
  func.func @transform_6(%arg0: i32) -> (i32, i32) {
    %c0_i32 = arith.constant 0 : i32
    %c0_i32_0 = arith.constant 0 : i32
    return %arg0, %c0_i32 : i32, i32
  }
}

module attributes {stable_mosaic.version = 14 : i64} {
  func.func @_stage_c_body(%arg0: i32, %arg1: memref<1x1000x128xf32, #tpu.memory_space<vmem>>, %arg2: memref<1x1000x128xf32, #tpu.memory_space<vmem>>, %arg3: memref<1000x1xf32, #tpu.memory_space<vmem>>, %arg4: memref<1000x128xf32, #tpu.memory_space<vmem>>, %arg5: memref<128x128xf32, #tpu.memory_space<vmem>>, %arg6: memref<1x128xf32, #tpu.memory_space<vmem>>, %arg7: memref<128x128xf32, #tpu.memory_space<vmem>>, %arg8: memref<1x128xf32, #tpu.memory_space<vmem>>, %arg9: memref<128x128xf32, #tpu.memory_space<vmem>>, %arg10: memref<128x128xf32, #tpu.memory_space<vmem>>, %arg11: memref<1x128xf32, #tpu.memory_space<vmem>>, %arg12: memref<1000x128xf32, #tpu.memory_space<vmem>>, %arg13: memref<1000x128xf32, #tpu.memory_space<vmem>>) attributes {dimension_semantics = [#tpu.dimension_semantics<arbitrary>], iteration_bounds = array<i64: 10>, scalar_prefetch = 0 : i64, scratch_operands = 0 : i64, tpu.core_type = #tpu.core_type<tc>, window_params = [{transform_indices = @transform_0, window_bounds = array<i64: 1, 1000, 128>}, {transform_indices = @transform_1, window_bounds = array<i64: 1, 1000, 128>}, {transform_indices = @transform_2, window_bounds = array<i64: 1000, 1>}, {transform_indices = @transform_3, window_bounds = array<i64: 1000, 128>}, {pipeline_mode = #tpu.pipeline_mode<synchronous>, transform_indices = @transform_4, window_bounds = array<i64: 128, 128>}, {pipeline_mode = #tpu.pipeline_mode<synchronous>, transform_indices = @transform_5, window_bounds = array<i64: 1, 128>}, {pipeline_mode = #tpu.pipeline_mode<synchronous>, transform_indices = @transform_6, window_bounds = array<i64: 128, 128>}, {pipeline_mode = #tpu.pipeline_mode<synchronous>, transform_indices = @transform_7, window_bounds = array<i64: 1, 128>}, {pipeline_mode = #tpu.pipeline_mode<synchronous>, transform_indices = @transform_8, window_bounds = array<i64: 128, 128>}, {pipeline_mode = #tpu.pipeline_mode<synchronous>, transform_indices = @transform_9, window_bounds = array<i64: 128, 128>}, {pipeline_mode = #tpu.pipeline_mode<synchronous>, transform_indices = @transform_10, window_bounds = array<i64: 1, 128>}, {transform_indices = @transform_11, window_bounds = array<i64: 1000, 128>}, {transform_indices = @transform_12, window_bounds = array<i64: 1000, 128>}]} {
    %get3A = arith.constant 0 : index
    %get3A_0 = arith.constant 0 : index
    %get3A_1 = arith.constant 0 : index
    %get3A_2 = vector.load %arg1[%get3A, %get3A_0, %get3A_1] : memref<1x1000x128xf32, #tpu.memory_space<vmem>>, vector<1x1000x128xf32>
    %get3A_3 = vector.shape_cast %get3A_2 : vector<1x1000x128xf32> to vector<1000x128xf32>
    %get3A_4 = arith.constant 0 : index
    %get3A_5 = arith.constant 0 : index
    %get3A_6 = arith.constant 0 : index
    %get3A_7 = vector.load %arg2[%get3A_4, %get3A_5, %get3A_6] : memref<1x1000x128xf32, #tpu.memory_space<vmem>>, vector<1x1000x128xf32>
    %get3A_8 = vector.shape_cast %get3A_7 : vector<1x1000x128xf32> to vector<1000x128xf32>
    %add3A = arith.addf %get3A_3, %get3A_8 : vector<1000x128xf32>
    %get3A_9 = arith.constant 0 : index
    %get3A_10 = arith.constant 0 : index
    %get3A_11 = vector.load %arg3[%get3A_9, %get3A_10] : memref<1000x1xf32, #tpu.memory_space<vmem>>, vector<1000x1xf32>
    %mul3A = vector.broadcast %get3A_11 : vector<1000x1xf32> to vector<1000x128xf32>
    %mul3A_12 = arith.mulf %add3A, %mul3A : vector<1000x128xf32>
    %get3A_13 = arith.constant 0 : index
    %get3A_14 = arith.constant 0 : index
    %get3A_15 = vector.load %arg4[%get3A_13, %get3A_14] : memref<1000x128xf32, #tpu.memory_space<vmem>>, vector<1000x128xf32>
    %add3A_16 = arith.addf %mul3A_12, %get3A_15 : vector<1000x128xf32>
    %max3A = arith.constant 0.000000e+00 : f32
    %max3A_17 = vector.broadcast %max3A : f32 to vector<1000x128xf32>
    %max3A_18 = arith.maximumf %add3A_16, %max3A_17 : vector<1000x128xf32>
    %get3A_19 = arith.constant 0 : index
    %get3A_20 = arith.constant 0 : index
    %get3A_21 = vector.load %arg5[%get3A_19, %get3A_20] : memref<128x128xf32, #tpu.memory_space<vmem>>, vector<128x128xf32>
    %dot_general3A = arith.constant dense<0.000000e+00> : vector<1000x128xf32>
    %dot_general3A_22 = tpu.matmul %max3A_18, %get3A_21, %dot_general3A {dimension_numbers = #tpu.dot_dimension_numbers<[1], [1], [0], [0], [0, 0, 1, 0], [], []>, transpose_lhs_hint = false} : vector<1000x128xf32>, vector<128x128xf32>, vector<1000x128xf32> -> vector<1000x128xf32>
    %get3A_23 = arith.constant 0 : index
    %get3A_24 = arith.constant 0 : index
    %get3A_25 = vector.load %arg6[%get3A_23, %get3A_24] : memref<1x128xf32, #tpu.memory_space<vmem>>, vector<1x128xf32>
    %add3A_26 = vector.broadcast %get3A_25 : vector<1x128xf32> to vector<1000x128xf32>
    %add3A_27 = arith.addf %dot_general3A_22, %add3A_26 : vector<1000x128xf32>
    %max3A_28 = arith.constant 0.000000e+00 : f32
    %max3A_29 = vector.broadcast %max3A_28 : f32 to vector<1000x128xf32>
    %max3A_30 = arith.maximumf %add3A_27, %max3A_29 : vector<1000x128xf32>
    %get3A_31 = arith.constant 0 : index
    %get3A_32 = arith.constant 0 : index
    %get3A_33 = vector.load %arg7[%get3A_31, %get3A_32] : memref<128x128xf32, #tpu.memory_space<vmem>>, vector<128x128xf32>
    %dot_general3A_34 = arith.constant dense<0.000000e+00> : vector<1000x128xf32>
    %dot_general3A_35 = tpu.matmul %max3A_30, %get3A_33, %dot_general3A_34 {dimension_numbers = #tpu.dot_dimension_numbers<[1], [1], [0], [0], [0, 0, 1, 0], [], []>, transpose_lhs_hint = false} : vector<1000x128xf32>, vector<128x128xf32>, vector<1000x128xf32> -> vector<1000x128xf32>
    %get3A_36 = arith.constant 0 : index
    %get3A_37 = arith.constant 0 : index
    %get3A_38 = vector.load %arg8[%get3A_36, %get3A_37] : memref<1x128xf32, #tpu.memory_space<vmem>>, vector<1x128xf32>
    %add3A_39 = vector.broadcast %get3A_38 : vector<1x128xf32> to vector<1000x128xf32>
    %add3A_40 = arith.addf %dot_general3A_35, %add3A_39 : vector<1000x128xf32>
    %get3A_41 = arith.constant 0 : index
    %get3A_42 = arith.constant 0 : index
    %get3A_43 = vector.load %arg9[%get3A_41, %get3A_42] : memref<128x128xf32, #tpu.memory_space<vmem>>, vector<128x128xf32>
    %dot_general3A_44 = arith.constant dense<0.000000e+00> : vector<1000x128xf32>
    %dot_general3A_45 = tpu.matmul %add3A_40, %get3A_43, %dot_general3A_44 {dimension_numbers = #tpu.dot_dimension_numbers<[1], [1], [0], [0], [0, 0, 1, 0], [], []>, transpose_lhs_hint = false} : vector<1000x128xf32>, vector<128x128xf32>, vector<1000x128xf32> -> vector<1000x128xf32>
    %get3A_46 = arith.constant 0 : index
    %get3A_47 = arith.constant 0 : index
    %get3A_48 = vector.load %arg11[%get3A_46, %get3A_47] : memref<1x128xf32, #tpu.memory_space<vmem>>, vector<1x128xf32>
    %add3A_49 = vector.broadcast %get3A_48 : vector<1x128xf32> to vector<1000x128xf32>
    %add3A_50 = arith.addf %dot_general3A_45, %add3A_49 : vector<1000x128xf32>
    %swap3A = arith.constant 0 : index
    %swap3A_51 = arith.constant 0 : index
    %swap3A_52 = vector.load %arg12[%swap3A, %swap3A_51] : memref<1000x128xf32, #tpu.memory_space<vmem>>, vector<1000x128xf32>
    tpu.vector_store %arg12[%swap3A, %swap3A_51], %add3A_50 {strides = array<i32>} : memref<1000x128xf32, #tpu.memory_space<vmem>>, vector<1000x128xf32>,
    %get3A_53 = arith.constant 0 : index
    %get3A_54 = arith.constant 0 : index
    %get3A_55 = vector.load %arg10[%get3A_53, %get3A_54] : memref<128x128xf32, #tpu.memory_space<vmem>>, vector<128x128xf32>
    %dot_general3A_56 = arith.constant dense<0.000000e+00> : vector<1000x128xf32>
    %dot_general3A_57 = tpu.matmul %add3A_40, %get3A_55, %dot_general3A_56 {dimension_numbers = #tpu.dot_dimension_numbers<[1], [1], [0], [0], [0, 0, 1, 0], [], []>, transpose_lhs_hint = false} : vector<1000x128xf32>, vector<128x128xf32>, vector<1000x128xf32> -> vector<1000x128xf32>
    %swap3A_58 = arith.constant 0 : index
    %swap3A_59 = arith.constant 0 : index
    %swap3A_60 = vector.load %arg13[%swap3A_58, %swap3A_59] : memref<1000x128xf32, #tpu.memory_space<vmem>>, vector<1000x128xf32>
    tpu.vector_store %arg13[%swap3A_58, %swap3A_59], %dot_general3A_57 {strides = array<i32>} : memref<1000x128xf32, #tpu.memory_space<vmem>>, vector<1000x128xf32>,
    return
  }
  func.func @transform_0(%arg0: i32) -> (i32, i32, i32) {
    %c0_i32 = arith.constant 0 : i32
    %c0_i32_0 = arith.constant 0 : i32
    %c0_i32_1 = arith.constant 0 : i32
    return %c0_i32, %arg0, %c0_i32_0 : i32, i32, i32
  }
  func.func @transform_1(%arg0: i32) -> (i32, i32, i32) {
    %c1_i32 = arith.constant 1 : i32
    %c0_i32 = arith.constant 0 : i32
    %c0_i32_0 = arith.constant 0 : i32
    return %c1_i32, %arg0, %c0_i32 : i32, i32, i32
  }
  func.func @transform_2(%arg0: i32) -> (i32, i32) {
    %c0_i32 = arith.constant 0 : i32
    %c0_i32_0 = arith.constant 0 : i32
    return %arg0, %c0_i32 : i32, i32
  }
  func.func @transform_3(%arg0: i32) -> (i32, i32) {
    %c0_i32 = arith.constant 0 : i32
    %c0_i32_0 = arith.constant 0 : i32
    return %arg0, %c0_i32 : i32, i32
  }
  func.func @transform_4(%arg0: i32) -> (i32, i32) {
    %c0_i32 = arith.constant 0 : i32
    %c0_i32_0 = arith.constant 0 : i32
    %c0_i32_1 = arith.constant 0 : i32
    return %c0_i32, %c0_i32_0 : i32, i32
  }
  func.func @transform_5(%arg0: i32) -> (i32, i32) {
    %c0_i32 = arith.constant 0 : i32
    %c0_i32_0 = arith.constant 0 : i32
    %c0_i32_1 = arith.constant 0 : i32
    return %c0_i32, %c0_i32_0 : i32, i32
  }
  func.func @transform_6(%arg0: i32) -> (i32, i32) {
    %c0_i32 = arith.constant 0 : i32
    %c0_i32_0 = arith.constant 0 : i32
    %c0_i32_1 = arith.constant 0 : i32
    return %c0_i32, %c0_i32_0 : i32, i32
  }
  func.func @transform_7(%arg0: i32) -> (i32, i32) {
    %c0_i32 = arith.constant 0 : i32
    %c0_i32_0 = arith.constant 0 : i32
    %c0_i32_1 = arith.constant 0 : i32
    return %c0_i32, %c0_i32_0 : i32, i32
  }
  func.func @transform_8(%arg0: i32) -> (i32, i32) {
    %c0_i32 = arith.constant 0 : i32
    %c0_i32_0 = arith.constant 0 : i32
    %c0_i32_1 = arith.constant 0 : i32
    return %c0_i32, %c0_i32_0 : i32, i32
  }
  func.func @transform_9(%arg0: i32) -> (i32, i32) {
    %c0_i32 = arith.constant 0 : i32
    %c0_i32_0 = arith.constant 0 : i32
    %c0_i32_1 = arith.constant 0 : i32
    return %c0_i32, %c0_i32_0 : i32, i32
  }
  func.func @transform_10(%arg0: i32) -> (i32, i32) {
    %c0_i32 = arith.constant 0 : i32
    %c0_i32_0 = arith.constant 0 : i32
    %c0_i32_1 = arith.constant 0 : i32
    return %c0_i32, %c0_i32_0 : i32, i32
  }
  func.func @transform_11(%arg0: i32) -> (i32, i32) {
    %c0_i32 = arith.constant 0 : i32
    %c0_i32_0 = arith.constant 0 : i32
    return %arg0, %c0_i32 : i32, i32
  }
  func.func @transform_12(%arg0: i32) -> (i32, i32) {
    %c0_i32 = arith.constant 0 : i32
    %c0_i32_0 = arith.constant 0 : i32
    return %arg0, %c0_i32 : i32, i32
  }
}

module attributes {stable_mosaic.version = 14 : i64} {
  func.func @_fold_body(%arg0: i32, %arg1: memref<4000x128xf32, #tpu.memory_space<vmem>>, %arg2: memref<1x8xf32, #tpu.memory_space<vmem>>, %arg3: memref<4000x8xf32, #tpu.memory_space<vmem>>) attributes {dimension_semantics = [#tpu.dimension_semantics<arbitrary>], iteration_bounds = array<i64: 10>, scalar_prefetch = 0 : i64, scratch_operands = 0 : i64, tpu.core_type = #tpu.core_type<tc>, window_params = [{transform_indices = @transform_0, window_bounds = array<i64: 4000, 128>}, {pipeline_mode = #tpu.pipeline_mode<synchronous>, transform_indices = @transform_1, window_bounds = array<i64: 1, 8>}, {transform_indices = @transform_2, window_bounds = array<i64: 4000, 8>}]} {
    %iota3A = tpu.iota {dimensions = array<i32: 0>} : vector<128x8xi32>
    %jit3A = arith.constant 16 : i32
    %div3A = vector.broadcast %jit3A : i32 to vector<128x8xi32>
    %div3A_0 = arith.divsi %iota3A, %div3A : vector<128x8xi32>
    %sign3A = arith.constant 0 : i32
    %sign3A_1 = vector.broadcast %sign3A : i32 to vector<128x8xi32>
    %sign3A_2 = arith.cmpi sgt, %iota3A, %sign3A_1 : vector<128x8xi32>
    %sign3A_3 = arith.extui %sign3A_2 : vector<128x8xi1> to vector<128x8xi32>
    %sign3A_4 = arith.constant 0 : i32
    %sign3A_5 = vector.broadcast %sign3A_4 : i32 to vector<128x8xi32>
    %sign3A_6 = arith.cmpi slt, %iota3A, %sign3A_5 : vector<128x8xi32>
    %sign3A_7 = arith.extui %sign3A_6 : vector<128x8xi1> to vector<128x8xi32>
    %sign3A_8 = arith.subi %sign3A_3, %sign3A_7 : vector<128x8xi32>
    %sign3A_9 = arith.constant 0 : i32
    %sign3A_10 = arith.cmpi sgt, %jit3A, %sign3A_9 : i32
    %sign3A_11 = arith.extui %sign3A_10 : i1 to i32
    %sign3A_12 = arith.constant 0 : i32
    %sign3A_13 = arith.cmpi slt, %jit3A, %sign3A_12 : i32
    %sign3A_14 = arith.extui %sign3A_13 : i1 to i32
    %sign3A_15 = arith.subi %sign3A_11, %sign3A_14 : i32
    %ne3A = vector.broadcast %sign3A_15 : i32 to vector<128x8xi32>
    %ne3A_16 = arith.cmpi ne, %sign3A_8, %ne3A : vector<128x8xi32>
    %rem3A = vector.broadcast %jit3A : i32 to vector<128x8xi32>
    %rem3A_17 = arith.remsi %iota3A, %rem3A : vector<128x8xi32>
    %ne3A_18 = arith.constant 0 : i32
    %ne3A_19 = vector.broadcast %ne3A_18 : i32 to vector<128x8xi32>
    %ne3A_20 = arith.cmpi ne, %rem3A_17, %ne3A_19 : vector<128x8xi32>
    %and3A = arith.andi %ne3A_16, %ne3A_20 : vector<128x8xi1>
    %sub3A = arith.constant 1 : i32
    %sub3A_21 = vector.broadcast %sub3A : i32 to vector<128x8xi32>
    %sub3A_22 = arith.subi %div3A_0, %sub3A_21 : vector<128x8xi32>
    %select_n3A = arith.select %and3A, %sub3A_22, %div3A_0 : vector<128x8xi1>, vector<128x8xi32>
    %iota3A_23 = tpu.iota {dimensions = array<i32: 1>} : vector<128x8xi32>
    %eq3A = arith.cmpi eq, %select_n3A, %iota3A_23 : vector<128x8xi32>
    %convert_element_type3A = arith.extui %eq3A : vector<128x8xi1> to vector<128x8xi32>
    %convert_element_type3A_24 = arith.sitofp %convert_element_type3A : vector<128x8xi32> to vector<128x8xf32>
    %get3A = arith.constant 0 : index
    %get3A_25 = arith.constant 0 : index
    %get3A_26 = vector.load %arg1[%get3A, %get3A_25] : memref<4000x128xf32, #tpu.memory_space<vmem>>, vector<4000x128xf32>
    %dot_general3A = arith.constant dense<0.000000e+00> : vector<4000x8xf32>
    %dot_general3A_27 = tpu.matmul %get3A_26, %convert_element_type3A_24, %dot_general3A {dimension_numbers = #tpu.dot_dimension_numbers<[1], [0], [0], [1], [0, 0, 1, 1], [], []>, transpose_lhs_hint = false} : vector<4000x128xf32>, vector<128x8xf32>, vector<4000x8xf32> -> vector<4000x8xf32>
    %get3A_28 = arith.constant 0 : index
    %get3A_29 = arith.constant 0 : index
    %get3A_30 = vector.load %arg2[%get3A_28, %get3A_29] : memref<1x8xf32, #tpu.memory_space<vmem>>, vector<1x8xf32>
    %add3A = vector.broadcast %get3A_30 : vector<1x8xf32> to vector<4000x8xf32>
    %add3A_31 = arith.addf %dot_general3A_27, %add3A : vector<4000x8xf32>
    %swap3A = arith.constant 0 : index
    %swap3A_32 = arith.constant 0 : index
    %swap3A_33 = vector.load %arg3[%swap3A, %swap3A_32] : memref<4000x8xf32, #tpu.memory_space<vmem>>, vector<4000x8xf32>
    tpu.vector_store %arg3[%swap3A, %swap3A_32], %add3A_31 {strides = array<i32>} : memref<4000x8xf32, #tpu.memory_space<vmem>>, vector<4000x8xf32>,
    return
  }
  func.func @transform_0(%arg0: i32) -> (i32, i32) {
    %c0_i32 = arith.constant 0 : i32
    %c0_i32_0 = arith.constant 0 : i32
    return %arg0, %c0_i32 : i32, i32
  }
  func.func @transform_1(%arg0: i32) -> (i32, i32) {
    %c0_i32 = arith.constant 0 : i32
    %c0_i32_0 = arith.constant 0 : i32
    %c0_i32_1 = arith.constant 0 : i32
    return %c0_i32, %c0_i32_0 : i32, i32
  }
  func.func @transform_2(%arg0: i32) -> (i32, i32) {
    %c0_i32 = arith.constant 0 : i32
    %c0_i32_0 = arith.constant 0 : i32
    return %arg0, %c0_i32 : i32, i32
  }
}

</mosaic_0001>

<sc_bundles>
// kernel: kernel.11.cloned.1.call-start
scs
__scs_entry_jumppad:
0x0: {  	(pc) =	sbr.rel $0x88, $3  }
0x1: {  	(tag) =	ssettag $0x0;
	lr =	simm.s32 $0x1  }
0x2: {  	[smem:$0x3F90] =	sst lr;
	_ =	strace $0xD0000000  }
0x3: {  	_ = 	snop  }
0x4: {  	_ = 	snop  }
0x5: {  	_ = 	snop  }
0x6: {  	_ = 	snop  }
0x7: {  	_ = 	snop  }
__scs_overlays_trampoline_lowered:
0x8: {  	[smem:$0x3F9F] =	sst s0  }
0x9: {  	[smem:$0x3FA0] =	sst s1  }
0xa: {  	[smem:$0x3FA1] =	sst s2  }
0xb: {  	[smem:$0x3FA2] =	sst s3  }
0xc: {  	[smem:$0x3FA3] =	sst s4  }
0xd: {  	[smem:$0x3FA4] =	sst s5  }
0xe: {  	[smem:$0x3FA5] =	sst s6  }
0xf: {  	[smem:$0x3FA6] =	sst s7  }
0x10: {  	[smem:$0x3FA7] =	sst s8  }
0x11: {  	[smem:$0x3FA8] =	sst s9;
	s0 =	simm.s32 @!p0 $0x0  }
0x12: {  	s1 =	sld [smem:$0x3F8E];
	s0 =	simm.s32 @p0 $0x1  }
0x13: {  	[smem:$0x3FA9] =	sst s0;
	s0 =	simm.s32 @!p1 $0x0  }
0x14: {  	s2 =	sld [smem:$0x3F8D];
	s0 =	simm.s32 @p1 $0x1  }
0x15: {  	[smem:$0x3FAA] =	sst s0;
	s0 =	simm.s32 @!p2 $0x0  }
0x16: {  	s3 =	sld [smem:$0x3FDB];
	s0 =	simm.s32 @p2 $0x1  }
0x17: {  	s4 =	simm.s32 $0x1BF5;
	[smem:$0x3FAC] =	sst s0  }
0x18: {  	s0 =	sld [smem:$0x3F8F];
	_ =	swait.ge [sflag:s4], $0x0  }
0x19: {  	s7 =	sld [smem:$0x3F90]  }
0x1a: {  	s8 =	sadd.s32 $0xFFFFE003, lr  }
0x1b: {  	s9 =	sadd.s32 $0xFFFFFEF7, lr;
	s5 =	simm.s32 $0xFFFFFFFF;
	p2 =	slt.u32 s8, $0xFFFFF086  }
0x1c: {  	p1 =	slt.u32 s9, $0xF7A;
	s5 =	simm.s32 @!p2 $0x0  }
0x1d: {  	s5 =	simm.s32 @p1 $0x1;
	p0 =	seq.s32 s7, s2  }
0x1e: {  	s7 =	smul.u32 @!p0 $0xF7A, s2;
	p2 =	seq.s32 @!p0 s5, $0x0  }
0x1f: {  	s9 =	smul.u32 $0xF7A, s1;
	s8 =	simm.s32 @!p0 $0x1BF5;
	p2 =	por !p2, p0  }
0x20: {  	[sflag:s8] =	ssyncset.s32 @!p0 $0xFFFFF086;
	s6 =	sadd.s32 @!p0 s3, s7;
	s7 =	simm.s32 @!p0 $0x108  }
0x21: {  	s3 =	sadd.s32 s3, s9;
	s6 =	sadd.s32 @!p0 $0x88, s6;
	s7 =	simm.s32 @p2 $0x1082  }
0x22: {  	[simem:s7], [sflag:s8] =	dma.local @!p0 [hbm:s6], $0xF7A  }
0x23: {  	s9 =	sor.u32 $0xD0000000, s2;
	s6 =	simm.s32 $0x108;
	_ =	swait.ge @!p0 [sflag:s8], $0x0  }
0x24: {  	s3 =	sadd.s32 $0x88, s3;
	s6 =	simm.s32 @!p1 $0x1082;
	[sflag:s4] =	ssyncset.s32 $0xFFFFF086  }
0x25: {  	[simem:s6], [sflag:s4] =	dma.local [hbm:s3], $0xF7A  }
0x26: {  	[smem:$0x3F90] =	sst s1;
	(tag) =	ssettag s2;
	_ =	strace s9  }
0x27: {  	s1 =	sld [smem:$0x3FA0]  }
0x28: {  	s2 =	sld [smem:$0x3FA1]  }
0x29: {  	s4 =	sld [smem:$0x3FA3]  }
0x2a: {  	p0 =	seq.s32 s5, $0x0;
	s5 =	sld [smem:$0x3FA4]  }
0x2b: {  	s6 =	sld [smem:$0x3FA5]  }
0x2c: {  	s7 =	sld [smem:$0x3FA6]  }
0x2d: {  	s3 =	simm.s32 $0x108;
	s8 =	sld [smem:$0x3FA7]  }
0x2e: {  	s3 =	simm.s32 @!p0 $0x1082;
	s9 =	sld [smem:$0x3FA8]  }
0x2f: {  	lr =	sadd.s32 s0, s3;
	s0 =	sld [smem:$0x3F9F]  }
0x30: {  	s3 =	sld [smem:$0x3FA2]  }
0x31: {  	[smem:$0x3FAB] =	sst s10  }
0x32: {  	s10 =	sld [smem:$0x3FA9];
	_ =	sdelay $0x3  }
0x33: {  	p0 =	seq.s32 s10, $0x1;
	s10 =	sld [smem:$0x3FAB];
	_ =	sdelay $0x3  }
0x34: {  	[smem:$0x3FAB] =	sst s10  }
0x35: {  	s10 =	sld [smem:$0x3FAA];
	_ =	sdelay $0x3  }
0x36: {  	p1 =	seq.s32 s10, $0x1;
	s10 =	sld [smem:$0x3FAB];
	_ =	sdelay $0x3  }
0x37: {  	[smem:$0x3FAB] =	sst s10  }
0x38: {  	s10 =	sld [smem:$0x3FAC]  }
0x39: {  	_ = 	snop;
	(pc) =	sbr.ind lr, $3  }
0x3a: {  	_ = 	snop  }
0x3b: {  	_ = 	snop  }
0x3c: {  	p2 =	seq.s32 s10, $0x1;
	s10 =	sld [smem:$0x3FAB]  }
0x3d: {  	_ =	shalt  }
0x3e: {  	_ =	shalt  }
0x3f: {  	_ =	shalt  }
0x40: {  	_ =	shalt  }
0x41: {  	_ =	shalt  }
0x42: {  	_ =	shalt  }
0x43: {  	_ =	shalt  }
0x44: {  	_ =	shalt  }
0x45: {  	_ =	shalt  }
0x46: {  	_ =	shalt  }
0x47: {  	_ =	shalt  }
0x48: {  	_ =	shalt  }
0x49: {  	_ =	shalt  }
0x4a: {  	_ =	shalt  }
0x4b: {  	_ =	shalt  }
0x4c: {  	_ =	shalt  }
0x4d: {  	_ =	shalt  }
0x4e: {  	_ =	shalt  }
0x4f: {  	_ =	shalt  }
0x50: {  	_ =	shalt  }
0x51: {  	_ =	shalt  }
0x52: {  	_ =	shalt  }
0x53: {  	_ =	shalt  }
0x54: {  	_ =	shalt  }
0x55: {  	_ =	shalt  }
0x56: {  	_ =	shalt  }
0x57: {  	_ =	shalt  }
0x58: {  	_ =	shalt  }
0x59: {  	_ =	shalt  }
0x5a: {  	_ =	shalt  }
0x5b: {  	_ =	shalt  }
0x5c: {  	_ =	shalt  }
0x5d: {  	_ =	shalt  }
0x5e: {  	_ =	shalt  }
0x5f: {  	_ =	shalt  }
0x60: {  	_ =	shalt  }
0x61: {  	_ =	shalt  }
0x62: {  	_ =	shalt  }
0x63: {  	_ =	shalt  }
0x64: {  	_ =	shalt  }
0x65: {  	_ =	shalt  }
0x66: {  	_ =	shalt  }
0x67: {  	_ =	shalt  }
0x68: {  	_ =	shalt  }
0x69: {  	_ =	shalt  }
0x6a: {  	_ =	shalt  }
0x6b: {  	_ =	shalt  }
0x6c: {  	_ =	shalt  }
0x6d: {  	_ =	shalt  }
0x6e: {  	_ =	shalt  }
0x6f: {  	_ =	shalt  }
0x70: {  	_ =	shalt  }
0x71: {  	_ =	shalt  }
0x72: {  	_ =	shalt  }
0x73: {  	_ =	shalt  }
0x74: {  	_ =	shalt  }
0x75: {  	_ =	shalt  }
0x76: {  	_ =	shalt  }
0x77: {  	_ =	shalt  }
0x78: {  	_ =	shalt  }
0x79: {  	_ =	shalt  }
0x7a: {  	_ =	shalt  }
0x7b: {  	_ =	shalt  }
0x7c: {  	_ =	shalt  }
0x7d: {  	_ =	shalt  }
0x7e: {  	_ =	shalt  }
0x7f: {  	_ =	shalt  }
0x80: {  	_ =	shalt  }
0x81: {  	_ =	shalt  }
0x82: {  	_ =	shalt  }
0x83: {  	_ =	shalt  }
0x84: {  	_ =	shalt  }
0x85: {  	_ =	shalt  }
0x86: {  	_ =	shalt  }
0x87: {  	_ =	shalt  }
.Lfunc_end0:
.L_simem_size_0:
called_computation_lowered:
.L_overlay_start_0:
0x88: {  	s2 =	sld [smem:$0x3FD9]  }
0x89: {  	s3 =	sld [smem:$0x3FFE];
	_ =	sdelay $0x1  }
0x8a: {  	s1 =	srdreg.scid  }
0x8b: {  	s0 =	sand.u32 $0x1, s1  }
0x8c: {  	s17 =	sshll.u32 s0, $0xA;
	s2 =	sadd.s32 s3, s2  }
0x8d: {  	s2 =	sadd.s32 s2, s17  }
0x8e: {  	[smem:$0x3FB7] =	sst s2  }
0x8f: {  	_ = 	snop  }
0x90: {  	s2 =	sld [smem:$0x3FD0];
	(tm) =	ssettm $0x1  }
0x91: {  	s18 =	sld [smem:$0x3FFB];
	_ =	sdelay $0x3  }
0x92: {  	_ =	strace s18  }
0x93: {  	s3 =	sld [smem:$0x3FFC];
	_ =	sdelay $0x3  }
0x94: {  	_ =	strace s3  }
0x95: {  	s3 =	sld [smem:$0x3FFD];
	_ =	sdelay $0x3  }
0x96: {  	_ =	strace s3  }
0x97: {  	_ =	strace $0x8FFFFFFF  }
0x98: {  	s19 =	sld [smem:$0x3FDB];
	_ =	sdelay $0x1  }
0x99: {  	s4 =	simm.s32 $_scs_section_size  }
0x9a: {  	s5 =	simm.s32 $_size__tile_overlayer_lowered;
	s6 =	simm.s32 $_tile_overlayer_lowered  }
0x9b: {  	s22 =	simm.s32 $0x1BFF;
	s21 =	sshll.u32 s6, $0x1;
	s3 =	sadd.s32 s4, s19  }
0x9c: {  	s7 =	simm.s32 $0x0;
	s20 =	sshll.u32 s5, $0x1;
	s5 =	sadd.s32 s21, s3  }
0x9d: {  	[timem:s7], [sflag:s22] =	dma.local [hbm:s5], s20  }
0x9e: {  	_ =	swait.ge [sflag:s22], s20  }
0x9f: {  	s4 =	ssub.s32 $0x0, s20;
	[sflag:s22] =	ssyncset.done $0x0  }
0xa0: {  	[sflag:s22] =	ssyncadd.s32 s4;
	_ =	sdelay $0x1  }
0xa1: {  	s23 =	simm.s32 $0x1B8B  }
0xa2: {  	_ =	swait.ge [sflag:s23], $0x1  }
0xa3: {  	[sflag:s23] =	ssyncset.done $0x0  }
0xa4: {  	s25 =	simm.s32 $0x1B8E;
	s24 =	sld [smem:$0x3FFE];
	[sflag:s23] =	ssyncadd.s32 $0xFFFFFFFF  }
0xa5: {  	s26 =	simm.s32 $execute0_lowered;
	[smem:$0x3FD2] =	sst s25  }
0xa6: {  	s5 =	sshll.u32 s26, $0x1;
	_ =	strace $0x80000046;
	[dreg:$0x1] =	wrdreg $0xFFFFFFFF  }
0xa7: {  	s28 =	simm.s32 $_size_execute0_lowered;
	s3 =	sadd.s32 s3, s5;
	[dreg:$0x0] =	wrdreg $0x0  }
0xa8: {  	s5 =	sshll.u32 s28, $0x1;
	[dreg:$0x2] =	wrdreg s3  }
0xa9: {  	[dreg:$0x3] =	wrdreg s5  }
0xaa: {  	[dreg:$0x4] =	wrdreg $0xC0  }
0xab: {  	_ =	task [dreg:s7], $0x5FFFF  }
0xac: {  	[dreg:$0x1] =	wrdreg $0xFFFFFFFF  }
0xad: {  	[dreg:$0x0] =	wrdreg $0x60  }
0xae: {  	[dreg:$0x2] =	wrdreg s24  }
0xaf: {  	[dreg:$0x3] =	wrdreg s2  }
0xb0: {  	[dreg:$0x4] =	wrdreg $0xA9800  }
0xb1: {  	[dreg:$0x5] =	wrdreg $0x1E9800  }
0xb2: {  	[dreg:$0x6] =	wrdreg $0x9  }
0xb3: {  	_ =	task.clear_ibuf [dreg:s7], $0x7FFFF;
	_ =	strace $0x90000046  }
0xb4: {  	s29 =	simm.s32 $0x9;
	_ =	strace $0x80000048  }
0xb5: {  	_ =	swait.ge [sflag:s29], $0x1  }
0xb6: {  	[sflag:s29] =	ssyncadd.s32 $0xFFFFFFFF  }
0xb7: {  	_ =	strace $0x90000048  }
0xb8: {  	_ =	sfence  }
0xb9: {  	s30 =	sld [smem:$0x0];
	_ =	sdelay $0x2  }
0xba: {  	s31 =	sshll.u32 s1, $0xD;
	s1 =	sshrl.u32 s1, $0x2  }
0xbb: {  	s3 =	sand.u32 $0x4000, s31;
	s1 =	sadd.s32 s1, s30  }
0xbc: {  	s0 =	sor.u32 s3, s0;
	s1 =	sshll.u32 s1, $0x11  }
0xbd: {  	s0 =	sor.u32 s1, s0  }
0xbe: {  	s0 =	sadd.s32 $0x8F2B, s0  }
0xbf: {  	[sflag:s0] =	ssyncadd.remote.s32 $0x1  }
0xc0: {  	_ =	sfence.sel $0xFFFF  }
0xc1: {  	[dreg:$0x0] =	wrdreg $0xFFFFFFFF;
	(pc) =	sbr.abs _section_cstart, $3  }
0xc2: {  	[dreg:$0x1] =	wrdreg $0xFFFFFFFF  }
0xc3: {  	_ =	task.clear_ibuf [dreg:s7], $0x2FFFF;
	_ =	strace $0x9FFFFFFF  }
0xc4: {  	(tm) =	ssettm $0x7FFFFFFF  }
0xc5: {  	_ =	shalt  }
tec
execute0_lowered:
.L_overlay_start_1:
0x0: {  	(tag) =	ssettag $0x1  }
0x1: {  	s0 =	rddreg [dreg:$0x0]  }
0x2: {  	s1 =	rddreg [dreg:$0x1]  }
0x3: {  	s3 =	srdreg.scid;
	s22 =	stileid.u32  }
0x4: {  	s2 =	rddreg [dreg:$0x2];
	s28 =	simm.s32 $0x6900;
	s29 =	simm.s32 $0x1  }
0x5: {  	s30 =	simm.s32 $0xA900;
	s31 =	simm.s32 $0x0;
	s9 =	smul.u32 $0x14000, s22  }
0x6: {  	s8 =	sand.u32 $0x1, s3;
	s4 =	sshll.u32 s22, $0x1;
	s10 =	smul.u32 $0x280, s22  }
0x7: {  	s3 =	rddreg [dreg:$0x3];
	s6 =	sadd.s32 $0x16E00, s0;
	s19 =	smul.u32 $0x50000, s22  }
0x8: {  	s7 =	sadd.s32 $0xCE00, s0;
	s21 =	smul.u32 $0x500, s22;
	s26 =	sshll.u32 s22, $0x6  }
0x9: {  	s5 =	sor.u32 s8, s4;
	s4 =	simm.s32 $0x0;
	s13 =	smul.u32 $0x140000, s8  }
0xa: {  	s18 =	ssub.s32 $0x2, s8;
	s8 =	sshll.u32 s8, $0x7;
	s22 =	sor.u32 $0x1C05, s26  }
0xb: {  	s26 =	simm.s32 $0x4;
	s5 =	smul.u32 $0x2800, s5;
	[smem:$0x7FF] =	sst s4  }
0xc: {  	s12 =	sshrl.u32 s9, $0x3;
	s15 =	sshrl.u32 s10, $0x3;
	s16 =	sshrl.u32 s18, $0x1  }
0xd: {  	s8 =	sor.u32 s8, s21;
	s10 =	sadd.s32 s10, s3;
	s21 =	simm.s32 $0x2880  }
0xe: {  	_ =	strace $0x80000047;
	s12 =	sadd.s32 s12, s0;
	s9 =	sadd.s32 s9, s13  }
0xf: {  	s15 =	sadd.s32 s15, s0;
	s16 =	ssub.s32 s18, s16;
	s13 =	sshrl.u32 s19, $0x2  }
0x10: {  	[dreg:$0x8] =	wrdreg s10;
	s8 =	sshrl.u32 s8, $0x3;
	s19 =	simm.s32 $0x5  }
0x11: {  	s11 =	sshrl.u32 s5, $0x3;
	s9 =	sshrl.u32 s9, $0x3;
	s23 =	sadd.s32 s13, s2  }
0x12: {  	s12 =	sadd.s32 $0x3E000, s12;
	s25 =	sadd.s32 $0x66000, s15;
	s15 =	sadd.s32 s1, s8  }
0x13: {  	s16 =	smax.u32 s16, $0x1;
	s1 =	simm.s32 $0x2;
	s14 =	sadd.s32 s11, s0  }
0x14: {  	s0 =	sadd.s32 s9, s0;
	s9 =	sadd.s32 s7, s11;
	[dreg:$0x7] =	wrdreg s12  }
.Ltmp0:
0x15: {  	[dreg:$0x9] =	wrdreg s25;
	s20 =	sadd.s32 $0x2E00, s14;
	(pc) =	sbr.rel .LBB2_1-.Ltmp0, $4  }
0x16: {  	s23 =	sshrl.u32 s23, $0x3;
	s24 =	sadd.s32 $0x10, s9;
	[dreg:$0x5] =	wrdreg s20  }
0x17: {  	s25 =	simm.s32 $0x2900;
	s0 =	sadd.s32 $0x66600, s0;
	[dreg:$0x6] =	wrdreg s24  }
0x18: {  	s17 =	sadd.s32 $0x20, s9;
	s18 =	sadd.s32 $0x30, s9;
	[dreg:$0xa] =	wrdreg s0  }
0x19: {  	v0 =	vimm.f32 $1.000000000e+00;
	s20 =	simm.s32 $0x2800;
	s24 =	simm.s32 $0x7D;
	s0 =	simm.s32 $0x3  }
.LBB2_4:
0x1a: {  	[bflag:$0x0] =	sbarrier.arrive $0xFFFF  }
0x1b: {  	s10 =	rddreg [dreg:$0xa]  }
0x1c: {  	[hbm:s10], [sflag:s22] =	dma.local [spmem:s23], $0x2800  }
0x1d: {  	s31 =	sadd.s32 $0x1, s31;
	_ =	swait.ge [sflag:s19], $0x2800  }
0x1e: {  	s14 =	simm.s32 $0x20;
	p0 =	sne.s32 s31, s16;
	[sflag:s19] =	ssyncset.done $0x0  }
.Ltmp1:
0x1f: {  	s11 =	simm.s32 $0x10;
	[sflag:s19] =	ssyncadd.s32 $0xFFFFD800;
	(pc) =	sbr.rel @!p0 .LBB2_5-.Ltmp1, $4  }
0x20: {  	[hbm:s15@s14], [sflag:s22] =	dma.strided [spmem:s8@s11], $0x50, s29, $0x10   }
0x21: {  	_ =	swait.ge [sflag:s19], $0x50  }
0x22: {  	[sflag:s19] =	ssyncset.done $0x0  }
0x23: {  	[sflag:s19] =	ssyncadd.s32 $0xFFFFFFB0  }
.LBB2_1:
0x24: {  	s8 =	rddreg [dreg:$0x5]  }
0x25: {  	[tilespmem:s4], [sflag:$0x5] =	stream.linear.gather [hbm4b:s8+s4], $0x2800, $0x38;
	[tilespmem:$0x1EC00] =	vst v63  }
0x26: {  	_ =	swait.ge [sflag:s19], $0x2800  }
0x27: {  	[sflag:s19] =	ssyncset.done $0x0  }
0x28: {  	[sflag:s19] =	ssyncadd.s32 $0xFFFFD800  }
0x29: {  	[tilespmem:s20], [sflag:$0x5] =	stream.linear.gather [hbm4b:s9+s4], $0x80, $0x38;
	[tilespmem:$0x1EC00] =	vst v63  }
0x2a: {  	_ =	swait.ge [sflag:s19], $0x80  }
0x2b: {  	[sflag:s19] =	ssyncset.done $0x0  }
0x2c: {  	s10 =	rddreg [dreg:$0x6];
	[sflag:s19] =	ssyncadd.s32 $0xFFFFFF80  }
0x2d: {  	[tilespmem:s21], [sflag:$0x5] =	stream.linear.gather [hbm4b:s10+s4], $0x80, $0x38;
	[tilespmem:$0x1EC00] =	vst v63  }
0x2e: {  	_ =	swait.ge [sflag:s19], $0x80  }
0x2f: {  	[sflag:s19] =	ssyncset.done $0x0  }
0x30: {  	s11 =	rddreg [dreg:$0x7];
	[sflag:s19] =	ssyncadd.s32 $0xFFFFFF80  }
0x31: {  	[spmem:s23], [sflag:s22] =	dma.local [hbm:s11], $0x2800  }
0x32: {  	_ =	swait.ge [sflag:s19], $0x2800  }
0x33: {  	[sflag:s19] =	ssyncset.done $0x0;
	s12 =	rddreg [dreg:$0x8]  }
0x34: {  	s10 =	rddreg [dreg:$0x9];
	[sflag:s19] =	ssyncadd.s32 $0xFFFFD800;
	s8 =	sshrl.u32 s12, $0x3  }
0x35: {  	[spmem:s8], [sflag:s22] =	dma.local [hbm:s10], $0x50  }
0x36: {  	_ =	swait.ge [sflag:s19], $0x50  }
0x37: {  	[sflag:s19] =	ssyncset.done $0x0  }
0x38: {  	[sflag:s19] =	ssyncadd.s32 $0xFFFFFFB0  }
0x39: {  	[tilespmem:$0xA900] =	vst v0  }
0x3a: {  	[tilespmem:$0xA910] =	vst v0  }
0x3b: {  	[tilespmem:$0xA920] =	vst v0  }
0x3c: {  	[tilespmem:$0xA930] =	vst v0  }
0x3d: {  	[tilespmem:$0xA940] =	vst v0  }
0x3e: {  	[tilespmem:$0xA950] =	vst v0  }
0x3f: {  	[tilespmem:$0xA960] =	vst v0  }
0x40: {  	[tilespmem:$0xA96D] =	vst v0  }
0x41: {  	[bflag:$0x0] =	sbarrier.arrive $0xFFFF  }
0x42: {  	[tilespmem:s25], [sflag:$0x1] =	stream.indirect.gather [hbm4b:s6+s24], $0x80, s4, s24, $0xb8;
	[tilespmem:$0x1EC00] =	vst v63  }
0x43: {  	s13 =	simm.s32 $0x80  }
0x44: {  	[tilespmem:s28], [sflag:$0x2] =	stream.indirect.gather [hbm4b:s6+s24], $0x80, s13, s24, $0xb8;
	[tilespmem:$0x1EC00] =	vst v63  }
0x45: {  	_ =	swait.ge [sflag:s29], $0x3E80  }
0x46: {  	[sflag:s29] =	ssyncset.done $0x0  }
0x47: {  	[sflag:s29] =	ssyncadd.s32 $0xFFFFC180  }
0x48: {  	[spmem:s2] =	stream.indirect.scatter.add.f32 [tilespmem:s25], [sflag:$0x5], $0x80, s20, s24, $0xb8;
	[tilespmem:$0x1EC00] =	vst v63  }
0x49: {  	_ =	swait.ge [sflag:s19], $0x3E80  }
0x4a: {  	[sflag:s19] =	ssyncset.done $0x0  }
0x4b: {  	[sflag:s19] =	ssyncadd.s32 $0xFFFFC180  }
0x4c: {  	[spmem:s3] =	stream.indirect.scatter.add.f32 [tilespmem:s30], [sflag:$0x5], $0x1, s20, s24, $0xb8;
	[tilespmem:$0x1EC00] =	vst v63  }
0x4d: {  	_ =	swait.ge [sflag:s19], $0x7D  }
0x4e: {  	[sflag:s19] =	ssyncset.done $0x0  }
0x4f: {  	[sflag:s19] =	ssyncadd.s32 $0xFFFFFF83  }
0x50: {  	[tilespmem:s20], [sflag:$0x3] =	stream.linear.gather [hbm4b:s17+s4], $0x80, $0x38;
	[tilespmem:$0x1EC00] =	vst v63  }
0x51: {  	s14 =	simm.s32 $0x100  }
0x52: {  	[tilespmem:s25], [sflag:$0x1] =	stream.indirect.gather [hbm4b:s6+s24], $0x80, s14, s24, $0xb8;
	[tilespmem:$0x1EC00] =	vst v63  }
0x53: {  	_ =	swait.ge [sflag:s1], $0x3E80  }
0x54: {  	[sflag:s1] =	ssyncset.done $0x0  }
0x55: {  	[sflag:s1] =	ssyncadd.s32 $0xFFFFC180  }
0x56: {  	[spmem:s2] =	stream.indirect.scatter.add.f32 [tilespmem:s28], [sflag:$0x5], $0x80, s21, s24, $0xb8;
	[tilespmem:$0x1EC00] =	vst v63  }
0x57: {  	_ =	swait.ge [sflag:s19], $0x3E80  }
0x58: {  	[sflag:s19] =	ssyncset.done $0x0  }
0x59: {  	[sflag:s19] =	ssyncadd.s32 $0xFFFFC180  }
0x5a: {  	[spmem:s3] =	stream.indirect.scatter.add.f32 [tilespmem:s30], [sflag:$0x5], $0x1, s21, s24, $0xb8;
	[tilespmem:$0x1EC00] =	vst v63  }
0x5b: {  	_ =	swait.ge [sflag:s19], $0x7D  }
0x5c: {  	[sflag:s19] =	ssyncset.done $0x0  }
0x5d: {  	s11 =	simm.s32 $0x180;
	s10 =	simm.s32 $0x280;
	[sflag:s19] =	ssyncadd.s32 $0xFFFFFF83  }
0x5e: {  	[tilespmem:s21], [sflag:$0x4] =	stream.linear.gather [hbm4b:s18+s4], $0x80, $0x38;
	[tilespmem:$0x1EC00] =	vst v63  }
.LBB2_2:
0x5f: {  	[tilespmem:s28], [sflag:$0x2] =	stream.indirect.gather [hbm4b:s6+s24], $0x80, s11, s24, $0xb8;
	[tilespmem:$0x1EC00] =	vst v63  }
0x60: {  	_ =	swait.ge [sflag:s29], $0x3E80  }
0x61: {  	[sflag:s29] =	ssyncset.done $0x0  }
0x62: {  	[sflag:s29] =	ssyncadd.s32 $0xFFFFC180  }
0x63: {  	_ =	swait.ge [sflag:s0], $0x80  }
0x64: {  	[sflag:s0] =	ssyncset.done $0x0  }
0x65: {  	p0 =	seq.s32 s10, $0x2880;
	[sflag:s0] =	ssyncadd.s32 $0xFFFFFF80  }
0x66: {  	[spmem:s2] =	stream.indirect.scatter.add.f32 [tilespmem:s25], [sflag:$0x5], $0x80, s20, s24, $0xb8;
	[tilespmem:$0x1EC00] =	vst v63  }
0x67: {  	s12 =	sadd.s32 @!p0 $0xFFFFFF80, s10;
	_ =	swait.ge [sflag:s19], $0x3E80  }
0x68: {  	s13 =	sand.u32 @!p0 $0x7C00, s12;
	[sflag:s19] =	ssyncset.done $0x0  }
0x69: {  	s12 =	sand.u32 @!p0 $0x300, s12;
	s13 =	sadd.s32 @!p0 s5, s13;
	[sflag:s19] =	ssyncadd.s32 $0xFFFFC180  }
0x6a: {  	[spmem:s3] =	stream.indirect.scatter.add.f32 [tilespmem:s30], [sflag:$0x5], $0x1, s20, s24, $0xb8;
	[tilespmem:$0x1EC00] =	vst v63  }
0x6b: {  	s12 =	sor.u32 @!p0 s12, s13;
	_ =	swait.ge [sflag:s19], $0x7D  }
0x6c: {  	s14 =	simm.s32 @!p0 $0x2800;
	s12 =	sshrl.u32 @!p0 s12, $0x3;
	[sflag:s19] =	ssyncset.done $0x0  }
0x6d: {  	s13 =	simm.s32 @!p0 $0x0;
	s12 =	sadd.s32 @!p0 s7, s12;
	[sflag:s19] =	ssyncadd.s32 $0xFFFFFF83  }
0x6e: {  	[tilespmem:s14], [sflag:$0x3] =	stream.linear.gather @!p0 [hbm4b:s12+s13], $0x80, $0x38;
	[tilespmem:$0x1EC00] =	vst v63  }
0x6f: {  	s12 =	sadd.s32 @!p0 $0x80, s11;
	s13 =	simm.s32 @!p0 $0x7D;
	s14 =	simm.s32 @!p0 $0x2900  }
0x70: {  	[tilespmem:s14], [sflag:$0x1] =	stream.indirect.gather @!p0 [hbm4b:s6+s13], $0x80, s12, s13, $0xb8;
	[tilespmem:$0x1EC00] =	vst v63  }
0x71: {  	_ =	swait.ge [sflag:s1], $0x3E80  }
0x72: {  	[sflag:s1] =	ssyncset.done $0x0  }
0x73: {  	[sflag:s1] =	ssyncadd.s32 $0xFFFFC180  }
0x74: {  	_ =	swait.ge [sflag:s26], $0x80  }
0x75: {  	[sflag:s26] =	ssyncset.done $0x0  }
0x76: {  	[sflag:s26] =	ssyncadd.s32 $0xFFFFFF80  }
0x77: {  	[spmem:s2] =	stream.indirect.scatter.add.f32 [tilespmem:s28], [sflag:$0x5], $0x80, s21, s24, $0xb8;
	[tilespmem:$0x1EC00] =	vst v63  }
0x78: {  	_ =	swait.ge [sflag:s19], $0x3E80  }
0x79: {  	[sflag:s19] =	ssyncset.done $0x0  }
.Ltmp2:
0x7a: {  	[sflag:s19] =	ssyncadd.s32 $0xFFFFC180;
	(pc) =	sbr.rel @p0 .LBB2_4-.Ltmp2, $4  }
0x7b: {  	[spmem:s3] =	stream.indirect.scatter.add.f32 [tilespmem:s30], [sflag:$0x5], $0x1, s21, s24, $0xb8;
	[tilespmem:$0x1EC00] =	vst v63  }
0x7c: {  	_ =	swait.ge [sflag:s19], $0x7D  }
0x7d: {  	[sflag:s19] =	ssyncset.done $0x0  }
0x7e: {  	[sflag:s19] =	ssyncadd.s32 $0xFFFFFF83  }
0x7f: {  	s12 =	sand.u32 $0x7C00, s10  }
.Ltmp3:
0x80: {  	s13 =	sand.u32 $0x380, s10;
	s12 =	sadd.s32 s5, s12;
	(pc) =	sbr.rel .LBB2_2-.Ltmp3, $4  }
0x81: {  	s12 =	sor.u32 s13, s12  }
0x82: {  	s12 =	sshrl.u32 s12, $0x3  }
0x83: {  	s10 =	sadd.s32 $0x100, s10;
	s11 =	sadd.s32 $0x100, s11;
	s12 =	sadd.s32 s7, s12  }
0x84: {  	[tilespmem:s21], [sflag:$0x4] =	stream.linear.gather [hbm4b:s12+s4], $0x80, $0x38;
	[tilespmem:$0x1EC00] =	vst v63  }
.LBB2_5:
0x85: {  	_ =	sfence.sel $0x180000  }
0x86: {  	[bflag:$0x0] =	sbarrier.arrive $0xFFFF  }
0x87: {  	_ =	strace $0x90000047  }
0x88: {  	s0 =	stileid.u32;
	[bflag:$0x2] =	sbarrier.arrive $0xFFFF  }
0x89: {  	p0 =	sne.s32 s0, $0x0;
	s0 =	rddreg [dreg:$0x4]  }
0x8a: {  	s0 =	sadd.s32 @!p0 $0x100000, s0  }
0x8b: {  	[sflag:s0] =	ssyncadd.tile.s32 @!p0 $0x1;
	_ =	shalt  }
.Lfunc_end2:
_tile_overlayer_lowered:
.L_overlay_start_2:
0x8c: {  	(tag) =	ssettag $0x2  }
0x8d: {  	s0 =	rddreg [dreg:$0x0];
	s2 =	stileid.u32  }
0x8e: {  	s1 =	rddreg [dreg:$0x1];
	p0 =	sne.s32 s2, $0x0  }
0x8f: {  	s3 =	rddreg [dreg:$0x2];
	[bflag:$0x3] =	sbarrier.arrive $0xFFFF;
	s2 =	simm.s32 @!p0 $0x1C05  }
0x90: {  	[timem:s3], [sflag:s2] =	dma.local @!p0 [hbm:s0], s1  }
0x91: {  	s0 =	simm.s32 @!p0 $0x5  }
0x92: {  	_ =	swait.ge @!p0 [sflag:s0], s1  }
0x93: {  	s1 =	ssub.s32 @!p0 $0x0, s1;
	[sflag:s0] =	ssyncset.done @!p0 $0x0  }
0x94: {  	[sflag:s0] =	ssyncadd.s32 @!p0 s1  }
0x95: {  	[bflag:$0x3] =	sbarrier.arrive $0xFFFF  }
0x96: {  	_ =	shalt  }

// kernel: kernel.14.cloned.1.call-start
scs
__scs_entry_jumppad:
0x0: {  	(pc) =	sbr.rel $0x88, $3  }
0x1: {  	(tag) =	ssettag $0x0;
	lr =	simm.s32 $0x1  }
0x2: {  	[smem:$0x3F90] =	sst lr;
	_ =	strace $0xD0000000  }
0x3: {  	_ = 	snop  }
0x4: {  	_ = 	snop  }
0x5: {  	_ = 	snop  }
0x6: {  	_ = 	snop  }
0x7: {  	_ = 	snop  }
__scs_overlays_trampoline_lowered:
0x8: {  	[smem:$0x3F9F] =	sst s0  }
0x9: {  	[smem:$0x3FA0] =	sst s1  }
0xa: {  	[smem:$0x3FA1] =	sst s2  }
0xb: {  	[smem:$0x3FA2] =	sst s3  }
0xc: {  	[smem:$0x3FA3] =	sst s4  }
0xd: {  	[smem:$0x3FA4] =	sst s5  }
0xe: {  	[smem:$0x3FA5] =	sst s6  }
0xf: {  	[smem:$0x3FA6] =	sst s7  }
0x10: {  	[smem:$0x3FA7] =	sst s8  }
0x11: {  	[smem:$0x3FA8] =	sst s9;
	s0 =	simm.s32 @!p0 $0x0  }
0x12: {  	s1 =	sld [smem:$0x3F8E];
	s0 =	simm.s32 @p0 $0x1  }
0x13: {  	[smem:$0x3FA9] =	sst s0;
	s0 =	simm.s32 @!p1 $0x0  }
0x14: {  	s2 =	sld [smem:$0x3F8D];
	s0 =	simm.s32 @p1 $0x1  }
0x15: {  	[smem:$0x3FAA] =	sst s0;
	s0 =	simm.s32 @!p2 $0x0  }
0x16: {  	s3 =	sld [smem:$0x3FDB];
	s0 =	simm.s32 @p2 $0x1  }
0x17: {  	s4 =	simm.s32 $0x1BF5;
	[smem:$0x3FAC] =	sst s0  }
0x18: {  	s0 =	sld [smem:$0x3F8F];
	_ =	swait.ge [sflag:s4], $0x0  }
0x19: {  	s7 =	sld [smem:$0x3F90]  }
0x1a: {  	s8 =	sadd.s32 $0xFFFFE003, lr  }
0x1b: {  	s9 =	sadd.s32 $0xFFFFFEF7, lr;
	s5 =	simm.s32 $0xFFFFFFFF;
	p2 =	slt.u32 s8, $0xFFFFF086  }
0x1c: {  	p1 =	slt.u32 s9, $0xF7A;
	s5 =	simm.s32 @!p2 $0x0  }
0x1d: {  	s5 =	simm.s32 @p1 $0x1;
	p0 =	seq.s32 s7, s2  }
0x1e: {  	s7 =	smul.u32 @!p0 $0xF7A, s2;
	p2 =	seq.s32 @!p0 s5, $0x0  }
0x1f: {  	s9 =	smul.u32 $0xF7A, s1;
	s8 =	simm.s32 @!p0 $0x1BF5;
	p2 =	por !p2, p0  }
0x20: {  	[sflag:s8] =	ssyncset.s32 @!p0 $0xFFFFF086;
	s6 =	sadd.s32 @!p0 s3, s7;
	s7 =	simm.s32 @!p0 $0x108  }
0x21: {  	s3 =	sadd.s32 s3, s9;
	s6 =	sadd.s32 @!p0 $0x88, s6;
	s7 =	simm.s32 @p2 $0x1082  }
0x22: {  	[simem:s7], [sflag:s8] =	dma.local @!p0 [hbm:s6], $0xF7A  }
0x23: {  	s9 =	sor.u32 $0xD0000000, s2;
	s6 =	simm.s32 $0x108;
	_ =	swait.ge @!p0 [sflag:s8], $0x0  }
0x24: {  	s3 =	sadd.s32 $0x88, s3;
	s6 =	simm.s32 @!p1 $0x1082;
	[sflag:s4] =	ssyncset.s32 $0xFFFFF086  }
0x25: {  	[simem:s6], [sflag:s4] =	dma.local [hbm:s3], $0xF7A  }
0x26: {  	[smem:$0x3F90] =	sst s1;
	(tag) =	ssettag s2;
	_ =	strace s9  }
0x27: {  	s1 =	sld [smem:$0x3FA0]  }
0x28: {  	s2 =	sld [smem:$0x3FA1]  }
0x29: {  	s4 =	sld [smem:$0x3FA3]  }
0x2a: {  	p0 =	seq.s32 s5, $0x0;
	s5 =	sld [smem:$0x3FA4]  }
0x2b: {  	s6 =	sld [smem:$0x3FA5]  }
0x2c: {  	s7 =	sld [smem:$0x3FA6]  }
0x2d: {  	s3 =	simm.s32 $0x108;
	s8 =	sld [smem:$0x3FA7]  }
0x2e: {  	s3 =	simm.s32 @!p0 $0x1082;
	s9 =	sld [smem:$0x3FA8]  }
0x2f: {  	lr =	sadd.s32 s0, s3;
	s0 =	sld [smem:$0x3F9F]  }
0x30: {  	s3 =	sld [smem:$0x3FA2]  }
0x31: {  	[smem:$0x3FAB] =	sst s10  }
0x32: {  	s10 =	sld [smem:$0x3FA9];
	_ =	sdelay $0x3  }
0x33: {  	p0 =	seq.s32 s10, $0x1;
	s10 =	sld [smem:$0x3FAB];
	_ =	sdelay $0x3  }
0x34: {  	[smem:$0x3FAB] =	sst s10  }
0x35: {  	s10 =	sld [smem:$0x3FAA];
	_ =	sdelay $0x3  }
0x36: {  	p1 =	seq.s32 s10, $0x1;
	s10 =	sld [smem:$0x3FAB];
	_ =	sdelay $0x3  }
0x37: {  	[smem:$0x3FAB] =	sst s10  }
0x38: {  	s10 =	sld [smem:$0x3FAC]  }
0x39: {  	_ = 	snop;
	(pc) =	sbr.ind lr, $3  }
0x3a: {  	_ = 	snop  }
0x3b: {  	_ = 	snop  }
0x3c: {  	p2 =	seq.s32 s10, $0x1;
	s10 =	sld [smem:$0x3FAB]  }
0x3d: {  	_ =	shalt  }
0x3e: {  	_ =	shalt  }
0x3f: {  	_ =	shalt  }
0x40: {  	_ =	shalt  }
0x41: {  	_ =	shalt  }
0x42: {  	_ =	shalt  }
0x43: {  	_ =	shalt  }
0x44: {  	_ =	shalt  }
0x45: {  	_ =	shalt  }
0x46: {  	_ =	shalt  }
0x47: {  	_ =	shalt  }
0x48: {  	_ =	shalt  }
0x49: {  	_ =	shalt  }
0x4a: {  	_ =	shalt  }
0x4b: {  	_ =	shalt  }
0x4c: {  	_ =	shalt  }
0x4d: {  	_ =	shalt  }
0x4e: {  	_ =	shalt  }
0x4f: {  	_ =	shalt  }
0x50: {  	_ =	shalt  }
0x51: {  	_ =	shalt  }
0x52: {  	_ =	shalt  }
0x53: {  	_ =	shalt  }
0x54: {  	_ =	shalt  }
0x55: {  	_ =	shalt  }
0x56: {  	_ =	shalt  }
0x57: {  	_ =	shalt  }
0x58: {  	_ =	shalt  }
0x59: {  	_ =	shalt  }
0x5a: {  	_ =	shalt  }
0x5b: {  	_ =	shalt  }
0x5c: {  	_ =	shalt  }
0x5d: {  	_ =	shalt  }
0x5e: {  	_ =	shalt  }
0x5f: {  	_ =	shalt  }
0x60: {  	_ =	shalt  }
0x61: {  	_ =	shalt  }
0x62: {  	_ =	shalt  }
0x63: {  	_ =	shalt  }
0x64: {  	_ =	shalt  }
0x65: {  	_ =	shalt  }
0x66: {  	_ =	shalt  }
0x67: {  	_ =	shalt  }
0x68: {  	_ =	shalt  }
0x69: {  	_ =	shalt  }
0x6a: {  	_ =	shalt  }
0x6b: {  	_ =	shalt  }
0x6c: {  	_ =	shalt  }
0x6d: {  	_ =	shalt  }
0x6e: {  	_ =	shalt  }
0x6f: {  	_ =	shalt  }
0x70: {  	_ =	shalt  }
0x71: {  	_ =	shalt  }
0x72: {  	_ =	shalt  }
0x73: {  	_ =	shalt  }
0x74: {  	_ =	shalt  }
0x75: {  	_ =	shalt  }
0x76: {  	_ =	shalt  }
0x77: {  	_ =	shalt  }
0x78: {  	_ =	shalt  }
0x79: {  	_ =	shalt  }
0x7a: {  	_ =	shalt  }
0x7b: {  	_ =	shalt  }
0x7c: {  	_ =	shalt  }
0x7d: {  	_ =	shalt  }
0x7e: {  	_ =	shalt  }
0x7f: {  	_ =	shalt  }
0x80: {  	_ =	shalt  }
0x81: {  	_ =	shalt  }
0x82: {  	_ =	shalt  }
0x83: {  	_ =	shalt  }
0x84: {  	_ =	shalt  }
0x85: {  	_ =	shalt  }
0x86: {  	_ =	shalt  }
0x87: {  	_ =	shalt  }
.Lfunc_end0:
.L_simem_size_0:
called_computation.1_lowered:
.L_overlay_start_0:
0x88: {  	s2 =	sld [smem:$0x3FD9]  }
0x89: {  	s3 =	sld [smem:$0x3FFE];
	_ =	sdelay $0x1  }
0x8a: {  	s1 =	srdreg.scid  }
0x8b: {  	s0 =	sand.u32 $0x1, s1  }
0x8c: {  	s16 =	sshll.u32 s0, $0xA;
	s2 =	sadd.s32 s3, s2  }
0x8d: {  	s2 =	sadd.s32 s2, s16  }
0x8e: {  	[smem:$0x3FB7] =	sst s2  }
0x8f: {  	_ = 	snop  }
0x90: {  	(tm) =	ssettm $0x1  }
0x91: {  	s17 =	sld [smem:$0x3FFB];
	_ =	sdelay $0x3  }
0x92: {  	_ =	strace s17  }
0x93: {  	s2 =	sld [smem:$0x3FFC];
	_ =	sdelay $0x3  }
0x94: {  	_ =	strace s2  }
0x95: {  	s2 =	sld [smem:$0x3FFD];
	_ =	sdelay $0x3  }
0x96: {  	_ =	strace s2  }
0x97: {  	_ =	strace $0x8FFFFFFF  }
0x98: {  	s18 =	sld [smem:$0x3FDB];
	_ =	sdelay $0x1  }
0x99: {  	s19 =	simm.s32 $_scs_section_size  }
0x9a: {  	s4 =	simm.s32 $_size__tile_overlayer_lowered;
	s5 =	simm.s32 $_tile_overlayer_lowered  }
0x9b: {  	s22 =	simm.s32 $0x1BFF;
	s21 =	sshll.u32 s5, $0x1;
	s2 =	sadd.s32 s19, s18  }
0x9c: {  	s6 =	simm.s32 $0x0;
	s20 =	sshll.u32 s4, $0x1;
	s4 =	sadd.s32 s21, s2  }
0x9d: {  	[timem:s6], [sflag:s22] =	dma.local [hbm:s4], s20  }
0x9e: {  	_ =	swait.ge [sflag:s22], s20  }
0x9f: {  	s3 =	ssub.s32 $0x0, s20;
	[sflag:s22] =	ssyncset.done $0x0  }
0xa0: {  	[sflag:s22] =	ssyncadd.s32 s3;
	_ =	sdelay $0x1  }
0xa1: {  	s23 =	simm.s32 $0x1B8B  }
0xa2: {  	_ =	swait.ge [sflag:s23], $0x1  }
0xa3: {  	[sflag:s23] =	ssyncset.done $0x0  }
0xa4: {  	s25 =	simm.s32 $0x1B8E;
	s24 =	sld [smem:$0x3FFE];
	[sflag:s23] =	ssyncadd.s32 $0xFFFFFFFF  }
0xa5: {  	s26 =	simm.s32 $execute0_lowered;
	[smem:$0x3FD2] =	sst s25  }
0xa6: {  	s4 =	sshll.u32 s26, $0x1;
	_ =	strace $0x80000049;
	[dreg:$0x1] =	wrdreg $0xFFFFFFFF  }
0xa7: {  	s28 =	simm.s32 $_size_execute0_lowered;
	s2 =	sadd.s32 s2, s4;
	[dreg:$0x0] =	wrdreg $0x0  }
0xa8: {  	s4 =	sshll.u32 s28, $0x1;
	[dreg:$0x2] =	wrdreg s2  }
0xa9: {  	[dreg:$0x3] =	wrdreg s4  }
0xaa: {  	[dreg:$0x4] =	wrdreg $0xC0  }
0xab: {  	_ =	task [dreg:s6], $0x5FFFF  }
0xac: {  	[dreg:$0x1] =	wrdreg $0xFFFFFFFF  }
0xad: {  	[dreg:$0x0] =	wrdreg $0x60  }
0xae: {  	[dreg:$0x2] =	wrdreg s24  }
0xaf: {  	[dreg:$0x3] =	wrdreg $0xA9000  }
0xb0: {  	[dreg:$0x4] =	wrdreg $0x9  }
0xb1: {  	_ =	task.clear_ibuf [dreg:s6], $0x5FFFF;
	_ =	strace $0x90000049  }
0xb2: {  	s29 =	simm.s32 $0x9;
	_ =	strace $0x8000004B  }
0xb3: {  	_ =	swait.ge [sflag:s29], $0x1  }
0xb4: {  	[sflag:s29] =	ssyncadd.s32 $0xFFFFFFFF  }
0xb5: {  	_ =	strace $0x9000004B  }
0xb6: {  	_ =	sfence  }
0xb7: {  	s30 =	sld [smem:$0x0];
	_ =	sdelay $0x2  }
0xb8: {  	s31 =	sshll.u32 s1, $0xD;
	s1 =	sshrl.u32 s1, $0x2  }
0xb9: {  	s3 =	sand.u32 $0x4000, s31;
	s1 =	sadd.s32 s1, s30  }
0xba: {  	s0 =	sor.u32 s3, s0;
	s1 =	sshll.u32 s1, $0x11  }
0xbb: {  	s0 =	sor.u32 s1, s0  }
0xbc: {  	s0 =	sadd.s32 $0x8F2B, s0  }
0xbd: {  	[sflag:s0] =	ssyncadd.remote.s32 $0x1  }
0xbe: {  	_ =	sfence.sel $0xFFFF  }
0xbf: {  	[dreg:$0x0] =	wrdreg $0xFFFFFFFF;
	(pc) =	sbr.abs _section_cstart, $3  }
0xc0: {  	[dreg:$0x1] =	wrdreg $0xFFFFFFFF  }
0xc1: {  	_ =	task.clear_ibuf [dreg:s6], $0x2FFFF;
	_ =	strace $0x9FFFFFFF  }
0xc2: {  	(tm) =	ssettm $0x7FFFFFFF  }
0xc3: {  	_ =	shalt  }
tec
execute0_lowered:
.L_overlay_start_1:
0x0: {  	(tag) =	ssettag $0x1  }
0x1: {  	s0 =	srdreg.scid  }
0x2: {  	s16 =	stileid.u32;
	s1 =	rddreg [dreg:$0x0]  }
0x3: {  	s2 =	rddreg [dreg:$0x1];
	s15 =	simm.s32 $0x5;
	s17 =	simm.s32 $0x2880  }
0x4: {  	s20 =	simm.s32 $0x7D;
	s21 =	simm.s32 $0x2900;
	s23 =	simm.s32 $0x6900  }
0x5: {  	s29 =	simm.s32 $0x3;
	s30 =	simm.s32 $0x4;
	s31 =	simm.s32 $0x0  }
0x6: {  	s0 =	sand.u32 $0x1, s0;
	s3 =	sshll.u32 s16, $0x1;
	s7 =	smul.u32 $0x14000, s16  }
0x7: {  	s5 =	sadd.s32 $0x16E00, s1;
	s6 =	sadd.s32 $0xCE00, s1;
	s12 =	smul.u32 $0x50000, s16  }
0x8: {  	s28 =	sshll.u32 s16, $0x6;
	s16 =	simm.s32 $0x2800;
	s4 =	sor.u32 s0, s3  }
0x9: {  	s3 =	simm.s32 $0x0;
	s9 =	smul.u32 $0x140000, s0;
	s0 =	ssub.s32 $0x2, s0  }
0xa: {  	s18 =	sor.u32 $0x1C05, s28;
	s4 =	smul.u32 $0x2800, s4;
	[smem:$0x7FF] =	sst s3  }
0xb: {  	s11 =	sshrl.u32 s7, $0x3;
	s24 =	sshrl.u32 s0, $0x1;
	s26 =	sshrl.u32 s12, $0x2  }
0xc: {  	_ =	strace $0x8000004A;
	s7 =	sadd.s32 s7, s9;
	s11 =	sadd.s32 s11, s1  }
0xd: {  	s0 =	ssub.s32 s0, s24;
	s19 =	sadd.s32 s26, s2;
	s24 =	simm.s32 $0x1  }
0xe: {  	s26 =	simm.s32 $0x2;
	s8 =	sshrl.u32 s4, $0x3;
	s7 =	sshrl.u32 s7, $0x3  }
0xf: {  	s12 =	smax.u32 s0, $0x1;
	s19 =	sshrl.u32 s19, $0x3;
	s10 =	sadd.s32 s8, s1  }
0x10: {  	s1 =	sadd.s32 s7, s1;
	s8 =	sadd.s32 s6, s8;
	s25 =	sadd.s32 $0x2E00, s10  }
0x11: {  	s9 =	sadd.s32 $0x10, s8;
	s10 =	sadd.s32 $0x3E000, s11;
	s11 =	sadd.s32 $0xB6600, s1  }
0x12: {  	s13 =	sadd.s32 $0x20, s8;
	s14 =	sadd.s32 $0x30, s8;
	[dreg:$0x3] =	wrdreg s25  }
.LBB2_1:
0x13: {  	s0 =	rddreg [dreg:$0x3]  }
0x14: {  	[tilespmem:s3], [sflag:$0x5] =	stream.linear.gather [hbm4b:s0+s3], $0x2800, $0x38;
	[tilespmem:$0x1E900] =	vst v63  }
0x15: {  	_ =	swait.ge [sflag:s15], $0x2800  }
0x16: {  	[sflag:s15] =	ssyncset.done $0x0  }
0x17: {  	[sflag:s15] =	ssyncadd.s32 $0xFFFFD800  }
0x18: {  	[tilespmem:s16], [sflag:$0x5] =	stream.linear.gather [hbm4b:s8+s3], $0x80, $0x38;
	[tilespmem:$0x1E900] =	vst v63  }
0x19: {  	_ =	swait.ge [sflag:s15], $0x80  }
0x1a: {  	[sflag:s15] =	ssyncset.done $0x0  }
0x1b: {  	[sflag:s15] =	ssyncadd.s32 $0xFFFFFF80  }
0x1c: {  	[tilespmem:s17], [sflag:$0x5] =	stream.linear.gather [hbm4b:s9+s3], $0x80, $0x38;
	[tilespmem:$0x1E900] =	vst v63  }
0x1d: {  	_ =	swait.ge [sflag:s15], $0x80  }
0x1e: {  	[sflag:s15] =	ssyncset.done $0x0  }
0x1f: {  	[sflag:s15] =	ssyncadd.s32 $0xFFFFFF80  }
0x20: {  	[spmem:s19], [sflag:s18] =	dma.local [hbm:s10], $0x2800  }
0x21: {  	_ =	swait.ge [sflag:s15], $0x2800  }
0x22: {  	[sflag:s15] =	ssyncset.done $0x0  }
0x23: {  	[sflag:s15] =	ssyncadd.s32 $0xFFFFD800  }
0x24: {  	[bflag:$0x0] =	sbarrier.arrive $0xFFFF  }
0x25: {  	[tilespmem:s21], [sflag:$0x1] =	stream.indirect.gather [hbm4b:s5+s20], $0x80, s3, s20, $0xb8;
	[tilespmem:$0x1E900] =	vst v63  }
0x26: {  	s7 =	simm.s32 $0x80  }
0x27: {  	[tilespmem:s23], [sflag:$0x2] =	stream.indirect.gather [hbm4b:s5+s20], $0x80, s7, s20, $0xb8;
	[tilespmem:$0x1E900] =	vst v63  }
0x28: {  	_ =	swait.ge [sflag:s24], $0x3E80  }
0x29: {  	[sflag:s24] =	ssyncset.done $0x0  }
0x2a: {  	[sflag:s24] =	ssyncadd.s32 $0xFFFFC180  }
0x2b: {  	[spmem:s2] =	stream.indirect.scatter.add.f32 [tilespmem:s21], [sflag:$0x5], $0x80, s16, s20, $0xb8;
	[tilespmem:$0x1E900] =	vst v63  }
0x2c: {  	_ =	swait.ge [sflag:s15], $0x3E80  }
0x2d: {  	[sflag:s15] =	ssyncset.done $0x0  }
0x2e: {  	[sflag:s15] =	ssyncadd.s32 $0xFFFFC180  }
0x2f: {  	[tilespmem:s16], [sflag:$0x3] =	stream.linear.gather [hbm4b:s13+s3], $0x80, $0x38;
	[tilespmem:$0x1E900] =	vst v63  }
0x30: {  	s22 =	simm.s32 $0x100  }
0x31: {  	[tilespmem:s21], [sflag:$0x1] =	stream.indirect.gather [hbm4b:s5+s20], $0x80, s22, s20, $0xb8;
	[tilespmem:$0x1E900] =	vst v63  }
0x32: {  	_ =	swait.ge [sflag:s26], $0x3E80  }
0x33: {  	[sflag:s26] =	ssyncset.done $0x0  }
0x34: {  	[sflag:s26] =	ssyncadd.s32 $0xFFFFC180  }
0x35: {  	[spmem:s2] =	stream.indirect.scatter.add.f32 [tilespmem:s23], [sflag:$0x5], $0x80, s17, s20, $0xb8;
	[tilespmem:$0x1E900] =	vst v63  }
0x36: {  	_ =	swait.ge [sflag:s15], $0x3E80  }
0x37: {  	[sflag:s15] =	ssyncset.done $0x0  }
0x38: {  	[sflag:s15] =	ssyncadd.s32 $0xFFFFC180  }
0x39: {  	[tilespmem:s17], [sflag:$0x4] =	stream.linear.gather [hbm4b:s14+s3], $0x80, $0x38;
	[tilespmem:$0x1E900] =	vst v63  }
0x3a: {  	s25 =	simm.s32 $0x180  }
0x3b: {  	[tilespmem:s23], [sflag:$0x2] =	stream.indirect.gather [hbm4b:s5+s20], $0x80, s25, s20, $0xb8;
	[tilespmem:$0x1E900] =	vst v63  }
0x3c: {  	_ =	swait.ge [sflag:s24], $0x3E80  }
0x3d: {  	[sflag:s24] =	ssyncset.done $0x0  }
0x3e: {  	[sflag:s24] =	ssyncadd.s32 $0xFFFFC180  }
0x3f: {  	s28 =	simm.s32 $0x200;
	_ =	swait.ge [sflag:s29], $0x80  }
0x40: {  	s1 =	sand.u32 $0x7C00, s28;
	[sflag:s29] =	ssyncset.done $0x0  }
0x41: {  	s0 =	sand.u32 $0x300, s28;
	s1 =	sadd.s32 s4, s1;
	[sflag:s29] =	ssyncadd.s32 $0xFFFFFF80  }
0x42: {  	[spmem:s2] =	stream.indirect.scatter.add.f32 [tilespmem:s21], [sflag:$0x5], $0x80, s16, s20, $0xb8;
	[tilespmem:$0x1E900] =	vst v63  }
0x43: {  	s0 =	sor.u32 s0, s1;
	_ =	swait.ge [sflag:s15], $0x3E80  }
0x44: {  	s0 =	sshrl.u32 s0, $0x3;
	[sflag:s15] =	ssyncset.done $0x0  }
0x45: {  	s0 =	sadd.s32 s6, s0;
	[sflag:s15] =	ssyncadd.s32 $0xFFFFC180  }
0x46: {  	[tilespmem:s16], [sflag:$0x3] =	stream.linear.gather [hbm4b:s0+s3], $0x80, $0x38;
	[tilespmem:$0x1E900] =	vst v63  }
0x47: {  	s1 =	simm.s32 $0x200  }
0x48: {  	[tilespmem:s21], [sflag:$0x1] =	stream.indirect.gather [hbm4b:s5+s20], $0x80, s1, s20, $0xb8;
	[tilespmem:$0x1E900] =	vst v63  }
0x49: {  	_ =	swait.ge [sflag:s26], $0x3E80  }
0x4a: {  	[sflag:s26] =	ssyncset.done $0x0  }
0x4b: {  	[sflag:s26] =	ssyncadd.s32 $0xFFFFC180  }
0x4c: {  	s7 =	simm.s32 $0x280;
	_ =	swait.ge [sflag:s30], $0x80  }
0x4d: {  	s22 =	sand.u32 $0x7C00, s7;
	[sflag:s30] =	ssyncset.done $0x0  }
0x4e: {  	s22 =	sadd.s32 s4, s22;
	s0 =	sand.u32 $0x380, s7;
	[sflag:s30] =	ssyncadd.s32 $0xFFFFFF80  }
0x4f: {  	[spmem:s2] =	stream.indirect.scatter.add.f32 [tilespmem:s23], [sflag:$0x5], $0x80, s17, s20, $0xb8;
	[tilespmem:$0x1E900] =	vst v63  }
0x50: {  	s0 =	sor.u32 s0, s22;
	_ =	swait.ge [sflag:s15], $0x3E80  }
0x51: {  	s0 =	sshrl.u32 s0, $0x3;
	[sflag:s15] =	ssyncset.done $0x0  }
0x52: {  	s0 =	sadd.s32 s6, s0;
	[sflag:s15] =	ssyncadd.s32 $0xFFFFC180  }
0x53: {  	[tilespmem:s17], [sflag:$0x4] =	stream.linear.gather [hbm4b:s0+s3], $0x80, $0x38;
	[tilespmem:$0x1E900] =	vst v63  }
0x54: {  	s22 =	simm.s32 $0x280  }
0x55: {  	[tilespmem:s23], [sflag:$0x2] =	stream.indirect.gather [hbm4b:s5+s20], $0x80, s22, s20, $0xb8;
	[tilespmem:$0x1E900] =	vst v63  }
0x56: {  	s25 =	simm.s32 $0x300;
	_ =	swait.ge [sflag:s24], $0x3E80  }
0x57: {  	s28 =	sand.u32 $0x7C00, s25;
	[sflag:s24] =	ssyncset.done $0x0  }
0x58: {  	s25 =	sand.u32 $0x300, s25;
	s22 =	sadd.s32 s4, s28;
	[sflag:s24] =	ssyncadd.s32 $0xFFFFC180  }
0x59: {  	s0 =	simm.s32 $0x380;
	s25 =	sor.u32 s25, s22;
	_ =	swait.ge [sflag:s29], $0x80  }
0x5a: {  	s22 =	simm.s32 $0x480;
	s25 =	sshrl.u32 s25, $0x3;
	[sflag:s29] =	ssyncset.done $0x0  }
.LBB2_2:
0x5b: {  	[sflag:s29] =	ssyncadd.s32 $0xFFFFFF80  }
0x5c: {  	s1 =	sadd.s32 $0x100, s1;
	s7 =	smov.u32 s22;
	s28 =	sadd.s32 $0x100, s22  }
0x5d: {  	[spmem:s2] =	stream.indirect.scatter.add.f32 [tilespmem:s21], [sflag:$0x5], $0x80, s16, s20, $0xb8;
	[tilespmem:$0x1E900] =	vst v63  }
0x5e: {  	p0 =	sne.s32 s22, $0x2780;
	_ =	swait.ge [sflag:s15], $0x3E80  }
0x5f: {  	s22 =	sadd.s32 s6, s25;
	[sflag:s15] =	ssyncset.done $0x0  }
0x60: {  	[sflag:s15] =	ssyncadd.s32 $0xFFFFC180  }
0x61: {  	[tilespmem:s16], [sflag:$0x3] =	stream.linear.gather [hbm4b:s22+s3], $0x80, $0x38;
	[tilespmem:$0x1E900] =	vst v63  }
0x62: {  	_ = 	snop  }
0x63: {  	[tilespmem:s21], [sflag:$0x1] =	stream.indirect.gather [hbm4b:s5+s20], $0x80, s1, s20, $0xb8;
	[tilespmem:$0x1E900] =	vst v63  }
0x64: {  	_ =	swait.ge [sflag:s26], $0x3E80  }
0x65: {  	[sflag:s26] =	ssyncset.done $0x0  }
0x66: {  	[sflag:s26] =	ssyncadd.s32 $0xFFFFC180  }
0x67: {  	_ =	swait.ge [sflag:s30], $0x80  }
0x68: {  	s22 =	sand.u32 $0x7C00, s0;
	[sflag:s30] =	ssyncset.done $0x0  }
0x69: {  	s0 =	sand.u32 $0x380, s0;
	s22 =	sadd.s32 s4, s22;
	[sflag:s30] =	ssyncadd.s32 $0xFFFFFF80  }
0x6a: {  	[spmem:s2] =	stream.indirect.scatter.add.f32 [tilespmem:s23], [sflag:$0x5], $0x80, s17, s20, $0xb8;
	[tilespmem:$0x1E900] =	vst v63  }
0x6b: {  	s22 =	sor.u32 s0, s22;
	s0 =	smov.u32 s7;
	_ =	swait.ge [sflag:s15], $0x3E80  }
0x6c: {  	s7 =	sshrl.u32 s22, $0x3;
	[sflag:s15] =	ssyncset.done $0x0  }
0x6d: {  	s22 =	sadd.s32 $0x80, s1;
	s7 =	sadd.s32 s6, s7;
	[sflag:s15] =	ssyncadd.s32 $0xFFFFC180  }
0x6e: {  	[tilespmem:s17], [sflag:$0x4] =	stream.linear.gather [hbm4b:s7+s3], $0x80, $0x38;
	[tilespmem:$0x1E900] =	vst v63  }
0x6f: {  	_ = 	snop  }
0x70: {  	[tilespmem:s23], [sflag:$0x2] =	stream.indirect.gather [hbm4b:s5+s20], $0x80, s22, s20, $0xb8;
	[tilespmem:$0x1E900] =	vst v63  }
.Ltmp0:
0x71: {  	s7 =	sadd.s32 $0xFFFFFF80, s0;
	_ =	swait.ge [sflag:s24], $0x3E80;
	(pc) =	sbr.rel @p0 .LBB2_2-.Ltmp0, $4  }
0x72: {  	s22 =	sand.u32 $0x7C00, s7;
	[sflag:s24] =	ssyncset.done $0x0  }
0x73: {  	s7 =	sand.u32 $0x300, s7;
	s22 =	sadd.s32 s4, s22;
	[sflag:s24] =	ssyncadd.s32 $0xFFFFC180  }
0x74: {  	s7 =	sor.u32 s7, s22;
	_ =	swait.ge [sflag:s29], $0x80  }
0x75: {  	s22 =	smov.u32 s28;
	s25 =	sshrl.u32 s7, $0x3;
	[sflag:s29] =	ssyncset.done $0x0  }
0x76: {  	[sflag:s29] =	ssyncadd.s32 $0xFFFFFF80  }
0x77: {  	[spmem:s2] =	stream.indirect.scatter.add.f32 [tilespmem:s21], [sflag:$0x5], $0x80, s16, s20, $0xb8;
	[tilespmem:$0x1E900] =	vst v63  }
0x78: {  	_ =	swait.ge [sflag:s15], $0x3E80  }
0x79: {  	[sflag:s15] =	ssyncset.done $0x0  }
0x7a: {  	s7 =	sadd.s32 s6, s25;
	[sflag:s15] =	ssyncadd.s32 $0xFFFFC180  }
0x7b: {  	[tilespmem:s16], [sflag:$0x3] =	stream.linear.gather [hbm4b:s7+s3], $0x80, $0x38;
	[tilespmem:$0x1E900] =	vst v63  }
0x7c: {  	s1 =	sadd.s32 $0x100, s1  }
0x7d: {  	[tilespmem:s21], [sflag:$0x1] =	stream.indirect.gather [hbm4b:s5+s20], $0x80, s1, s20, $0xb8;
	[tilespmem:$0x1E900] =	vst v63  }
0x7e: {  	_ =	swait.ge [sflag:s26], $0x3E80  }
0x7f: {  	[sflag:s26] =	ssyncset.done $0x0  }
0x80: {  	[sflag:s26] =	ssyncadd.s32 $0xFFFFC180  }
0x81: {  	_ =	swait.ge [sflag:s30], $0x80  }
0x82: {  	s22 =	sand.u32 $0x7C00, s0;
	[sflag:s30] =	ssyncset.done $0x0  }
0x83: {  	s25 =	sand.u32 $0x380, s0;
	s7 =	sadd.s32 s4, s22;
	[sflag:s30] =	ssyncadd.s32 $0xFFFFFF80  }
0x84: {  	[spmem:s2] =	stream.indirect.scatter.add.f32 [tilespmem:s23], [sflag:$0x5], $0x80, s17, s20, $0xb8;
	[tilespmem:$0x1E900] =	vst v63  }
0x85: {  	s0 =	sor.u32 s25, s7;
	_ =	swait.ge [sflag:s15], $0x3E80  }
0x86: {  	s0 =	sshrl.u32 s0, $0x3;
	[sflag:s15] =	ssyncset.done $0x0  }
0x87: {  	s0 =	sadd.s32 s6, s0;
	[sflag:s15] =	ssyncadd.s32 $0xFFFFC180  }
0x88: {  	[tilespmem:s17], [sflag:$0x4] =	stream.linear.gather [hbm4b:s0+s3], $0x80, $0x38;
	[tilespmem:$0x1E900] =	vst v63  }
0x89: {  	s28 =	sadd.s32 $0x80, s1  }
0x8a: {  	[tilespmem:s23], [sflag:$0x2] =	stream.indirect.gather [hbm4b:s5+s20], $0x80, s28, s20, $0xb8;
	[tilespmem:$0x1E900] =	vst v63  }
0x8b: {  	_ =	swait.ge [sflag:s24], $0x3E80  }
0x8c: {  	[sflag:s24] =	ssyncset.done $0x0  }
0x8d: {  	[sflag:s24] =	ssyncadd.s32 $0xFFFFC180  }
0x8e: {  	_ =	swait.ge [sflag:s29], $0x80  }
0x8f: {  	[sflag:s29] =	ssyncset.done $0x0  }
0x90: {  	[sflag:s29] =	ssyncadd.s32 $0xFFFFFF80  }
0x91: {  	[spmem:s2] =	stream.indirect.scatter.add.f32 [tilespmem:s21], [sflag:$0x5], $0x80, s16, s20, $0xb8;
	[tilespmem:$0x1E900] =	vst v63  }
0x92: {  	_ =	swait.ge [sflag:s15], $0x3E80  }
0x93: {  	[sflag:s15] =	ssyncset.done $0x0  }
0x94: {  	[sflag:s15] =	ssyncadd.s32 $0xFFFFC180  }
0x95: {  	_ =	swait.ge [sflag:s26], $0x3E80  }
0x96: {  	[sflag:s26] =	ssyncset.done $0x0  }
0x97: {  	[sflag:s26] =	ssyncadd.s32 $0xFFFFC180  }
0x98: {  	_ =	swait.ge [sflag:s30], $0x80  }
0x99: {  	[sflag:s30] =	ssyncset.done $0x0  }
0x9a: {  	[sflag:s30] =	ssyncadd.s32 $0xFFFFFF80  }
0x9b: {  	[spmem:s2] =	stream.indirect.scatter.add.f32 [tilespmem:s23], [sflag:$0x5], $0x80, s17, s20, $0xb8;
	[tilespmem:$0x1E900] =	vst v63  }
0x9c: {  	_ =	swait.ge [sflag:s15], $0x3E80  }
0x9d: {  	s31 =	sadd.s32 $0x1, s31;
	[sflag:s15] =	ssyncset.done $0x0  }
0x9e: {  	p0 =	sne.s32 s31, s12;
	[sflag:s15] =	ssyncadd.s32 $0xFFFFC180  }
.Ltmp1:
0x9f: {  	[bflag:$0x0] =	sbarrier.arrive $0xFFFF;
	(pc) =	sbr.rel @p0 .LBB2_1-.Ltmp1, $4  }
0xa0: {  	[hbm:s11], [sflag:s18] =	dma.local [spmem:s19], $0x2800  }
0xa1: {  	_ =	swait.ge [sflag:s15], $0x2800  }
0xa2: {  	[sflag:s15] =	ssyncset.done $0x0  }
0xa3: {  	[sflag:s15] =	ssyncadd.s32 $0xFFFFD800  }
0xa4: {  	_ =	sfence.sel $0x180000  }
0xa5: {  	[bflag:$0x0] =	sbarrier.arrive $0xFFFF  }
0xa6: {  	_ =	strace $0x9000004A  }
0xa7: {  	s0 =	stileid.u32;
	[bflag:$0x2] =	sbarrier.arrive $0xFFFF  }
0xa8: {  	p0 =	sne.s32 s0, $0x0;
	s0 =	rddreg [dreg:$0x2]  }
0xa9: {  	s0 =	sadd.s32 @!p0 $0x100000, s0  }
0xaa: {  	[sflag:s0] =	ssyncadd.tile.s32 @!p0 $0x1;
	_ =	shalt  }
.Lfunc_end2:
_tile_overlayer_lowered:
.L_overlay_start_2:
0xab: {  	(tag) =	ssettag $0x2  }
0xac: {  	s0 =	rddreg [dreg:$0x0];
	s2 =	stileid.u32  }
0xad: {  	s1 =	rddreg [dreg:$0x1];
	p0 =	sne.s32 s2, $0x0  }
0xae: {  	s3 =	rddreg [dreg:$0x2];
	[bflag:$0x3] =	sbarrier.arrive $0xFFFF;
	s2 =	simm.s32 @!p0 $0x1C05  }
0xaf: {  	[timem:s3], [sflag:s2] =	dma.local @!p0 [hbm:s0], s1  }
0xb0: {  	s0 =	simm.s32 @!p0 $0x5  }
0xb1: {  	_ =	swait.ge @!p0 [sflag:s0], s1  }
0xb2: {  	s1 =	ssub.s32 @!p0 $0x0, s1;
	[sflag:s0] =	ssyncset.done @!p0 $0x0  }
0xb3: {  	[sflag:s0] =	ssyncadd.s32 @!p0 s1  }
0xb4: {  	[bflag:$0x3] =	sbarrier.arrive $0xFFFF  }
0xb5: {  	_ =	shalt  }

// kernel: kernel.17.cloned.1.call-start
scs
__scs_entry_jumppad:
0x0: {  	(pc) =	sbr.rel $0x88, $3  }
0x1: {  	(tag) =	ssettag $0x0;
	lr =	simm.s32 $0x1  }
0x2: {  	[smem:$0x3F90] =	sst lr;
	_ =	strace $0xD0000000  }
0x3: {  	_ = 	snop  }
0x4: {  	_ = 	snop  }
0x5: {  	_ = 	snop  }
0x6: {  	_ = 	snop  }
0x7: {  	_ = 	snop  }
__scs_overlays_trampoline_lowered:
0x8: {  	[smem:$0x3F9F] =	sst s0  }
0x9: {  	[smem:$0x3FA0] =	sst s1  }
0xa: {  	[smem:$0x3FA1] =	sst s2  }
0xb: {  	[smem:$0x3FA2] =	sst s3  }
0xc: {  	[smem:$0x3FA3] =	sst s4  }
0xd: {  	[smem:$0x3FA4] =	sst s5  }
0xe: {  	[smem:$0x3FA5] =	sst s6  }
0xf: {  	[smem:$0x3FA6] =	sst s7  }
0x10: {  	[smem:$0x3FA7] =	sst s8  }
0x11: {  	[smem:$0x3FA8] =	sst s9;
	s0 =	simm.s32 @!p0 $0x0  }
0x12: {  	s1 =	sld [smem:$0x3F8E];
	s0 =	simm.s32 @p0 $0x1  }
0x13: {  	[smem:$0x3FA9] =	sst s0;
	s0 =	simm.s32 @!p1 $0x0  }
0x14: {  	s2 =	sld [smem:$0x3F8D];
	s0 =	simm.s32 @p1 $0x1  }
0x15: {  	[smem:$0x3FAA] =	sst s0;
	s0 =	simm.s32 @!p2 $0x0  }
0x16: {  	s3 =	sld [smem:$0x3FDB];
	s0 =	simm.s32 @p2 $0x1  }
0x17: {  	s4 =	simm.s32 $0x1BF5;
	[smem:$0x3FAC] =	sst s0  }
0x18: {  	s0 =	sld [smem:$0x3F8F];
	_ =	swait.ge [sflag:s4], $0x0  }
0x19: {  	s7 =	sld [smem:$0x3F90]  }
0x1a: {  	s8 =	sadd.s32 $0xFFFFE003, lr  }
0x1b: {  	s9 =	sadd.s32 $0xFFFFFEF7, lr;
	s5 =	simm.s32 $0xFFFFFFFF;
	p2 =	slt.u32 s8, $0xFFFFF086  }
0x1c: {  	p1 =	slt.u32 s9, $0xF7A;
	s5 =	simm.s32 @!p2 $0x0  }
0x1d: {  	s5 =	simm.s32 @p1 $0x1;
	p0 =	seq.s32 s7, s2  }
0x1e: {  	s7 =	smul.u32 @!p0 $0xF7A, s2;
	p2 =	seq.s32 @!p0 s5, $0x0  }
0x1f: {  	s9 =	smul.u32 $0xF7A, s1;
	s8 =	simm.s32 @!p0 $0x1BF5;
	p2 =	por !p2, p0  }
0x20: {  	[sflag:s8] =	ssyncset.s32 @!p0 $0xFFFFF086;
	s6 =	sadd.s32 @!p0 s3, s7;
	s7 =	simm.s32 @!p0 $0x108  }
0x21: {  	s3 =	sadd.s32 s3, s9;
	s6 =	sadd.s32 @!p0 $0x88, s6;
	s7 =	simm.s32 @p2 $0x1082  }
0x22: {  	[simem:s7], [sflag:s8] =	dma.local @!p0 [hbm:s6], $0xF7A  }
0x23: {  	s9 =	sor.u32 $0xD0000000, s2;
	s6 =	simm.s32 $0x108;
	_ =	swait.ge @!p0 [sflag:s8], $0x0  }
0x24: {  	s3 =	sadd.s32 $0x88, s3;
	s6 =	simm.s32 @!p1 $0x1082;
	[sflag:s4] =	ssyncset.s32 $0xFFFFF086  }
0x25: {  	[simem:s6], [sflag:s4] =	dma.local [hbm:s3], $0xF7A  }
0x26: {  	[smem:$0x3F90] =	sst s1;
	(tag) =	ssettag s2;
	_ =	strace s9  }
0x27: {  	s1 =	sld [smem:$0x3FA0]  }
0x28: {  	s2 =	sld [smem:$0x3FA1]  }
0x29: {  	s4 =	sld [smem:$0x3FA3]  }
0x2a: {  	p0 =	seq.s32 s5, $0x0;
	s5 =	sld [smem:$0x3FA4]  }
0x2b: {  	s6 =	sld [smem:$0x3FA5]  }
0x2c: {  	s7 =	sld [smem:$0x3FA6]  }
0x2d: {  	s3 =	simm.s32 $0x108;
	s8 =	sld [smem:$0x3FA7]  }
0x2e: {  	s3 =	simm.s32 @!p0 $0x1082;
	s9 =	sld [smem:$0x3FA8]  }
0x2f: {  	lr =	sadd.s32 s0, s3;
	s0 =	sld [smem:$0x3F9F]  }
0x30: {  	s3 =	sld [smem:$0x3FA2]  }
0x31: {  	[smem:$0x3FAB] =	sst s10  }
0x32: {  	s10 =	sld [smem:$0x3FA9];
	_ =	sdelay $0x3  }
0x33: {  	p0 =	seq.s32 s10, $0x1;
	s10 =	sld [smem:$0x3FAB];
	_ =	sdelay $0x3  }
0x34: {  	[smem:$0x3FAB] =	sst s10  }
0x35: {  	s10 =	sld [smem:$0x3FAA];
	_ =	sdelay $0x3  }
0x36: {  	p1 =	seq.s32 s10, $0x1;
	s10 =	sld [smem:$0x3FAB];
	_ =	sdelay $0x3  }
0x37: {  	[smem:$0x3FAB] =	sst s10  }
0x38: {  	s10 =	sld [smem:$0x3FAC]  }
0x39: {  	_ = 	snop;
	(pc) =	sbr.ind lr, $3  }
0x3a: {  	_ = 	snop  }
0x3b: {  	_ = 	snop  }
0x3c: {  	p2 =	seq.s32 s10, $0x1;
	s10 =	sld [smem:$0x3FAB]  }
0x3d: {  	_ =	shalt  }
0x3e: {  	_ =	shalt  }
0x3f: {  	_ =	shalt  }
0x40: {  	_ =	shalt  }
0x41: {  	_ =	shalt  }
0x42: {  	_ =	shalt  }
0x43: {  	_ =	shalt  }
0x44: {  	_ =	shalt  }
0x45: {  	_ =	shalt  }
0x46: {  	_ =	shalt  }
0x47: {  	_ =	shalt  }
0x48: {  	_ =	shalt  }
0x49: {  	_ =	shalt  }
0x4a: {  	_ =	shalt  }
0x4b: {  	_ =	shalt  }
0x4c: {  	_ =	shalt  }
0x4d: {  	_ =	shalt  }
0x4e: {  	_ =	shalt  }
0x4f: {  	_ =	shalt  }
0x50: {  	_ =	shalt  }
0x51: {  	_ =	shalt  }
0x52: {  	_ =	shalt  }
0x53: {  	_ =	shalt  }
0x54: {  	_ =	shalt  }
0x55: {  	_ =	shalt  }
0x56: {  	_ =	shalt  }
0x57: {  	_ =	shalt  }
0x58: {  	_ =	shalt  }
0x59: {  	_ =	shalt  }
0x5a: {  	_ =	shalt  }
0x5b: {  	_ =	shalt  }
0x5c: {  	_ =	shalt  }
0x5d: {  	_ =	shalt  }
0x5e: {  	_ =	shalt  }
0x5f: {  	_ =	shalt  }
0x60: {  	_ =	shalt  }
0x61: {  	_ =	shalt  }
0x62: {  	_ =	shalt  }
0x63: {  	_ =	shalt  }
0x64: {  	_ =	shalt  }
0x65: {  	_ =	shalt  }
0x66: {  	_ =	shalt  }
0x67: {  	_ =	shalt  }
0x68: {  	_ =	shalt  }
0x69: {  	_ =	shalt  }
0x6a: {  	_ =	shalt  }
0x6b: {  	_ =	shalt  }
0x6c: {  	_ =	shalt  }
0x6d: {  	_ =	shalt  }
0x6e: {  	_ =	shalt  }
0x6f: {  	_ =	shalt  }
0x70: {  	_ =	shalt  }
0x71: {  	_ =	shalt  }
0x72: {  	_ =	shalt  }
0x73: {  	_ =	shalt  }
0x74: {  	_ =	shalt  }
0x75: {  	_ =	shalt  }
0x76: {  	_ =	shalt  }
0x77: {  	_ =	shalt  }
0x78: {  	_ =	shalt  }
0x79: {  	_ =	shalt  }
0x7a: {  	_ =	shalt  }
0x7b: {  	_ =	shalt  }
0x7c: {  	_ =	shalt  }
0x7d: {  	_ =	shalt  }
0x7e: {  	_ =	shalt  }
0x7f: {  	_ =	shalt  }
0x80: {  	_ =	shalt  }
0x81: {  	_ =	shalt  }
0x82: {  	_ =	shalt  }
0x83: {  	_ =	shalt  }
0x84: {  	_ =	shalt  }
0x85: {  	_ =	shalt  }
0x86: {  	_ =	shalt  }
0x87: {  	_ =	shalt  }
.Lfunc_end0:
.L_simem_size_0:
called_computation.2_lowered:
.L_overlay_start_0:
0x88: {  	s2 =	sld [smem:$0x3FD9]  }
0x89: {  	s3 =	sld [smem:$0x3FFE];
	_ =	sdelay $0x1  }
0x8a: {  	s1 =	srdreg.scid  }
0x8b: {  	s0 =	sand.u32 $0x1, s1  }
0x8c: {  	s17 =	sshll.u32 s0, $0xA;
	s2 =	sadd.s32 s3, s2  }
0x8d: {  	s2 =	sadd.s32 s2, s17  }
0x8e: {  	[smem:$0x3FB7] =	sst s2  }
0x8f: {  	_ = 	snop  }
0x90: {  	s2 =	sld [smem:$0x3FBA];
	(tm) =	ssettm $0x1  }
0x91: {  	s18 =	sld [smem:$0x3FFB];
	_ =	sdelay $0x3  }
0x92: {  	_ =	strace s18  }
0x93: {  	s3 =	sld [smem:$0x3FFC];
	_ =	sdelay $0x3  }
0x94: {  	_ =	strace s3  }
0x95: {  	s3 =	sld [smem:$0x3FFD];
	_ =	sdelay $0x3  }
0x96: {  	_ =	strace s3  }
0x97: {  	_ =	strace $0x8FFFFFFF  }
0x98: {  	s19 =	sld [smem:$0x3FDB];
	_ =	sdelay $0x1  }
0x99: {  	s4 =	simm.s32 $_scs_section_size  }
0x9a: {  	s5 =	simm.s32 $_size__tile_overlayer_lowered;
	s6 =	simm.s32 $_tile_overlayer_lowered  }
0x9b: {  	s22 =	simm.s32 $0x1BFF;
	s21 =	sshll.u32 s6, $0x1;
	s3 =	sadd.s32 s4, s19  }
0x9c: {  	s7 =	simm.s32 $0x0;
	s20 =	sshll.u32 s5, $0x1;
	s5 =	sadd.s32 s21, s3  }
0x9d: {  	[timem:s7], [sflag:s22] =	dma.local [hbm:s5], s20  }
0x9e: {  	_ =	swait.ge [sflag:s22], s20  }
0x9f: {  	s4 =	ssub.s32 $0x0, s20;
	[sflag:s22] =	ssyncset.done $0x0  }
0xa0: {  	[sflag:s22] =	ssyncadd.s32 s4;
	_ =	sdelay $0x1  }
0xa1: {  	s23 =	simm.s32 $0x1B8B  }
0xa2: {  	_ =	swait.ge [sflag:s23], $0x1  }
0xa3: {  	[sflag:s23] =	ssyncset.done $0x0  }
0xa4: {  	s25 =	simm.s32 $0x1B8E;
	s24 =	sld [smem:$0x3FFE];
	[sflag:s23] =	ssyncadd.s32 $0xFFFFFFFF  }
0xa5: {  	s26 =	simm.s32 $execute0_lowered;
	[smem:$0x3FD2] =	sst s25  }
0xa6: {  	s5 =	sshll.u32 s26, $0x1;
	_ =	strace $0x8000004C;
	[dreg:$0x1] =	wrdreg $0xFFFFFFFF  }
0xa7: {  	s28 =	simm.s32 $_size_execute0_lowered;
	s3 =	sadd.s32 s3, s5;
	[dreg:$0x0] =	wrdreg $0x0  }
0xa8: {  	s5 =	sshll.u32 s28, $0x1;
	[dreg:$0x2] =	wrdreg s3  }
0xa9: {  	[dreg:$0x3] =	wrdreg s5  }
0xaa: {  	[dreg:$0x4] =	wrdreg $0xC0  }
0xab: {  	_ =	task [dreg:s7], $0x5FFFF  }
0xac: {  	[dreg:$0x1] =	wrdreg $0xFFFFFFFF  }
0xad: {  	[dreg:$0x0] =	wrdreg $0x60  }
0xae: {  	[dreg:$0x2] =	wrdreg s24  }
0xaf: {  	[dreg:$0x3] =	wrdreg s2  }
0xb0: {  	[dreg:$0x4] =	wrdreg $0x9  }
0xb1: {  	_ =	task.clear_ibuf [dreg:s7], $0x5FFFF;
	_ =	strace $0x9000004C  }
0xb2: {  	s29 =	simm.s32 $0x9;
	_ =	strace $0x8000004E  }
0xb3: {  	_ =	swait.ge [sflag:s29], $0x1  }
0xb4: {  	[sflag:s29] =	ssyncadd.s32 $0xFFFFFFFF  }
0xb5: {  	_ =	strace $0x9000004E  }
0xb6: {  	_ =	sfence  }
0xb7: {  	s30 =	sld [smem:$0x0];
	_ =	sdelay $0x2  }
0xb8: {  	s31 =	sshll.u32 s1, $0xD;
	s1 =	sshrl.u32 s1, $0x2  }
0xb9: {  	s3 =	sand.u32 $0x4000, s31;
	s1 =	sadd.s32 s1, s30  }
0xba: {  	s0 =	sor.u32 s3, s0;
	s1 =	sshll.u32 s1, $0x11  }
0xbb: {  	s0 =	sor.u32 s1, s0  }
0xbc: {  	s0 =	sadd.s32 $0x8F2B, s0  }
0xbd: {  	[sflag:s0] =	ssyncadd.remote.s32 $0x1  }
0xbe: {  	_ =	sfence.sel $0xFFFF  }
0xbf: {  	[dreg:$0x0] =	wrdreg $0xFFFFFFFF;
	(pc) =	sbr.abs _section_cstart, $3  }
0xc0: {  	[dreg:$0x1] =	wrdreg $0xFFFFFFFF  }
0xc1: {  	_ =	task.clear_ibuf [dreg:s7], $0x2FFFF;
	_ =	strace $0x9FFFFFFF  }
0xc2: {  	(tm) =	ssettm $0x7FFFFFFF  }
0xc3: {  	_ =	shalt  }
tec
execute0_lowered:
.L_overlay_start_1:
0x0: {  	(tag) =	ssettag $0x1  }
0x1: {  	s6 =	rddreg [dreg:$0x0];
	s1 =	srdreg.scid  }
0x2: {  	s0 =	stileid.u32;
	s2 =	rddreg [dreg:$0x1]  }
0x3: {  	s3 =	simm.s32 $0x0;
	s12 =	simm.s32 $0x2800;
	s13 =	simm.s32 $0x1D000  }
0x4: {  	s14 =	simm.s32 $0x7D;
	s15 =	simm.s32 $0x5000;
	s16 =	simm.s32 $0x9000  }
0x5: {  	s17 =	simm.s32 $0xD000;
	s18 =	simm.s32 $0x11000;
	s19 =	simm.s32 $0x1  }
0x6: {  	s20 =	simm.s32 $0x15000;
	s21 =	simm.s32 $0x2;
	s22 =	simm.s32 $0x19000  }
0x7: {  	s23 =	simm.s32 $0x3;
	s7 =	sand.u32 $0x1, s1;
	s1 =	rddreg [dreg:$0x2]  }
0x8: {  	s24 =	simm.s32 $0x0;
	s4 =	sshll.u32 s0, $0x1;
	[smem:$0x7FF] =	sst s3  }
0x9: {  	s5 =	sadd.s32 $0x2A000, s6;
	s9 =	sor.u32 s7, s4;
	s10 =	ssub.s32 $0x2, s7  }
0xa: {  	_ =	strace $0x8000004D;
	s8 =	smul.u32 $0x500, s9;
	s11 =	sshrl.u32 s10, $0x1  }
0xb: {  	s4 =	sadd.s32 $0x2E00, s6;
	s9 =	smul.u32 $0x140000, s9;
	s10 =	ssub.s32 s10, s11  }
0xc: {  	s11 =	simm.s32 $0x4;
	s8 =	sadd.s32 s8, s6;
	s6 =	sadd.s32 $0x11A600, s6  }
0xd: {  	s10 =	smax.u32 s10, $0x1;
	s7 =	sadd.s32 $0x106600, s8;
	s8 =	sadd.s32 $0x110600, s8  }
.LBB2_1:
0xe: {  	[tilespmem:s3], [sflag:$0x4] =	stream.linear.gather [hbm4b:s7+s3], $0x2800, $0x38;
	[tilespmem:$0x1D080] =	vst v63  }
0xf: {  	_ =	swait.ge [sflag:s11], $0x2800  }
0x10: {  	[sflag:s11] =	ssyncset.done $0x0  }
0x11: {  	[sflag:s11] =	ssyncadd.s32 $0xFFFFD800  }
0x12: {  	[tilespmem:s12], [sflag:$0x4] =	stream.linear.gather [hbm4b:s8+s3], $0x2800, $0x38;
	[tilespmem:$0x1D080] =	vst v63  }
0x13: {  	_ =	swait.ge [sflag:s11], $0x2800  }
0x14: {  	[sflag:s11] =	ssyncset.done $0x0  }
0x15: {  	[sflag:s11] =	ssyncadd.s32 $0xFFFFD800  }
0x16: {  	[tilespmem:s13], [sflag:$0x4] =	stream.linear.gather [hbm4b:s2+s3], $0x80, $0x38;
	[tilespmem:$0x1D080] =	vst v63  }
0x17: {  	_ =	swait.ge [sflag:s11], $0x80  }
0x18: {  	[sflag:s11] =	ssyncset.done $0x0  }
0x19: {  	[sflag:s11] =	ssyncadd.s32 $0xFFFFFF80  }
0x1a: {  	[tilespmem:s15], [sflag:$0x1] =	stream.indirect.gather [hbm4b:s4+s14], $0x80, s3, s14, $0xb8;
	[tilespmem:$0x1D080] =	vst v63  }
0x1b: {  	s25 =	simm.s32 $0x0  }
0x1c: {  	[tilespmem:s16], [sflag:$0x1] =	stream.indirect.gather [hbm4b:s5+s14], $0x80, s12, s14, $0xb8;
	[tilespmem:$0x1D080] =	vst v63  }
.LBB2_2:
0x1d: {  	s26 =	sshllo.u32 s25, $0x1  }
0x1e: {  	s28 =	sshll.u32 s26, $0x7  }
0x1f: {  	[tilespmem:s17], [sflag:$0x2] =	stream.indirect.gather [hbm4b:s4+s14], $0x80, s28, s14, $0xb8;
	[tilespmem:$0x1D080] =	vst v63  }
0x20: {  	s28 =	sadd.s32 $0x2800, s28  }
0x21: {  	[tilespmem:s18], [sflag:$0x2] =	stream.indirect.gather [hbm4b:s5+s14], $0x80, s28, s14, $0xb8;
	[tilespmem:$0x1D080] =	vst v63  }
0x22: {  	_ =	swait.ge [sflag:s19], $0x3E80  }
0x23: {  	[sflag:s19] =	ssyncset.done $0x0  }
0x24: {  	[sflag:s19] =	ssyncadd.s32 $0xFFFFC180  }
0x25: {  	_ =	swait.ge [sflag:s19], $0x3E80  }
0x26: {  	[sflag:s19] =	ssyncset.done $0x0  }
0x27: {  	s28 =	simm.s32 $0x0;
	[sflag:s19] =	ssyncadd.s32 $0xFFFFC180  }
0x28: {  	v3 =	vld [tilespmem:s28+$0x5070]  }
0x29: {  	v1 =	vld [tilespmem:s28+$0x5060]  }
0x2a: {  	v0 =	vld [tilespmem:s28+$0x5050]  }
0x2b: {  	v2 =	vld [tilespmem:s28+$0x5040]  }
0x2c: {  	v4 =	vld [tilespmem:s28+$0x5030]  }
0x2d: {  	v5 =	vld [tilespmem:s28+$0x5020]  }
0x2e: {  	v6 =	vld [tilespmem:s28+$0x5000]  }
0x2f: {  	v7 =	vld [tilespmem:s28+$0x9000]  }
0x30: {  	v8 =	vld [tilespmem:s28+$0x5010]  }
0x31: {  	v9 =	vld [tilespmem:s28+$0x9010]  }
0x32: {  	v10 =	vld [tilespmem:$0x1D000]  }
0x33: {  	v11 =	vld [tilespmem:s28+$0x9020]  }
0x34: {  	v12 =	vld [tilespmem:$0x1D010];
	v6 =	vadd.f32 v7, v6  }
0x35: {  	v7 =	vld [tilespmem:s28+$0x9030]  }
0x36: {  	v13 =	vld [tilespmem:$0x1D020];
	v8 =	vadd.f32 v9, v8;
	v6 =	vmax.f32 v6, $0.0e+00  }
0x37: {  	v9 =	vld [tilespmem:s28+$0x9040];
	v6 =	vmul.f32 v6, v10  }
0x38: {  	v5 =	vadd.f32 v11, v5;
	v8 =	vmax.f32 v8, $0.0e+00;
	v10 =	vld [tilespmem:$0x1D030]  }
0x39: {  	v11 =	vld [tilespmem:s28+$0x9050];
	v8 =	vmul.f32 v8, v12;
	v6 =	vadd.f32 $0.0e+00, v6  }
0x3a: {  	v63 =	vld [tilespmem:$0x1D040];
	v5 =	vmax.f32 v5, $0.0e+00;
	v4 =	vadd.f32 v7, v4  }
0x3b: {  	v5 =	vmul.f32 v5, v13;
	v7 =	vld [tilespmem:s28+$0x9060];
	v6 =	vadd.f32 v8, v6  }
0x3c: {  	v2 =	vadd.f32 v9, v2;
	v8 =	vld [tilespmem:$0x1D050];
	v4 =	vmax.f32 v4, $0.0e+00  }
0x3d: {  	v9 =	vld [tilespmem:s28+$0x9070];
	v4 =	vmul.f32 v4, v10;
	v5 =	vadd.f32 v5, v6  }
0x3e: {  	s29 =	simm.s32 $0x80;
	v2 =	vmax.f32 v2, $0.0e+00;
	v10 =	vadd.f32 v11, v0;
	v6 =	vld [tilespmem:$0x1D060]  }
0x3f: {  	v0 =	vld [tilespmem:s29+$0x5070];
	v2 =	vmul.f32 v2, v63;
	v4 =	vadd.f32 v4, v5  }
0x40: {  	v11 =	vld [tilespmem:$0x1D070];
	v7 =	vadd.f32 v7, v1;
	v5 =	vmax.f32 v10, $0.0e+00  }
0x41: {  	v1 =	vld [tilespmem:s29+$0x5060];
	v5 =	vmul.f32 v5, v8;
	v4 =	vadd.f32 v2, v4  }
0x42: {  	v7 =	vmax.f32 v7, $0.0e+00;
	v8 =	vadd.f32 v9, v3;
	v3 =	vld [tilespmem:s29+$0x5040]  }
0x43: {  	v2 =	vld [tilespmem:s29+$0x5050];
	v6 =	vmul.f32 v7, v6;
	v9 =	vadd.f32 v5, v4  }
0x44: {  	v8 =	vmax.f32 v8, $0.0e+00;
	v4 =	vld [tilespmem:s29+$0x5030]  }
0x45: {  	v5 =	vld [tilespmem:s29+$0x5020];
	v8 =	vmul.f32 v8, v11;
	v7 =	vadd.f32 v6, v9  }
0x46: {  	s30 =	simm.s32 $0x400;
	v6 =	vld [tilespmem:s29+$0x5000]  }
.LBB2_3:
0x47: {  	p0 =	sne.s32 s30, $0xF800;
	v9 =	vld [tilespmem:s29+$0x9000];
	v7 =	vadd.f32 v8, v7  }
0x48: {  	v8 =	vld [tilespmem:s29+$0x5010]  }
0x49: {  	v10 =	vld [tilespmem:s29+$0x9010];
	[tilespmem:s28+$0x15000] =	vst v7;
	s28 =	smov.u32 s29  }
0x4a: {  	v7 =	vld [tilespmem:$0x1D000]  }
0x4b: {  	v11 =	vld [tilespmem:s28+$0x9020]  }
0x4c: {  	v6 =	vadd.f32 v9, v6;
	v9 =	vld [tilespmem:$0x1D010]  }
0x4d: {  	v12 =	vld [tilespmem:s28+$0x9030]  }
0x4e: {  	v6 =	vmax.f32 v6, $0.0e+00;
	v8 =	vadd.f32 v10, v8;
	v10 =	vld [tilespmem:$0x1D020]  }
0x4f: {  	v6 =	vmul.f32 v6, v7;
	v7 =	vld [tilespmem:s28+$0x9040]  }
0x50: {  	v8 =	vmax.f32 v8, $0.0e+00;
	v5 =	vadd.f32 v11, v5;
	v11 =	vld [tilespmem:$0x1D030]  }
0x51: {  	v6 =	vadd.f32 $0.0e+00, v6;
	v8 =	vmul.f32 v8, v9;
	v9 =	vld [tilespmem:s28+$0x9050]  }
0x52: {  	v5 =	vmax.f32 v5, $0.0e+00;
	v4 =	vadd.f32 v12, v4;
	v12 =	vld [tilespmem:$0x1D040]  }
0x53: {  	v6 =	vadd.f32 v8, v6;
	v5 =	vmul.f32 v5, v10;
	v8 =	vld [tilespmem:s28+$0x9060]  }
0x54: {  	v4 =	vmax.f32 v4, $0.0e+00;
	v3 =	vadd.f32 v7, v3;
	v7 =	vld [tilespmem:$0x1D050]  }
0x55: {  	v5 =	vadd.f32 v5, v6;
	v4 =	vmul.f32 v4, v11;
	v6 =	vld [tilespmem:s28+$0x9070]  }
0x56: {  	s29 =	sshra.s32 s30, $0x2;
	v3 =	vmax.f32 v3, $0.0e+00;
	v2 =	vadd.f32 v9, v2;
	v9 =	vld [tilespmem:$0x1D060]  }
0x57: {  	v10 =	vld [tilespmem:s29+$0x5070];
	v4 =	vadd.f32 v4, v5;
	v3 =	vmul.f32 v3, v12  }
0x58: {  	v2 =	vmax.f32 v2, $0.0e+00;
	v5 =	vadd.f32 v8, v1;
	v8 =	vld [tilespmem:$0x1D070]  }
0x59: {  	v1 =	vld [tilespmem:s29+$0x5060];
	v4 =	vadd.f32 v3, v4;
	v7 =	vmul.f32 v2, v7  }
.Ltmp0:
0x5a: {  	v2 =	vld [tilespmem:s29+$0x5050];
	v5 =	vmax.f32 v5, $0.0e+00;
	v11 =	vadd.f32 v6, v0;
	(pc) =	sbr.rel @p0 .LBB2_3-.Ltmp0, $4  }
0x5b: {  	v3 =	vld [tilespmem:s29+$0x5040];
	v6 =	vadd.f32 v7, v4;
	v7 =	vmul.f32 v5, v9  }
0x5c: {  	v4 =	vld [tilespmem:s29+$0x5030];
	v9 =	vmax.f32 v11, $0.0e+00;
	v0 =	vmov v10  }
0x5d: {  	v5 =	vld [tilespmem:s29+$0x5020];
	v7 =	vadd.f32 v7, v6;
	v8 =	vmul.f32 v9, v8  }
0x5e: {  	s30 =	sadd.s32 $0x200, s30;
	v6 =	vld [tilespmem:s29+$0x5000]  }
0x5f: {  	v9 =	vld [tilespmem:s29+$0x9000];
	v7 =	vadd.f32 v8, v7  }
0x60: {  	v8 =	vld [tilespmem:s29+$0x5010]  }
0x61: {  	v10 =	vld [tilespmem:s29+$0x9010];
	[tilespmem:s28+$0x15000] =	vst v7  }
0x62: {  	v7 =	vld [tilespmem:$0x1D000]  }
0x63: {  	v11 =	vld [tilespmem:s29+$0x9020]  }
0x64: {  	v6 =	vadd.f32 v9, v6;
	v9 =	vld [tilespmem:$0x1D010]  }
0x65: {  	v12 =	vld [tilespmem:s29+$0x9030]  }
0x66: {  	v8 =	vadd.f32 v10, v8;
	v10 =	vld [tilespmem:$0x1D020];
	v6 =	vmax.f32 v6, $0.0e+00  }
0x67: {  	v6 =	vmul.f32 v6, v7;
	v7 =	vld [tilespmem:s29+$0x9040]  }
0x68: {  	v8 =	vmax.f32 v8, $0.0e+00;
	v5 =	vadd.f32 v11, v5;
	v11 =	vld [tilespmem:$0x1D030]  }
0x69: {  	v6 =	vadd.f32 $0.0e+00, v6;
	v8 =	vmul.f32 v8, v9;
	v9 =	vld [tilespmem:s29+$0x9050]  }
0x6a: {  	v61 =	vld [tilespmem:$0x1D040];
	v4 =	vadd.f32 v12, v4;
	v5 =	vmax.f32 v5, $0.0e+00  }
0x6b: {  	v5 =	vmul.f32 v5, v10;
	v6 =	vadd.f32 v8, v6;
	v8 =	vld [tilespmem:s29+$0x9060]  }
0x6c: {  	v4 =	vmax.f32 v4, $0.0e+00;
	v3 =	vadd.f32 v7, v3;
	v7 =	vld [tilespmem:$0x1D050]  }
0x6d: {  	v4 =	vmul.f32 v4, v11;
	v5 =	vadd.f32 v5, v6;
	v6 =	vld [tilespmem:s29+$0x9070]  }
0x6e: {  	v3 =	vmax.f32 v3, $0.0e+00;
	v2 =	vadd.f32 v9, v2;
	v9 =	vld [tilespmem:$0x1D060]  }
0x6f: {  	v4 =	vadd.f32 v4, v5;
	v3 =	vmul.f32 v3, v61  }
0x70: {  	v5 =	vld [tilespmem:$0x1D070];
	v2 =	vmax.f32 v2, $0.0e+00;
	v1 =	vadd.f32 v8, v1  }
0x71: {  	v3 =	vadd.f32 v3, v4;
	v2 =	vmul.f32 v2, v7  }
0x72: {  	v1 =	vmax.f32 v1, $0.0e+00;
	v0 =	vadd.f32 v6, v0  }
0x73: {  	v2 =	vadd.f32 v2, v3;
	v1 =	vmul.f32 v1, v9  }
0x74: {  	v0 =	vmax.f32 v0, $0.0e+00  }
0x75: {  	v1 =	vadd.f32 v1, v2;
	v0 =	vmul.f32 v0, v5  }
0x76: {  	s28 =	sshll.u32 s25, $0xF  }
0x77: {  	s28 =	sadd.s32 s9, s28;
	v0 =	vadd.f32 v0, v1  }
0x78: {  	s28 =	sshrl.u32 s28, $0x3  }
0x79: {  	p0 =	seq.s32 s25, $0x27;
	s28 =	sadd.s32 s6, s28;
	[tilespmem:s29+$0x15000] =	vst v0  }
0x7a: {  	[hbm4b:s28+s3] =	stream.linear.scatter [tilespmem:s20], [sflag:$0x3], $0x3E80, $0x38;
	[tilespmem:$0x1D080] =	vst v63  }
0x7b: {  	s28 =	sshll.u32 @!p0 s25, $0x8  }
0x7c: {  	s30 =	simm.s32 @!p0 $0x7D;
	s31 =	simm.s32 @!p0 $0x5000;
	s29 =	sadd.s32 @!p0 $0x100, s28  }
0x7d: {  	[tilespmem:s31], [sflag:$0x1] =	stream.indirect.gather @!p0 [hbm4b:s4+s30], $0x80, s29, s30, $0xb8;
	[tilespmem:$0x1D080] =	vst v63  }
0x7e: {  	s28 =	sadd.s32 @!p0 $0x2900, s28;
	s29 =	simm.s32 @!p0 $0x9000  }
0x7f: {  	[tilespmem:s29], [sflag:$0x1] =	stream.indirect.gather @!p0 [hbm4b:s5+s30], $0x80, s28, s30, $0xb8;
	[tilespmem:$0x1D080] =	vst v63  }
0x80: {  	_ =	swait.ge [sflag:s21], $0x3E80  }
0x81: {  	[sflag:s21] =	ssyncset.done $0x0  }
0x82: {  	[sflag:s21] =	ssyncadd.s32 $0xFFFFC180  }
0x83: {  	_ =	swait.ge [sflag:s21], $0x3E80  }
0x84: {  	[sflag:s21] =	ssyncset.done $0x0  }
0x85: {  	s28 =	simm.s32 $0x0;
	[sflag:s21] =	ssyncadd.s32 $0xFFFFC180  }
0x86: {  	v3 =	vld [tilespmem:s28+$0xD070]  }
0x87: {  	v1 =	vld [tilespmem:s28+$0xD060]  }
0x88: {  	v0 =	vld [tilespmem:s28+$0xD050]  }
0x89: {  	v2 =	vld [tilespmem:s28+$0xD040]  }
0x8a: {  	v4 =	vld [tilespmem:s28+$0xD030]  }
0x8b: {  	v5 =	vld [tilespmem:s28+$0xD020]  }
0x8c: {  	v6 =	vld [tilespmem:s28+$0xD000]  }
0x8d: {  	v7 =	vld [tilespmem:s28+$0x11000]  }
0x8e: {  	v8 =	vld [tilespmem:s28+$0xD010]  }
0x8f: {  	v9 =	vld [tilespmem:s28+$0x11010]  }
0x90: {  	v10 =	vld [tilespmem:$0x1D000]  }
0x91: {  	v11 =	vld [tilespmem:s28+$0x11020]  }
0x92: {  	v62 =	vld [tilespmem:$0x1D010];
	v6 =	vadd.f32 v7, v6  }
0x93: {  	v7 =	vld [tilespmem:s28+$0x11030]  }
0x94: {  	v13 =	vld [tilespmem:$0x1D020];
	v8 =	vadd.f32 v9, v8;
	v6 =	vmax.f32 v6, $0.0e+00  }
0x95: {  	v9 =	vld [tilespmem:s28+$0x11040];
	v6 =	vmul.f32 v6, v10  }
0x96: {  	v5 =	vadd.f32 v11, v5;
	v8 =	vmax.f32 v8, $0.0e+00;
	v10 =	vld [tilespmem:$0x1D030]  }
0x97: {  	v11 =	vld [tilespmem:s28+$0x11050];
	v8 =	vmul.f32 v8, v62;
	v6 =	vadd.f32 $0.0e+00, v6  }
0x98: {  	v63 =	vld [tilespmem:$0x1D040];
	v5 =	vmax.f32 v5, $0.0e+00;
	v4 =	vadd.f32 v7, v4  }
0x99: {  	v5 =	vmul.f32 v5, v13;
	v7 =	vld [tilespmem:s28+$0x11060];
	v6 =	vadd.f32 v8, v6  }
0x9a: {  	v2 =	vadd.f32 v9, v2;
	v8 =	vld [tilespmem:$0x1D050];
	v4 =	vmax.f32 v4, $0.0e+00  }
0x9b: {  	v9 =	vld [tilespmem:s28+$0x11070];
	v4 =	vmul.f32 v4, v10;
	v5 =	vadd.f32 v5, v6  }
0x9c: {  	s29 =	simm.s32 $0x80;
	v2 =	vmax.f32 v2, $0.0e+00;
	v10 =	vadd.f32 v11, v0;
	v6 =	vld [tilespmem:$0x1D060]  }
0x9d: {  	v0 =	vld [tilespmem:s29+$0xD070];
	v2 =	vmul.f32 v2, v63;
	v4 =	vadd.f32 v4, v5  }
0x9e: {  	v11 =	vld [tilespmem:$0x1D070];
	v7 =	vadd.f32 v7, v1;
	v5 =	vmax.f32 v10, $0.0e+00  }
0x9f: {  	v1 =	vld [tilespmem:s29+$0xD060];
	v5 =	vmul.f32 v5, v8;
	v4 =	vadd.f32 v2, v4  }
0xa0: {  	v7 =	vmax.f32 v7, $0.0e+00;
	v8 =	vadd.f32 v9, v3;
	v3 =	vld [tilespmem:s29+$0xD040]  }
0xa1: {  	v2 =	vld [tilespmem:s29+$0xD050];
	v6 =	vmul.f32 v7, v6;
	v9 =	vadd.f32 v5, v4  }
0xa2: {  	v8 =	vmax.f32 v8, $0.0e+00;
	v4 =	vld [tilespmem:s29+$0xD030]  }
0xa3: {  	v5 =	vld [tilespmem:s29+$0xD020];
	v8 =	vmul.f32 v8, v11;
	v7 =	vadd.f32 v6, v9  }
0xa4: {  	s30 =	simm.s32 $0x400;
	v6 =	vld [tilespmem:s29+$0xD000]  }
.LBB2_5:
0xa5: {  	p0 =	sne.s32 s30, $0xF800;
	v9 =	vld [tilespmem:s29+$0x11000];
	v7 =	vadd.f32 v8, v7  }
0xa6: {  	v8 =	vld [tilespmem:s29+$0xD010]  }
0xa7: {  	v10 =	vld [tilespmem:s29+$0x11010];
	[tilespmem:s28+$0x19000] =	vst v7;
	s28 =	smov.u32 s29  }
0xa8: {  	v7 =	vld [tilespmem:$0x1D000]  }
0xa9: {  	v11 =	vld [tilespmem:s28+$0x11020]  }
0xaa: {  	v6 =	vadd.f32 v9, v6;
	v9 =	vld [tilespmem:$0x1D010]  }
0xab: {  	v12 =	vld [tilespmem:s28+$0x11030]  }
0xac: {  	v6 =	vmax.f32 v6, $0.0e+00;
	v8 =	vadd.f32 v10, v8;
	v10 =	vld [tilespmem:$0x1D020]  }
0xad: {  	v6 =	vmul.f32 v6, v7;
	v7 =	vld [tilespmem:s28+$0x11040]  }
0xae: {  	v8 =	vmax.f32 v8, $0.0e+00;
	v5 =	vadd.f32 v11, v5;
	v11 =	vld [tilespmem:$0x1D030]  }
0xaf: {  	v6 =	vadd.f32 $0.0e+00, v6;
	v8 =	vmul.f32 v8, v9;
	v9 =	vld [tilespmem:s28+$0x11050]  }
0xb0: {  	v5 =	vmax.f32 v5, $0.0e+00;
	v4 =	vadd.f32 v12, v4;
	v12 =	vld [tilespmem:$0x1D040]  }
0xb1: {  	v6 =	vadd.f32 v8, v6;
	v5 =	vmul.f32 v5, v10;
	v8 =	vld [tilespmem:s28+$0x11060]  }
0xb2: {  	v4 =	vmax.f32 v4, $0.0e+00;
	v3 =	vadd.f32 v7, v3;
	v7 =	vld [tilespmem:$0x1D050]  }
0xb3: {  	v5 =	vadd.f32 v5, v6;
	v4 =	vmul.f32 v4, v11;
	v6 =	vld [tilespmem:s28+$0x11070]  }
0xb4: {  	s29 =	sshra.s32 s30, $0x2;
	v3 =	vmax.f32 v3, $0.0e+00;
	v2 =	vadd.f32 v9, v2;
	v9 =	vld [tilespmem:$0x1D060]  }
0xb5: {  	v10 =	vld [tilespmem:s29+$0xD070];
	v4 =	vadd.f32 v4, v5;
	v3 =	vmul.f32 v3, v12  }
0xb6: {  	v2 =	vmax.f32 v2, $0.0e+00;
	v5 =	vadd.f32 v8, v1;
	v8 =	vld [tilespmem:$0x1D070]  }
0xb7: {  	v1 =	vld [tilespmem:s29+$0xD060];
	v4 =	vadd.f32 v3, v4;
	v7 =	vmul.f32 v2, v7  }
.Ltmp1:
0xb8: {  	v2 =	vld [tilespmem:s29+$0xD050];
	v5 =	vmax.f32 v5, $0.0e+00;
	v11 =	vadd.f32 v6, v0;
	(pc) =	sbr.rel @p0 .LBB2_5-.Ltmp1, $4  }
0xb9: {  	v3 =	vld [tilespmem:s29+$0xD040];
	v6 =	vadd.f32 v7, v4;
	v7 =	vmul.f32 v5, v9  }
0xba: {  	v4 =	vld [tilespmem:s29+$0xD030];
	v9 =	vmax.f32 v11, $0.0e+00;
	v0 =	vmov v10  }
0xbb: {  	v5 =	vld [tilespmem:s29+$0xD020];
	v7 =	vadd.f32 v7, v6;
	v8 =	vmul.f32 v9, v8  }
0xbc: {  	s30 =	sadd.s32 $0x200, s30;
	v6 =	vld [tilespmem:s29+$0xD000]  }
0xbd: {  	v9 =	vld [tilespmem:s29+$0x11000];
	v7 =	vadd.f32 v8, v7  }
0xbe: {  	v52 =	vld [tilespmem:s29+$0xD010]  }
0xbf: {  	v10 =	vld [tilespmem:s29+$0x11010];
	[tilespmem:s28+$0x19000] =	vst v7  }
0xc0: {  	v7 =	vld [tilespmem:$0x1D000]  }
0xc1: {  	v11 =	vld [tilespmem:s29+$0x11020]  }
0xc2: {  	v53 =	vld [tilespmem:$0x1D010];
	v6 =	vadd.f32 v9, v6  }
0xc3: {  	v12 =	vld [tilespmem:s29+$0x11030]  }
0xc4: {  	v54 =	vld [tilespmem:$0x1D020];
	v8 =	vadd.f32 v10, v52;
	v6 =	vmax.f32 v6, $0.0e+00  }
0xc5: {  	v55 =	vld [tilespmem:s29+$0x11040];
	v6 =	vmul.f32 v6, v7  }
0xc6: {  	v56 =	vld [tilespmem:$0x1D030];
	v8 =	vmax.f32 v8, $0.0e+00;
	v5 =	vadd.f32 v11, v5  }
0xc7: {  	v57 =	vld [tilespmem:s29+$0x11050];
	v8 =	vmul.f32 v8, v53;
	v6 =	vadd.f32 $0.0e+00, v6  }
0xc8: {  	v58 =	vld [tilespmem:$0x1D040];
	v4 =	vadd.f32 v12, v4;
	v5 =	vmax.f32 v5, $0.0e+00  }
0xc9: {  	v59 =	vld [tilespmem:s29+$0x11060];
	v5 =	vmul.f32 v5, v54;
	v6 =	vadd.f32 v8, v6  }
0xca: {  	v60 =	vld [tilespmem:$0x1D050];
	v3 =	vadd.f32 v55, v3;
	v4 =	vmax.f32 v4, $0.0e+00  }
0xcb: {  	v61 =	vld [tilespmem:s29+$0x11070];
	v4 =	vmul.f32 v4, v56;
	v5 =	vadd.f32 v5, v6  }
0xcc: {  	v62 =	vld [tilespmem:$0x1D060];
	v2 =	vadd.f32 v57, v2;
	v3 =	vmax.f32 v3, $0.0e+00  }
0xcd: {  	v3 =	vmul.f32 v3, v58;
	v4 =	vadd.f32 v4, v5  }
0xce: {  	v63 =	vld [tilespmem:$0x1D070];
	v1 =	vadd.f32 v59, v1;
	v2 =	vmax.f32 v2, $0.0e+00  }
0xcf: {  	v2 =	vmul.f32 v2, v60;
	v3 =	vadd.f32 v3, v4  }
0xd0: {  	v0 =	vadd.f32 v61, v0;
	v1 =	vmax.f32 v1, $0.0e+00  }
0xd1: {  	v1 =	vmul.f32 v1, v62;
	v2 =	vadd.f32 v2, v3  }
0xd2: {  	v0 =	vmax.f32 v0, $0.0e+00  }
0xd3: {  	v0 =	vmul.f32 v0, v63;
	v1 =	vadd.f32 v1, v2  }
0xd4: {  	s26 =	sshll.u32 s26, $0xE  }
0xd5: {  	s26 =	sadd.s32 s9, s26;
	v0 =	vadd.f32 v0, v1  }
0xd6: {  	s26 =	sshrl.u32 s26, $0x3  }
0xd7: {  	s25 =	sadd.s32 $0x1, s25;
	s26 =	sadd.s32 s6, s26;
	[tilespmem:s29+$0x19000] =	vst v0  }
0xd8: {  	[hbm4b:s26+s3] =	stream.linear.scatter [tilespmem:s22], [sflag:$0x3], $0x3E80, $0x38;
	[tilespmem:$0x1D080] =	vst v63  }
0xd9: {  	p0 =	sne.s32 s25, $0x28;
	_ =	swait.ge [sflag:s23], $0x3E80  }
.Ltmp2:
0xda: {  	[sflag:s23] =	ssyncset.done $0x0;
	(pc) =	sbr.rel @p0 .LBB2_2-.Ltmp2, $4  }
0xdb: {  	[sflag:s23] =	ssyncadd.s32 $0xFFFFC180  }
0xdc: {  	_ =	swait.ge [sflag:s23], $0x3E80  }
0xdd: {  	[sflag:s23] =	ssyncset.done $0x0  }
0xde: {  	[sflag:s23] =	ssyncadd.s32 $0xFFFFC180  }
0xdf: {  	s24 =	sadd.s32 $0x1, s24  }
0xe0: {  	p0 =	sne.s32 s24, s10  }
.Ltmp3:
0xe1: {  	_ = 	snop;
	(pc) =	sbr.rel @p0 .LBB2_1-.Ltmp3, $1  }
0xe2: {  	_ =	sdelay $0x3  }
0xe3: {  	_ =	sfence.sel $0x180000  }
0xe4: {  	[bflag:$0x0] =	sbarrier.arrive $0xFFFF  }
0xe5: {  	p0 =	sne.s32 s0, $0x0;
	_ =	strace $0x9000004D  }
0xe6: {  	s0 =	sadd.s32 @!p0 $0x100000, s1;
	[bflag:$0x2] =	sbarrier.arrive $0xFFFF  }
0xe7: {  	[sflag:s0] =	ssyncadd.tile.s32 @!p0 $0x1;
	_ =	shalt  }
.Lfunc_end2:
_tile_overlayer_lowered:
.L_overlay_start_2:
0xe8: {  	(tag) =	ssettag $0x2  }
0xe9: {  	s0 =	rddreg [dreg:$0x0];
	s2 =	stileid.u32  }
0xea: {  	s1 =	rddreg [dreg:$0x1];
	p0 =	sne.s32 s2, $0x0  }
0xeb: {  	s3 =	rddreg [dreg:$0x2];
	[bflag:$0x3] =	sbarrier.arrive $0xFFFF;
	s2 =	simm.s32 @!p0 $0x1C04  }
0xec: {  	[timem:s3], [sflag:s2] =	dma.local @!p0 [hbm:s0], s1  }
0xed: {  	s0 =	simm.s32 @!p0 $0x4  }
0xee: {  	_ =	swait.ge @!p0 [sflag:s0], s1  }
0xef: {  	s1 =	ssub.s32 @!p0 $0x0, s1;
	[sflag:s0] =	ssyncset.done @!p0 $0x0  }
0xf0: {  	[sflag:s0] =	ssyncadd.s32 @!p0 s1  }
0xf1: {  	[bflag:$0x3] =	sbarrier.arrive $0xFFFF  }
0xf2: {  	_ =	shalt  }

</sc_bundles>
